<compile_context>
chip_gen: v7x
topology: tpu7x:2x2x1
jax: 0.10.2.dev20260603
libtpu: 0.0.44.dev20260713+nightly
codegen_flags: <defaults>
</compile_context>

<pallas_src>
import functools

import jax
import jax.numpy as jnp
from jax import lax
from jax.experimental import pallas as pl
from jax.experimental.pallas import tpu as pltpu
from jax.experimental.pallas import tpu_sc as plsc

_L = 16


def _lin_body(x_ref, wut_ref, bu_ref, wvt_ref, bv_ref, u_ref, v_ref):
    x = x_ref[...]
    u_ref[...] = jnp.dot(x, wut_ref[...], preferred_element_type=jnp.float32) + bu_ref[...]
    v_ref[...] = jnp.dot(x, wvt_ref[...], preferred_element_type=jnp.float32) + bv_ref[...]


def _linear_uv(feature, WuT, bu, WvT, bv):
    n, d = feature.shape
    blk = 1000
    grid = n // blk
    out = jax.ShapeDtypeStruct((n, d), jnp.float32)
    return pl.pallas_call(
        _lin_body,
        grid=(grid,),
        in_specs=[
            pl.BlockSpec((blk, d), lambda i: (i, 0)),
            pl.BlockSpec((d, d), lambda i: (0, 0)),
            pl.BlockSpec((1, d), lambda i: (0, 0)),
            pl.BlockSpec((d, d), lambda i: (0, 0)),
            pl.BlockSpec((1, d), lambda i: (0, 0)),
        ],
        out_specs=[
            pl.BlockSpec((blk, d), lambda i: (i, 0)),
            pl.BlockSpec((blk, d), lambda i: (i, 0)),
        ],
        out_shape=[out, out],
    )(feature, WuT, bu.reshape(1, d), WvT, bv.reshape(1, d))



def _sc_geometry(N, A):
    info = plsc.get_sparse_core_info()
    NC, NS = info.num_cores, info.num_subcores
    NW = NC * NS
    CN = 4
    C = CN * A
    NPW = -(-N // NW)
    NCHUNK = 2 * (-(-NPW // (2 * CN)))
    NPW_PAD = NCHUNK * CN
    return NC, NW, CN, C, NPW, NCHUNK, NPW_PAD


def _make_sc_kernel(N, D, A):
    NC, NW, CN, C, NPW, NCHUNK, NPW_PAD = _sc_geometry(N, A)
    ND = D // _L
    EPW = NCHUNK * C

    mesh = plsc.VectorSubcoreMesh(core_axis_name="c", subcore_axis_name="s")
    f32, i32 = jnp.float32, jnp.int32

    @functools.partial(
        pl.kernel,
        out_type=(
            jax.ShapeDtypeStruct((NW * NPW_PAD * A,), f32),
            jax.ShapeDtypeStruct((NW * NPW_PAD * D,), f32),
        ),
        mesh=mesh,
        scratch_types=[
            pltpu.VMEM((EPW,), i32),
            pltpu.VMEM((EPW,), i32),
            pltpu.VMEM((EPW,), i32),
            pltpu.VMEM((EPW,), f32),
            pltpu.VMEM((C, D), f32),
            pltpu.VMEM((C, D), f32),
            pltpu.VMEM((C, D), f32),
            pltpu.VMEM((C, D), f32),
            pltpu.VMEM((D,), f32),
            pltpu.VMEM((_L,), f32),
            pltpu.VMEM((CN * A,), f32),
            pltpu.VMEM((CN * A,), f32),
            pltpu.VMEM((CN * D,), f32),
            pltpu.VMEM((CN * D,), f32),
            pltpu.VMEM((4 * _L * _L,), f32),
            pltpu.SemaphoreType.DMA,
            pltpu.SemaphoreType.DMA,
            pltpu.SemaphoreType.DMA,
            pltpu.SemaphoreType.DMA,
            pltpu.SemaphoreType.DMA,
        ],
        compiler_params=pltpu.CompilerParams(needs_layout_passes=False,
                                             use_tc_tiling_on_sc=False),
    )
    def sc_kernel(u_hbm, v_hbm, src_hbm, dst_hbm, spd_hbm, anc_hbm, wo_hbm,
                  bo_hbm, pos_out, str_out,
                  eid_all, src_all, dst_all, spd_all,
                  u_b0, u_b1, v_b0, v_b1, wo_v, bo_v,
                  pos_b0, pos_b1, str_b0, str_b1, pstage,
                  sem_idx, sem_r0, sem_r1, sem_o0, sem_o1):
        u_b, v_b = (u_b0, u_b1), (v_b0, v_b1)
        pos_b, str_b = (pos_b0, pos_b1), (str_b0, str_b1)
        sem_r, sem_o = (sem_r0, sem_r1), (sem_o0, sem_o1)

        wid = lax.axis_index("s") * NC + lax.axis_index("c")
        e0 = wid * NPW * A
        row0 = wid * NPW_PAD

        pltpu.sync_copy(wo_hbm, wo_v)
        pltpu.sync_copy(bo_hbm, bo_v)
        bo_vec = bo_v[pl.ds(0, _L)]
        wo_regs = [wo_v[pl.ds(d * _L, _L)] for d in range(ND)]
        zero = jnp.zeros((_L,), f32)
        col_idx = [jnp.arange(_L, dtype=i32) * _L + l for l in range(_L)]

        pltpu.sync_copy(anc_hbm.at[pl.ds(e0, EPW)], eid_all)

        def idx_descs(c):
            s = pl.ds(c * C, C)
            idx = eid_all.at[s]
            return (pltpu.make_async_copy(src_hbm.at[idx], src_all.at[s], sem_idx),
                    pltpu.make_async_copy(dst_hbm.at[idx], dst_all.at[s], sem_idx),
                    pltpu.make_async_copy(spd_hbm.at[idx], spd_all.at[s], sem_idx))

        def fire_idx(c, _):
            s = pl.ds(c * C, C)
            idx = eid_all.at[s]
            pltpu.async_copy(src_hbm.at[idx], src_all.at[s], sem_idx)
            pltpu.async_copy(dst_hbm.at[idx], dst_all.at[s], sem_idx)
            pltpu.async_copy(spd_hbm.at[idx], spd_all.at[s], sem_idx)
            return 0

        lax.fori_loop(0, NCHUNK, fire_idx, 0)

        def drain_idx(c):
            for cp in idx_descs(c):
                cp.wait()

        def rows_desc(c, b):
            s = pl.ds(c * C, C)
            return (pltpu.make_async_copy(u_hbm.at[src_all.at[s]], u_b[b], sem_r[b]),
                    pltpu.make_async_copy(v_hbm.at[dst_all.at[s]], v_b[b], sem_r[b]))

        def out_desc(c, b):
            r = row0 + c * CN
            dp = pl.ds(r * A, CN * A)
            ds_ = pl.ds(r * D, CN * D)
            return (pltpu.make_async_copy(pos_b[b], pos_out.at[dp], sem_o[b]),
                    pltpu.make_async_copy(str_b[b], str_out.at[ds_], sem_o[b]))

        for b in range(2):
            drain_idx(b)
            for cp in rows_desc(b, b):
                cp.start()

        def compute_chunk(c, b):
            ub, vb, pb, sb = u_b[b], v_b[b], pos_b[b], str_b[b]

            def node_body(j, _):
                def ent_body(a2, acc):
                    i = j * A + a2
                    spd_s = plsc.load_gather(
                        spd_all, [jnp.full((_L,), c * C + i, i32)])
                    pvec = zero
                    nacc = []
                    for d in range(ND):
                        u = ub[i, pl.ds(d * _L, _L)]
                        v = vb[i, pl.ds(d * _L, _L)]
                        m = jnp.maximum(u * spd_s + v, 0.0)
                        nacc.append(acc[d] + m)
                        pvec = pvec + m * wo_regs[d]
                    pstage[pl.ds((a2 % _L) * _L, _L)] = pvec
                    return tuple(nacc)

                acc = (zero,) * ND
                for g in range(A // _L):
                    acc = lax.fori_loop(g * _L, (g + 1) * _L, ent_body, acc)
                    colsum = bo_vec
                    for l in range(_L):
                        colsum = colsum + plsc.load_gather(pstage, [col_idx[l]])
                    pb[pl.ds(j * A + g * _L, _L)] = colsum
                for d in range(ND):
                    sb[pl.ds(j * D + d * _L, _L)] = acc[d] * (1.0 / A)
                return 0

            lax.fori_loop(0, CN, node_body, 0)

        def pair_body(it, _):
            for b in range(2):
                c = 2 * it + b

                @pl.when(c >= 2)
                def _():
                    for cp in out_desc(c - 2, b):
                        cp.wait()

                for cp in rows_desc(c, b):
                    cp.wait()
                compute_chunk(c, b)
                for cp in out_desc(c, b):
                    cp.start()

                @pl.when(c + 2 < NCHUNK)
                def _():
                    drain_idx(c + 2)
                    for cp in rows_desc(c + 2, b):
                        cp.start()
            return 0

        lax.fori_loop(0, NCHUNK // 2, pair_body, 0)

        for b in range(2):
            for cp in out_desc(NCHUNK - 2 + b, b):
                cp.wait()

    return sc_kernel



def kernel(feature, edge_index, sp_dist, anchor_eid, dists_max, Wu, bu, Wv, bv, Wo, bo):
    N, D = feature.shape
    E = edge_index.shape[1]
    A = dists_max.shape[1]
    NC, NW, CN, C, NPW, NCHUNK, NPW_PAD = _sc_geometry(N, A)

    u_feat, v_feat = _linear_uv(feature, Wu.T, bu, Wv.T, bv)

    src = edge_index[0]
    dst = edge_index[1]
    spd = sp_dist.reshape(E)
    wo = Wo.reshape(D)
    bo_pad = jnp.full((_L,), bo[0], dtype=jnp.float32)

    anc = anchor_eid.reshape(N * A)
    need = (NW - 1) * NPW * A + NPW_PAD * A
    anc = jnp.pad(anc, (0, need - N * A))

    sc = _make_sc_kernel(N, D, A)
    pos_pad, str_pad = sc(u_feat, v_feat, src, dst, spd, anc, wo, bo_pad)

    pos = pos_pad.reshape(NW, NPW_PAD, A)[:, :NPW].reshape(NW * NPW, A)[:N]
    struct = str_pad.reshape(NW, NPW_PAD, D)[:, :NPW].reshape(NW * NPW, D)[:N]
    return pos, struct

# --- scband reference (transcript-rebuilt; emitter-appended) ---
"""Pipeline reference for scband-pgnnlayer-5634997092467 (READ-ONLY COPY).

The authoritative reference and input builder live on the scoring server;
editing this copy changes nothing except your own understanding.
"""

import jax, jax.numpy as jnp
import numpy as np


def setup_inputs(seed: int = 0) -> dict:
    key = jax.random.key(seed)
    ks = jax.random.split(key, 12)
    N, E, D, A = 10000, 320000, 128, 32
    feature = jax.random.normal(ks[0], (N, D), dtype=jnp.float32)
    edge_index = jax.random.randint(ks[1], (2, E), 0, N, dtype=jnp.int32)
    sp_dist = jax.random.uniform(ks[2], (E, 1), dtype=jnp.float32)
    anchor_eid = jax.random.randint(ks[3], (N * A,), 0, E, dtype=jnp.int32)
    dists_max = jax.random.uniform(ks[4], (N, A), dtype=jnp.float32)
    s = 1.0 / np.sqrt(D)
    Wu = jax.random.uniform(ks[5], (D, D), minval=-s, maxval=s, dtype=jnp.float32)
    bu = jax.random.uniform(ks[6], (D,), minval=-s, maxval=s, dtype=jnp.float32)
    Wv = jax.random.uniform(ks[7], (D, D), minval=-s, maxval=s, dtype=jnp.float32)
    bv = jax.random.uniform(ks[8], (D,), minval=-s, maxval=s, dtype=jnp.float32)
    so = 1.0 / np.sqrt(D)
    Wo = jax.random.uniform(ks[9], (1, D), minval=-so, maxval=so, dtype=jnp.float32)
    bo = jax.random.uniform(ks[10], (1,), minval=-so, maxval=so, dtype=jnp.float32)
    return {"feature": feature, "edge_index": edge_index, "sp_dist": sp_dist,
            "anchor_eid": anchor_eid, "dists_max": dists_max,
            "Wu": Wu, "bu": bu, "Wv": Wv, "bv": bv, "Wo": Wo, "bo": bo}


def reference(feature, edge_index, sp_dist, anchor_eid, dists_max, Wu, bu, Wv, bv, Wo, bo):
    # linear_hidden_u / linear_hidden_v
    u_feat = feature @ Wu.T + bu
    v_feat = feature @ Wv.T + bv
    src = edge_index[0]
    dst = edge_index[1]
    # fn.u_mul_e('u_feat', 'sp_dist', 'u_message'): gather src feats, multiply by edge scalar
    u_message = jnp.take(u_feat, src, axis=0) * sp_dist
    # fn.v_add_e('v_feat', 'u_message', 'message'): gather dst feats, add edge message
    message = jnp.take(v_feat, dst, axis=0) + u_message
    # index_select along edge dim by anchor_eid, reshape to [N, n_anchors, D]
    messages = jnp.take(message, anchor_eid, axis=0)
    messages = messages.reshape(dists_max.shape[0], dists_max.shape[1], messages.shape[-1])
    messages = jax.nn.relu(messages)
    out_position = (messages @ Wo.T + bo).squeeze(-1)
    out_structure = jnp.mean(messages, axis=1)
    return (out_position, out_structure)

if __name__ == "__main__":
    import jax
    _d = setup_inputs()
    print(jax.jit(kernel)(*tuple(_d.values())))

</pallas_src>

<mosaic_0001>
#map = affine_map<(d0, d1) -> (0, 0)>
#map1 = affine_map<(d0, d1) -> (0)>
module attributes {stable_mosaic.version = 14 : i64} {
  func.func @sc_kernel(%arg0: i32, %arg1: i32, %arg2: memref<10000x128xf32, #tpu.memory_space<hbm>>, %arg3: memref<10000x128xf32, #tpu.memory_space<hbm>>, %arg4: memref<320000xi32, #tpu.memory_space<hbm>>, %arg5: memref<320000xi32, #tpu.memory_space<hbm>>, %arg6: memref<320000xf32, #tpu.memory_space<hbm>>, %arg7: memref<320736xi32, #tpu.memory_space<hbm>>, %arg8: memref<128xf32, #tpu.memory_space<hbm>>, %arg9: memref<16xf32, #tpu.memory_space<hbm>>, %arg10: memref<327680xf32, #tpu.memory_space<hbm>>, %arg11: memref<1310720xf32, #tpu.memory_space<hbm>>, %arg12: memref<10240xi32, #tpu.memory_space<vmem>>, %arg13: memref<10240xi32, #tpu.memory_space<vmem>>, %arg14: memref<10240xi32, #tpu.memory_space<vmem>>, %arg15: memref<10240xf32, #tpu.memory_space<vmem>>, %arg16: memref<128x128xf32, #tpu.memory_space<vmem>>, %arg17: memref<128x128xf32, #tpu.memory_space<vmem>>, %arg18: memref<128x128xf32, #tpu.memory_space<vmem>>, %arg19: memref<128x128xf32, #tpu.memory_space<vmem>>, %arg20: memref<128xf32, #tpu.memory_space<vmem>>, %arg21: memref<16xf32, #tpu.memory_space<vmem>>, %arg22: memref<128xf32, #tpu.memory_space<vmem>>, %arg23: memref<128xf32, #tpu.memory_space<vmem>>, %arg24: memref<512xf32, #tpu.memory_space<vmem>>, %arg25: memref<512xf32, #tpu.memory_space<vmem>>, %arg26: memref<1024xf32, #tpu.memory_space<vmem>>, %arg27: memref<!tpu.dma_semaphore, #tpu.memory_space<semaphore_mem>>, %arg28: memref<!tpu.dma_semaphore, #tpu.memory_space<semaphore_mem>>, %arg29: memref<!tpu.dma_semaphore, #tpu.memory_space<semaphore_mem>>, %arg30: memref<!tpu.dma_semaphore, #tpu.memory_space<semaphore_mem>>, %arg31: memref<!tpu.dma_semaphore, #tpu.memory_space<semaphore_mem>>) attributes {dimension_semantics = [#tpu.dimension_semantics<core_parallel>, #tpu.dimension_semantics<subcore_parallel>], iteration_bounds = array<i64: 2, 16>, scalar_prefetch = 0 : i64, scratch_operands = 20 : i64, tpu.core_type = #tpu.core_type<sc_vector_subcore>, window_params = [{transform_indices = #map}, {transform_indices = #map}, {transform_indices = #map1}, {transform_indices = #map1}, {transform_indices = #map1}, {transform_indices = #map1}, {transform_indices = #map1}, {transform_indices = #map1}, {transform_indices = #map1}, {transform_indices = #map1}]} {
    %mul3A = arith.constant 2 : i32
    %mul3A_0 = arith.muli %arg1, %mul3A : i32
    %add3A = arith.addi %mul3A_0, %arg0 : i32
    %mul3A_1 = arith.constant 313 : i32
    %mul3A_2 = arith.muli %add3A, %mul3A_1 : i32
    %mul3A_3 = arith.constant 32 : i32
    %mul3A_4 = arith.muli %mul3A_2, %mul3A_3 : i32
    %mul3A_5 = arith.constant 320 : i32
    %mul3A_6 = arith.muli %add3A, %mul3A_5 : i32
    "tpu.region"() ({
      %run_scoped3A = tpu.sem_alloc : memref<!tpu.dma_semaphore, #tpu.memory_space<semaphore_mem>>
      tpu.enqueue_dma source(%arg8 : memref<128xf32, #tpu.memory_space<hbm>>) target(%arg20 : memref<128xf32, #tpu.memory_space<vmem>>) target_semaphore(%run_scoped3A : memref<!tpu.dma_semaphore, #tpu.memory_space<semaphore_mem>>)
      tpu.wait_dma2 semaphore(%run_scoped3A : memref<!tpu.dma_semaphore, #tpu.memory_space<semaphore_mem>>) src(%arg8 : memref<128xf32, #tpu.memory_space<hbm>>) dst(%arg20 : memref<128xf32, #tpu.memory_space<vmem>>)
      tpu.yield
    }) : () -> ()
    "tpu.region"() ({
      %run_scoped3A = tpu.sem_alloc : memref<!tpu.dma_semaphore, #tpu.memory_space<semaphore_mem>>
      tpu.enqueue_dma source(%arg9 : memref<16xf32, #tpu.memory_space<hbm>>) target(%arg21 : memref<16xf32, #tpu.memory_space<vmem>>) target_semaphore(%run_scoped3A : memref<!tpu.dma_semaphore, #tpu.memory_space<semaphore_mem>>)
      tpu.wait_dma2 semaphore(%run_scoped3A : memref<!tpu.dma_semaphore, #tpu.memory_space<semaphore_mem>>) src(%arg9 : memref<16xf32, #tpu.memory_space<hbm>>) dst(%arg21 : memref<16xf32, #tpu.memory_space<vmem>>)
      tpu.yield
    }) : () -> ()
    %get3A = arith.constant 0 : index
    %get3A_7 = tpu.vector_load %arg21[%get3A] {strides = array<i32>} : memref<16xf32, #tpu.memory_space<vmem>>, vector<16xf32>,
    %get3A_8 = arith.constant 0 : index
    %get3A_9 = tpu.vector_load %arg20[%get3A_8] {strides = array<i32>} : memref<128xf32, #tpu.memory_space<vmem>>, vector<16xf32>,
    %get3A_10 = arith.constant 16 : index
    %get3A_11 = tpu.vector_load %arg20[%get3A_10] {strides = array<i32>} : memref<128xf32, #tpu.memory_space<vmem>>, vector<16xf32>,
    %get3A_12 = arith.constant 32 : index
    %get3A_13 = tpu.vector_load %arg20[%get3A_12] {strides = array<i32>} : memref<128xf32, #tpu.memory_space<vmem>>, vector<16xf32>,
    %get3A_14 = arith.constant 48 : index
    %get3A_15 = tpu.vector_load %arg20[%get3A_14] {strides = array<i32>} : memref<128xf32, #tpu.memory_space<vmem>>, vector<16xf32>,
    %get3A_16 = arith.constant 64 : index
    %get3A_17 = tpu.vector_load %arg20[%get3A_16] {strides = array<i32>} : memref<128xf32, #tpu.memory_space<vmem>>, vector<16xf32>,
    %get3A_18 = arith.constant 80 : index
    %get3A_19 = tpu.vector_load %arg20[%get3A_18] {strides = array<i32>} : memref<128xf32, #tpu.memory_space<vmem>>, vector<16xf32>,
    %get3A_20 = arith.constant 96 : index
    %get3A_21 = tpu.vector_load %arg20[%get3A_20] {strides = array<i32>} : memref<128xf32, #tpu.memory_space<vmem>>, vector<16xf32>,
    %get3A_22 = arith.constant 112 : index
    %get3A_23 = tpu.vector_load %arg20[%get3A_22] {strides = array<i32>} : memref<128xf32, #tpu.memory_space<vmem>>, vector<16xf32>,
    %broadcast_in_dim3A = arith.constant 0.000000e+00 : f32
    %broadcast_in_dim3A_24 = vector.broadcast %broadcast_in_dim3A : f32 to vector<16xf32>
    %iota3A = tpu.iota {dimensions = array<i32: 0>} : vector<16xi32>
    %mul3A_25 = arith.constant 16 : i32
    %mul3A_26 = vector.broadcast %mul3A_25 : i32 to vector<16xi32>
    %mul3A_27 = arith.muli %iota3A, %mul3A_26 : vector<16xi32>
    %add3A_28 = arith.constant 0 : i32
    %add3A_29 = vector.broadcast %add3A_28 : i32 to vector<16xi32>
    %add3A_30 = arith.addi %mul3A_27, %add3A_29 : vector<16xi32>
    %iota3A_31 = tpu.iota {dimensions = array<i32: 0>} : vector<16xi32>
    %mul3A_32 = arith.constant 16 : i32
    %mul3A_33 = vector.broadcast %mul3A_32 : i32 to vector<16xi32>
    %mul3A_34 = arith.muli %iota3A_31, %mul3A_33 : vector<16xi32>
    %add3A_35 = arith.constant 1 : i32
    %add3A_36 = vector.broadcast %add3A_35 : i32 to vector<16xi32>
    %add3A_37 = arith.addi %mul3A_34, %add3A_36 : vector<16xi32>
    %iota3A_38 = tpu.iota {dimensions = array<i32: 0>} : vector<16xi32>
    %mul3A_39 = arith.constant 16 : i32
    %mul3A_40 = vector.broadcast %mul3A_39 : i32 to vector<16xi32>
    %mul3A_41 = arith.muli %iota3A_38, %mul3A_40 : vector<16xi32>
    %add3A_42 = arith.constant 2 : i32
    %add3A_43 = vector.broadcast %add3A_42 : i32 to vector<16xi32>
    %add3A_44 = arith.addi %mul3A_41, %add3A_43 : vector<16xi32>
    %iota3A_45 = tpu.iota {dimensions = array<i32: 0>} : vector<16xi32>
    %mul3A_46 = arith.constant 16 : i32
    %mul3A_47 = vector.broadcast %mul3A_46 : i32 to vector<16xi32>
    %mul3A_48 = arith.muli %iota3A_45, %mul3A_47 : vector<16xi32>
    %add3A_49 = arith.constant 3 : i32
    %add3A_50 = vector.broadcast %add3A_49 : i32 to vector<16xi32>
    %add3A_51 = arith.addi %mul3A_48, %add3A_50 : vector<16xi32>
    %iota3A_52 = tpu.iota {dimensions = array<i32: 0>} : vector<16xi32>
    %mul3A_53 = arith.constant 16 : i32
    %mul3A_54 = vector.broadcast %mul3A_53 : i32 to vector<16xi32>
    %mul3A_55 = arith.muli %iota3A_52, %mul3A_54 : vector<16xi32>
    %add3A_56 = arith.constant 4 : i32
    %add3A_57 = vector.broadcast %add3A_56 : i32 to vector<16xi32>
    %add3A_58 = arith.addi %mul3A_55, %add3A_57 : vector<16xi32>
    %iota3A_59 = tpu.iota {dimensions = array<i32: 0>} : vector<16xi32>
    %mul3A_60 = arith.constant 16 : i32
    %mul3A_61 = vector.broadcast %mul3A_60 : i32 to vector<16xi32>
    %mul3A_62 = arith.muli %iota3A_59, %mul3A_61 : vector<16xi32>
    %add3A_63 = arith.constant 5 : i32
    %add3A_64 = vector.broadcast %add3A_63 : i32 to vector<16xi32>
    %add3A_65 = arith.addi %mul3A_62, %add3A_64 : vector<16xi32>
    %iota3A_66 = tpu.iota {dimensions = array<i32: 0>} : vector<16xi32>
    %mul3A_67 = arith.constant 16 : i32
    %mul3A_68 = vector.broadcast %mul3A_67 : i32 to vector<16xi32>
    %mul3A_69 = arith.muli %iota3A_66, %mul3A_68 : vector<16xi32>
    %add3A_70 = arith.constant 6 : i32
    %add3A_71 = vector.broadcast %add3A_70 : i32 to vector<16xi32>
    %add3A_72 = arith.addi %mul3A_69, %add3A_71 : vector<16xi32>
    %iota3A_73 = tpu.iota {dimensions = array<i32: 0>} : vector<16xi32>
    %mul3A_74 = arith.constant 16 : i32
    %mul3A_75 = vector.broadcast %mul3A_74 : i32 to vector<16xi32>
    %mul3A_76 = arith.muli %iota3A_73, %mul3A_75 : vector<16xi32>
    %add3A_77 = arith.constant 7 : i32
    %add3A_78 = vector.broadcast %add3A_77 : i32 to vector<16xi32>
    %add3A_79 = arith.addi %mul3A_76, %add3A_78 : vector<16xi32>
    %iota3A_80 = tpu.iota {dimensions = array<i32: 0>} : vector<16xi32>
    %mul3A_81 = arith.constant 16 : i32
    %mul3A_82 = vector.broadcast %mul3A_81 : i32 to vector<16xi32>
    %mul3A_83 = arith.muli %iota3A_80, %mul3A_82 : vector<16xi32>
    %add3A_84 = arith.constant 8 : i32
    %add3A_85 = vector.broadcast %add3A_84 : i32 to vector<16xi32>
    %add3A_86 = arith.addi %mul3A_83, %add3A_85 : vector<16xi32>
    %iota3A_87 = tpu.iota {dimensions = array<i32: 0>} : vector<16xi32>
    %mul3A_88 = arith.constant 16 : i32
    %mul3A_89 = vector.broadcast %mul3A_88 : i32 to vector<16xi32>
    %mul3A_90 = arith.muli %iota3A_87, %mul3A_89 : vector<16xi32>
    %add3A_91 = arith.constant 9 : i32
    %add3A_92 = vector.broadcast %add3A_91 : i32 to vector<16xi32>
    %add3A_93 = arith.addi %mul3A_90, %add3A_92 : vector<16xi32>
    %iota3A_94 = tpu.iota {dimensions = array<i32: 0>} : vector<16xi32>
    %mul3A_95 = arith.constant 16 : i32
    %mul3A_96 = vector.broadcast %mul3A_95 : i32 to vector<16xi32>
    %mul3A_97 = arith.muli %iota3A_94, %mul3A_96 : vector<16xi32>
    %add3A_98 = arith.constant 10 : i32
    %add3A_99 = vector.broadcast %add3A_98 : i32 to vector<16xi32>
    %add3A_100 = arith.addi %mul3A_97, %add3A_99 : vector<16xi32>
    %iota3A_101 = tpu.iota {dimensions = array<i32: 0>} : vector<16xi32>
    %mul3A_102 = arith.constant 16 : i32
    %mul3A_103 = vector.broadcast %mul3A_102 : i32 to vector<16xi32>
    %mul3A_104 = arith.muli %iota3A_101, %mul3A_103 : vector<16xi32>
    %add3A_105 = arith.constant 11 : i32
    %add3A_106 = vector.broadcast %add3A_105 : i32 to vector<16xi32>
    %add3A_107 = arith.addi %mul3A_104, %add3A_106 : vector<16xi32>
    %iota3A_108 = tpu.iota {dimensions = array<i32: 0>} : vector<16xi32>
    %mul3A_109 = arith.constant 16 : i32
    %mul3A_110 = vector.broadcast %mul3A_109 : i32 to vector<16xi32>
    %mul3A_111 = arith.muli %iota3A_108, %mul3A_110 : vector<16xi32>
    %add3A_112 = arith.constant 12 : i32
    %add3A_113 = vector.broadcast %add3A_112 : i32 to vector<16xi32>
    %add3A_114 = arith.addi %mul3A_111, %add3A_113 : vector<16xi32>
    %iota3A_115 = tpu.iota {dimensions = array<i32: 0>} : vector<16xi32>
    %mul3A_116 = arith.constant 16 : i32
    %mul3A_117 = vector.broadcast %mul3A_116 : i32 to vector<16xi32>
    %mul3A_118 = arith.muli %iota3A_115, %mul3A_117 : vector<16xi32>
    %add3A_119 = arith.constant 13 : i32
    %add3A_120 = vector.broadcast %add3A_119 : i32 to vector<16xi32>
    %add3A_121 = arith.addi %mul3A_118, %add3A_120 : vector<16xi32>
    %iota3A_122 = tpu.iota {dimensions = array<i32: 0>} : vector<16xi32>
    %mul3A_123 = arith.constant 16 : i32
    %mul3A_124 = vector.broadcast %mul3A_123 : i32 to vector<16xi32>
    %mul3A_125 = arith.muli %iota3A_122, %mul3A_124 : vector<16xi32>
    %add3A_126 = arith.constant 14 : i32
    %add3A_127 = vector.broadcast %add3A_126 : i32 to vector<16xi32>
    %add3A_128 = arith.addi %mul3A_125, %add3A_127 : vector<16xi32>
    %iota3A_129 = tpu.iota {dimensions = array<i32: 0>} : vector<16xi32>
    %mul3A_130 = arith.constant 16 : i32
    %mul3A_131 = vector.broadcast %mul3A_130 : i32 to vector<16xi32>
    %mul3A_132 = arith.muli %iota3A_129, %mul3A_131 : vector<16xi32>
    %add3A_133 = arith.constant 15 : i32
    %add3A_134 = vector.broadcast %add3A_133 : i32 to vector<16xi32>
    %add3A_135 = arith.addi %mul3A_132, %add3A_134 : vector<16xi32>
    "tpu.region"() ({
      %run_scoped3A = tpu.sem_alloc : memref<!tpu.dma_semaphore, #tpu.memory_space<semaphore_mem>>
      %dma_start3A_223 = tpu.memref_slice %arg7[%mul3A_4] : memref<320736xi32, #tpu.memory_space<hbm>> -> memref<10240xi32, #tpu.memory_space<hbm>>
      %dma_start3A_224 = tpu.memref_slice %arg7[%mul3A_4] : memref<320736xi32, #tpu.memory_space<hbm>> -> memref<10240xi32, #tpu.memory_space<hbm>>
      tpu.enqueue_dma source(%dma_start3A_224 : memref<10240xi32, #tpu.memory_space<hbm>>) target(%arg12 : memref<10240xi32, #tpu.memory_space<vmem>>) target_semaphore(%run_scoped3A : memref<!tpu.dma_semaphore, #tpu.memory_space<semaphore_mem>>)
      %dma_wait3A_225 = tpu.memref_slice %arg7[%mul3A_4] : memref<320736xi32, #tpu.memory_space<hbm>> -> memref<10240xi32, #tpu.memory_space<hbm>>
      %dma_wait3A_226 = tpu.memref_slice %arg7[%mul3A_4] : memref<320736xi32, #tpu.memory_space<hbm>> -> memref<10240xi32, #tpu.memory_space<hbm>>
      tpu.wait_dma2 semaphore(%run_scoped3A : memref<!tpu.dma_semaphore, #tpu.memory_space<semaphore_mem>>) src(%dma_wait3A_226 : memref<10240xi32, #tpu.memory_space<hbm>>) dst(%arg12 : memref<10240xi32, #tpu.memory_space<vmem>>)
      tpu.yield
    }) : () -> ()
    %scan3A = arith.constant 0 : i32
    %scan3A_136 = arith.constant 0 : i32
    %scan3A_137 = arith.constant 80 : i32
    %scan3A_138 = arith.addi %scan3A_136, %scan3A_137 : i32
    %scan3A_139 = arith.constant 1 : i32
    %scan3A_140 = scf.for %scan3A_223 = %scan3A_136 to %scan3A_138 step %scan3A_139 iter_args(%scan3A_224 = %scan3A) -> (i32)  : i32 {
      %mul3A_225 = arith.constant 128 : i32
      %mul3A_226 = arith.muli %scan3A_223, %mul3A_225 : i32
      %dma_start3A_227 = tpu.memref_slice %arg13[%mul3A_226] : memref<10240xi32, #tpu.memory_space<vmem>> -> memref<128xi32, #tpu.memory_space<vmem>>
      %dma_start3A_228 = tpu.memref_slice %arg12[%mul3A_226] : memref<10240xi32, #tpu.memory_space<vmem>> -> memref<128xi32, #tpu.memory_space<vmem>>
      %dma_start3A_229 = arith.constant 0 : i32
      %dma_start3A_230 = tpu.memref_slice %arg4[%dma_start3A_229] : memref<320000xi32, #tpu.memory_space<hbm>> -> memref<320000xi32, #tpu.memory_space<hbm>>
      tpu.enqueue_indirect_dma source(%dma_start3A_230 : memref<320000xi32, #tpu.memory_space<hbm>>) target(%dma_start3A_227 : memref<128xi32, #tpu.memory_space<vmem>>) offsets(%dma_start3A_228 : memref<128xi32, #tpu.memory_space<vmem>>) semaphore(%arg27 : memref<!tpu.dma_semaphore, #tpu.memory_space<semaphore_mem>>)
      %dma_start3A_231 = tpu.memref_slice %arg14[%mul3A_226] : memref<10240xi32, #tpu.memory_space<vmem>> -> memref<128xi32, #tpu.memory_space<vmem>>
      %dma_start3A_232 = tpu.memref_slice %arg12[%mul3A_226] : memref<10240xi32, #tpu.memory_space<vmem>> -> memref<128xi32, #tpu.memory_space<vmem>>
      %dma_start3A_233 = arith.constant 0 : i32
      %dma_start3A_234 = tpu.memref_slice %arg5[%dma_start3A_233] : memref<320000xi32, #tpu.memory_space<hbm>> -> memref<320000xi32, #tpu.memory_space<hbm>>
      tpu.enqueue_indirect_dma source(%dma_start3A_234 : memref<320000xi32, #tpu.memory_space<hbm>>) target(%dma_start3A_231 : memref<128xi32, #tpu.memory_space<vmem>>) offsets(%dma_start3A_232 : memref<128xi32, #tpu.memory_space<vmem>>) semaphore(%arg27 : memref<!tpu.dma_semaphore, #tpu.memory_space<semaphore_mem>>)
      %dma_start3A_235 = tpu.memref_slice %arg15[%mul3A_226] : memref<10240xf32, #tpu.memory_space<vmem>> -> memref<128xf32, #tpu.memory_space<vmem>>
      %dma_start3A_236 = tpu.memref_slice %arg12[%mul3A_226] : memref<10240xi32, #tpu.memory_space<vmem>> -> memref<128xi32, #tpu.memory_space<vmem>>
      %dma_start3A_237 = arith.constant 0 : i32
      %dma_start3A_238 = tpu.memref_slice %arg6[%dma_start3A_237] : memref<320000xf32, #tpu.memory_space<hbm>> -> memref<320000xf32, #tpu.memory_space<hbm>>
      tpu.enqueue_indirect_dma source(%dma_start3A_238 : memref<320000xf32, #tpu.memory_space<hbm>>) target(%dma_start3A_235 : memref<128xf32, #tpu.memory_space<vmem>>) offsets(%dma_start3A_236 : memref<128xi32, #tpu.memory_space<vmem>>) semaphore(%arg27 : memref<!tpu.dma_semaphore, #tpu.memory_space<semaphore_mem>>)
      %scan3A_239 = arith.constant 0 : i32
      scf.yield %scan3A_239 : i32
    }
    %scan3A_141 = arith.constant 80 : i32
    %dma_wait3A = arith.constant 0 : i32
    %dma_wait3A_142 = tpu.memref_slice %arg13[%dma_wait3A] : memref<10240xi32, #tpu.memory_space<vmem>> -> memref<128xi32, #tpu.memory_space<vmem>>
    %dma_wait3A_143 = arith.constant 0 : i32
    %dma_wait3A_144 = tpu.memref_slice %arg12[%dma_wait3A_143] : memref<10240xi32, #tpu.memory_space<vmem>> -> memref<128xi32, #tpu.memory_space<vmem>>
    %dma_wait3A_145 = arith.constant 0 : i32
    %dma_wait3A_146 = tpu.memref_slice %arg4[%dma_wait3A_145] : memref<320000xi32, #tpu.memory_space<hbm>> -> memref<320000xi32, #tpu.memory_space<hbm>>
    tpu.wait_indirect_dma semaphore(%arg27 : memref<!tpu.dma_semaphore, #tpu.memory_space<semaphore_mem>>) src(%dma_wait3A_146 : memref<320000xi32, #tpu.memory_space<hbm>>) dst(%dma_wait3A_142 : memref<128xi32, #tpu.memory_space<vmem>>)
    %dma_wait3A_147 = arith.constant 0 : i32
    %dma_wait3A_148 = tpu.memref_slice %arg14[%dma_wait3A_147] : memref<10240xi32, #tpu.memory_space<vmem>> -> memref<128xi32, #tpu.memory_space<vmem>>
    %dma_wait3A_149 = arith.constant 0 : i32
    %dma_wait3A_150 = tpu.memref_slice %arg12[%dma_wait3A_149] : memref<10240xi32, #tpu.memory_space<vmem>> -> memref<128xi32, #tpu.memory_space<vmem>>
    %dma_wait3A_151 = arith.constant 0 : i32
    %dma_wait3A_152 = tpu.memref_slice %arg5[%dma_wait3A_151] : memref<320000xi32, #tpu.memory_space<hbm>> -> memref<320000xi32, #tpu.memory_space<hbm>>
    tpu.wait_indirect_dma semaphore(%arg27 : memref<!tpu.dma_semaphore, #tpu.memory_space<semaphore_mem>>) src(%dma_wait3A_152 : memref<320000xi32, #tpu.memory_space<hbm>>) dst(%dma_wait3A_148 : memref<128xi32, #tpu.memory_space<vmem>>)
    %dma_wait3A_153 = arith.constant 0 : i32
    %dma_wait3A_154 = tpu.memref_slice %arg15[%dma_wait3A_153] : memref<10240xf32, #tpu.memory_space<vmem>> -> memref<128xf32, #tpu.memory_space<vmem>>
    %dma_wait3A_155 = arith.constant 0 : i32
    %dma_wait3A_156 = tpu.memref_slice %arg12[%dma_wait3A_155] : memref<10240xi32, #tpu.memory_space<vmem>> -> memref<128xi32, #tpu.memory_space<vmem>>
    %dma_wait3A_157 = arith.constant 0 : i32
    %dma_wait3A_158 = tpu.memref_slice %arg6[%dma_wait3A_157] : memref<320000xf32, #tpu.memory_space<hbm>> -> memref<320000xf32, #tpu.memory_space<hbm>>
    tpu.wait_indirect_dma semaphore(%arg27 : memref<!tpu.dma_semaphore, #tpu.memory_space<semaphore_mem>>) src(%dma_wait3A_158 : memref<320000xf32, #tpu.memory_space<hbm>>) dst(%dma_wait3A_154 : memref<128xf32, #tpu.memory_space<vmem>>)
    %dma_start3A = arith.constant 0 : i32
    %dma_start3A_159 = tpu.memref_slice %arg13[%dma_start3A] : memref<10240xi32, #tpu.memory_space<vmem>> -> memref<128xi32, #tpu.memory_space<vmem>>
    %dma_start3A_160 = arith.constant 0 : i32
    %dma_start3A_161 = arith.constant 0 : i32
    %dma_start3A_162 = tpu.memref_slice %arg2[%dma_start3A_160, %dma_start3A_161] : memref<10000x128xf32, #tpu.memory_space<hbm>> -> memref<10000x128xf32, #tpu.memory_space<hbm>>
    tpu.enqueue_indirect_dma source(%dma_start3A_162 : memref<10000x128xf32, #tpu.memory_space<hbm>>) target(%arg16 : memref<128x128xf32, #tpu.memory_space<vmem>>) offsets(%dma_start3A_159 : memref<128xi32, #tpu.memory_space<vmem>>) semaphore(%arg28 : memref<!tpu.dma_semaphore, #tpu.memory_space<semaphore_mem>>)
    %dma_start3A_163 = arith.constant 0 : i32
    %dma_start3A_164 = tpu.memref_slice %arg14[%dma_start3A_163] : memref<10240xi32, #tpu.memory_space<vmem>> -> memref<128xi32, #tpu.memory_space<vmem>>
    %dma_start3A_165 = arith.constant 0 : i32
    %dma_start3A_166 = arith.constant 0 : i32
    %dma_start3A_167 = tpu.memref_slice %arg3[%dma_start3A_165, %dma_start3A_166] : memref<10000x128xf32, #tpu.memory_space<hbm>> -> memref<10000x128xf32, #tpu.memory_space<hbm>>
    tpu.enqueue_indirect_dma source(%dma_start3A_167 : memref<10000x128xf32, #tpu.memory_space<hbm>>) target(%arg18 : memref<128x128xf32, #tpu.memory_space<vmem>>) offsets(%dma_start3A_164 : memref<128xi32, #tpu.memory_space<vmem>>) semaphore(%arg28 : memref<!tpu.dma_semaphore, #tpu.memory_space<semaphore_mem>>)
    %dma_wait3A_168 = arith.constant 128 : i32
    %dma_wait3A_169 = tpu.memref_slice %arg13[%dma_wait3A_168] : memref<10240xi32, #tpu.memory_space<vmem>> -> memref<128xi32, #tpu.memory_space<vmem>>
    %dma_wait3A_170 = arith.constant 128 : i32
    %dma_wait3A_171 = tpu.memref_slice %arg12[%dma_wait3A_170] : memref<10240xi32, #tpu.memory_space<vmem>> -> memref<128xi32, #tpu.memory_space<vmem>>
    %dma_wait3A_172 = arith.constant 0 : i32
    %dma_wait3A_173 = tpu.memref_slice %arg4[%dma_wait3A_172] : memref<320000xi32, #tpu.memory_space<hbm>> -> memref<320000xi32, #tpu.memory_space<hbm>>
    tpu.wait_indirect_dma semaphore(%arg27 : memref<!tpu.dma_semaphore, #tpu.memory_space<semaphore_mem>>) src(%dma_wait3A_173 : memref<320000xi32, #tpu.memory_space<hbm>>) dst(%dma_wait3A_169 : memref<128xi32, #tpu.memory_space<vmem>>)
    %dma_wait3A_174 = arith.constant 128 : i32
    %dma_wait3A_175 = tpu.memref_slice %arg14[%dma_wait3A_174] : memref<10240xi32, #tpu.memory_space<vmem>> -> memref<128xi32, #tpu.memory_space<vmem>>
    %dma_wait3A_176 = arith.constant 128 : i32
    %dma_wait3A_177 = tpu.memref_slice %arg12[%dma_wait3A_176] : memref<10240xi32, #tpu.memory_space<vmem>> -> memref<128xi32, #tpu.memory_space<vmem>>
    %dma_wait3A_178 = arith.constant 0 : i32
    %dma_wait3A_179 = tpu.memref_slice %arg5[%dma_wait3A_178] : memref<320000xi32, #tpu.memory_space<hbm>> -> memref<320000xi32, #tpu.memory_space<hbm>>
    tpu.wait_indirect_dma semaphore(%arg27 : memref<!tpu.dma_semaphore, #tpu.memory_space<semaphore_mem>>) src(%dma_wait3A_179 : memref<320000xi32, #tpu.memory_space<hbm>>) dst(%dma_wait3A_175 : memref<128xi32, #tpu.memory_space<vmem>>)
    %dma_wait3A_180 = arith.constant 128 : i32
    %dma_wait3A_181 = tpu.memref_slice %arg15[%dma_wait3A_180] : memref<10240xf32, #tpu.memory_space<vmem>> -> memref<128xf32, #tpu.memory_space<vmem>>
    %dma_wait3A_182 = arith.constant 128 : i32
    %dma_wait3A_183 = tpu.memref_slice %arg12[%dma_wait3A_182] : memref<10240xi32, #tpu.memory_space<vmem>> -> memref<128xi32, #tpu.memory_space<vmem>>
    %dma_wait3A_184 = arith.constant 0 : i32
    %dma_wait3A_185 = tpu.memref_slice %arg6[%dma_wait3A_184] : memref<320000xf32, #tpu.memory_space<hbm>> -> memref<320000xf32, #tpu.memory_space<hbm>>
    tpu.wait_indirect_dma semaphore(%arg27 : memref<!tpu.dma_semaphore, #tpu.memory_space<semaphore_mem>>) src(%dma_wait3A_185 : memref<320000xf32, #tpu.memory_space<hbm>>) dst(%dma_wait3A_181 : memref<128xf32, #tpu.memory_space<vmem>>)
    %dma_start3A_186 = arith.constant 128 : i32
    %dma_start3A_187 = tpu.memref_slice %arg13[%dma_start3A_186] : memref<10240xi32, #tpu.memory_space<vmem>> -> memref<128xi32, #tpu.memory_space<vmem>>
    %dma_start3A_188 = arith.constant 0 : i32
    %dma_start3A_189 = arith.constant 0 : i32
    %dma_start3A_190 = tpu.memref_slice %arg2[%dma_start3A_188, %dma_start3A_189] : memref<10000x128xf32, #tpu.memory_space<hbm>> -> memref<10000x128xf32, #tpu.memory_space<hbm>>
    tpu.enqueue_indirect_dma source(%dma_start3A_190 : memref<10000x128xf32, #tpu.memory_space<hbm>>) target(%arg17 : memref<128x128xf32, #tpu.memory_space<vmem>>) offsets(%dma_start3A_187 : memref<128xi32, #tpu.memory_space<vmem>>) semaphore(%arg29 : memref<!tpu.dma_semaphore, #tpu.memory_space<semaphore_mem>>)
    %dma_start3A_191 = arith.constant 128 : i32
    %dma_start3A_192 = tpu.memref_slice %arg14[%dma_start3A_191] : memref<10240xi32, #tpu.memory_space<vmem>> -> memref<128xi32, #tpu.memory_space<vmem>>
    %dma_start3A_193 = arith.constant 0 : i32
    %dma_start3A_194 = arith.constant 0 : i32
    %dma_start3A_195 = tpu.memref_slice %arg3[%dma_start3A_193, %dma_start3A_194] : memref<10000x128xf32, #tpu.memory_space<hbm>> -> memref<10000x128xf32, #tpu.memory_space<hbm>>
    tpu.enqueue_indirect_dma source(%dma_start3A_195 : memref<10000x128xf32, #tpu.memory_space<hbm>>) target(%arg19 : memref<128x128xf32, #tpu.memory_space<vmem>>) offsets(%dma_start3A_192 : memref<128xi32, #tpu.memory_space<vmem>>) semaphore(%arg29 : memref<!tpu.dma_semaphore, #tpu.memory_space<semaphore_mem>>)
    %scan3A_196 = arith.constant 0 : i32
    %scan3A_197 = arith.constant 0 : i32
    %scan3A_198 = arith.constant 40 : i32
    %scan3A_199 = arith.addi %scan3A_197, %scan3A_198 : i32
    %scan3A_200 = arith.constant 1 : i32
    %scan3A_201 = scf.for %scan3A_223 = %scan3A_197 to %scan3A_199 step %scan3A_200 iter_args(%scan3A_224 = %scan3A_196) -> (i32)  : i32 {
      %mul3A_225 = arith.constant 2 : i32
      %mul3A_226 = arith.muli %mul3A_225, %scan3A_223 : i32
      %add3A_227 = arith.constant 0 : i32
      %add3A_228 = arith.addi %mul3A_226, %add3A_227 : i32
      %ge3A = arith.constant 2 : i32
      %ge3A_229 = arith.cmpi sge, %add3A_228, %ge3A : i32
      %convert_element_type3A = arith.extui %ge3A_229 : i1 to i32
      %cond3A = arith.constant 0 : i32
      %cond3A_230 = arith.cmpi ne, %convert_element_type3A, %cond3A : i32
      scf.if %cond3A_230 {
        %sub3A = arith.constant 2 : i32
        %sub3A_310 = arith.subi %add3A_228, %sub3A : i32
        %mul3A_311 = arith.constant 4 : i32
        %mul3A_312 = arith.muli %sub3A_310, %mul3A_311 : i32
        %add3A_313 = arith.addi %mul3A_6, %mul3A_312 : i32
        %mul3A_314 = arith.constant 32 : i32
        %mul3A_315 = arith.muli %add3A_313, %mul3A_314 : i32
        %mul3A_316 = arith.constant 128 : i32
        %mul3A_317 = arith.muli %add3A_313, %mul3A_316 : i32
        %dma_wait3A_318 = tpu.memref_slice %arg10[%mul3A_315] : memref<327680xf32, #tpu.memory_space<hbm>> -> memref<128xf32, #tpu.memory_space<hbm>>
        %dma_wait3A_319 = tpu.memref_slice %arg10[%mul3A_315] : memref<327680xf32, #tpu.memory_space<hbm>> -> memref<128xf32, #tpu.memory_space<hbm>>
        tpu.wait_dma2 semaphore(%arg30 : memref<!tpu.dma_semaphore, #tpu.memory_space<semaphore_mem>>) src(%arg22 : memref<128xf32, #tpu.memory_space<vmem>>) dst(%dma_wait3A_319 : memref<128xf32, #tpu.memory_space<hbm>>)
        %dma_wait3A_320 = tpu.memref_slice %arg11[%mul3A_317] : memref<1310720xf32, #tpu.memory_space<hbm>> -> memref<512xf32, #tpu.memory_space<hbm>>
        %dma_wait3A_321 = tpu.memref_slice %arg11[%mul3A_317] : memref<1310720xf32, #tpu.memory_space<hbm>> -> memref<512xf32, #tpu.memory_space<hbm>>
        tpu.wait_dma2 semaphore(%arg30 : memref<!tpu.dma_semaphore, #tpu.memory_space<semaphore_mem>>) src(%arg24 : memref<512xf32, #tpu.memory_space<vmem>>) dst(%dma_wait3A_321 : memref<512xf32, #tpu.memory_space<hbm>>)
      } else {
      }
      %mul3A_231 = arith.constant 128 : i32
      %mul3A_232 = arith.muli %add3A_228, %mul3A_231 : i32
      %dma_wait3A_233 = tpu.memref_slice %arg13[%mul3A_232] : memref<10240xi32, #tpu.memory_space<vmem>> -> memref<128xi32, #tpu.memory_space<vmem>>
      %dma_wait3A_234 = arith.constant 0 : i32
      %dma_wait3A_235 = arith.constant 0 : i32
      %dma_wait3A_236 = tpu.memref_slice %arg2[%dma_wait3A_234, %dma_wait3A_235] : memref<10000x128xf32, #tpu.memory_space<hbm>> -> memref<10000x128xf32, #tpu.memory_space<hbm>>
      tpu.wait_indirect_dma semaphore(%arg28 : memref<!tpu.dma_semaphore, #tpu.memory_space<semaphore_mem>>) src(%dma_wait3A_236 : memref<10000x128xf32, #tpu.memory_space<hbm>>) dst(%arg16 : memref<128x128xf32, #tpu.memory_space<vmem>>)
      %dma_wait3A_237 = tpu.memref_slice %arg14[%mul3A_232] : memref<10240xi32, #tpu.memory_space<vmem>> -> memref<128xi32, #tpu.memory_space<vmem>>
      %dma_wait3A_238 = arith.constant 0 : i32
      %dma_wait3A_239 = arith.constant 0 : i32
      %dma_wait3A_240 = tpu.memref_slice %arg3[%dma_wait3A_238, %dma_wait3A_239] : memref<10000x128xf32, #tpu.memory_space<hbm>> -> memref<10000x128xf32, #tpu.memory_space<hbm>>
      tpu.wait_indirect_dma semaphore(%arg28 : memref<!tpu.dma_semaphore, #tpu.memory_space<semaphore_mem>>) src(%dma_wait3A_240 : memref<10000x128xf32, #tpu.memory_space<hbm>>) dst(%arg18 : memref<128x128xf32, #tpu.memory_space<vmem>>)
      %scan3A_241 = arith.constant 0 : i32
      %scan3A_242 = arith.constant 0 : i32
      %scan3A_243 = arith.constant 4 : i32
      %scan3A_244 = arith.addi %scan3A_242, %scan3A_243 : i32
      %scan3A_245 = arith.constant 1 : i32
      %scan3A_246 = scf.for %scan3A_310 = %scan3A_242 to %scan3A_244 step %scan3A_245 iter_args(%scan3A_311 = %scan3A_241) -> (i32)  : i32 {
        %scan3A_312 = arith.constant 0 : i32
        %scan3A_313 = arith.constant 16 : i32
        %scan3A_314 = arith.addi %scan3A_312, %scan3A_313 : i32
        %scan3A_315 = arith.constant 1 : i32
        %scan3A_316:8 = scf.for %scan3A_471 = %scan3A_312 to %scan3A_314 step %scan3A_315 iter_args(%scan3A_472 = %broadcast_in_dim3A_24, %scan3A_473 = %broadcast_in_dim3A_24, %scan3A_474 = %broadcast_in_dim3A_24, %scan3A_475 = %broadcast_in_dim3A_24, %scan3A_476 = %broadcast_in_dim3A_24, %scan3A_477 = %broadcast_in_dim3A_24, %scan3A_478 = %broadcast_in_dim3A_24, %scan3A_479 = %broadcast_in_dim3A_24) -> (vector<16xf32>, vector<16xf32>, vector<16xf32>, vector<16xf32>, vector<16xf32>, vector<16xf32>, vector<16xf32>, vector<16xf32>)  : i32 {
          %mul3A_480 = arith.constant 32 : i32
          %mul3A_481 = arith.muli %scan3A_310, %mul3A_480 : i32
          %add3A_482 = arith.addi %mul3A_481, %scan3A_471 : i32
          %mul3A_483 = arith.constant 128 : i32
          %mul3A_484 = arith.muli %add3A_228, %mul3A_483 : i32
          %add3A_485 = arith.addi %mul3A_484, %add3A_482 : i32
          %broadcast_in_dim3A_486 = vector.broadcast %add3A_485 : i32 to vector<16xi32>
          %gather3A_487 = tpu.vector_load_idx %arg15[%broadcast_in_dim3A_486] : memref<10240xf32, #tpu.memory_space<vmem>>[vector<16xi32>], vector<16xf32>,
          %get3A_488 = arith.index_cast %add3A_482 : i32 to index
          %get3A_489 = arith.constant 0 : index
          %get3A_490 = tpu.vector_load %arg16[%get3A_488, %get3A_489] {strides = array<i32>} : memref<128x128xf32, #tpu.memory_space<vmem>>, vector<16xf32>,
          %get3A_491 = arith.index_cast %add3A_482 : i32 to index
          %get3A_492 = arith.constant 0 : index
          %get3A_493 = tpu.vector_load %arg18[%get3A_491, %get3A_492] {strides = array<i32>} : memref<128x128xf32, #tpu.memory_space<vmem>>, vector<16xf32>,
          %mul3A_494 = arith.mulf %get3A_490, %gather3A_487 : vector<16xf32>
          %add3A_495 = arith.addf %mul3A_494, %get3A_493 : vector<16xf32>
          %max3A = arith.constant 0.000000e+00 : f32
          %max3A_496 = vector.broadcast %max3A : f32 to vector<16xf32>
          %max3A_497 = arith.maximumf %add3A_495, %max3A_496 : vector<16xf32>
          %add3A_498 = arith.addf %scan3A_472, %max3A_497 : vector<16xf32>
          %mul3A_499 = arith.mulf %max3A_497, %get3A_9 : vector<16xf32>
          %add3A_500 = arith.addf %broadcast_in_dim3A_24, %mul3A_499 : vector<16xf32>
          %get3A_501 = arith.index_cast %add3A_482 : i32 to index
          %get3A_502 = arith.constant 16 : index
          %get3A_503 = tpu.vector_load %arg16[%get3A_501, %get3A_502] {strides = array<i32>} : memref<128x128xf32, #tpu.memory_space<vmem>>, vector<16xf32>,
          %get3A_504 = arith.index_cast %add3A_482 : i32 to index
          %get3A_505 = arith.constant 16 : index
          %get3A_506 = tpu.vector_load %arg18[%get3A_504, %get3A_505] {strides = array<i32>} : memref<128x128xf32, #tpu.memory_space<vmem>>, vector<16xf32>,
          %mul3A_507 = arith.mulf %get3A_503, %gather3A_487 : vector<16xf32>
          %add3A_508 = arith.addf %mul3A_507, %get3A_506 : vector<16xf32>
          %max3A_509 = arith.constant 0.000000e+00 : f32
          %max3A_510 = vector.broadcast %max3A_509 : f32 to vector<16xf32>
          %max3A_511 = arith.maximumf %add3A_508, %max3A_510 : vector<16xf32>
          %add3A_512 = arith.addf %scan3A_473, %max3A_511 : vector<16xf32>
          %mul3A_513 = arith.mulf %max3A_511, %get3A_11 : vector<16xf32>
          %add3A_514 = arith.addf %add3A_500, %mul3A_513 : vector<16xf32>
          %get3A_515 = arith.index_cast %add3A_482 : i32 to index
          %get3A_516 = arith.constant 32 : index
          %get3A_517 = tpu.vector_load %arg16[%get3A_515, %get3A_516] {strides = array<i32>} : memref<128x128xf32, #tpu.memory_space<vmem>>, vector<16xf32>,
          %get3A_518 = arith.index_cast %add3A_482 : i32 to index
          %get3A_519 = arith.constant 32 : index
          %get3A_520 = tpu.vector_load %arg18[%get3A_518, %get3A_519] {strides = array<i32>} : memref<128x128xf32, #tpu.memory_space<vmem>>, vector<16xf32>,
          %mul3A_521 = arith.mulf %get3A_517, %gather3A_487 : vector<16xf32>
          %add3A_522 = arith.addf %mul3A_521, %get3A_520 : vector<16xf32>
          %max3A_523 = arith.constant 0.000000e+00 : f32
          %max3A_524 = vector.broadcast %max3A_523 : f32 to vector<16xf32>
          %max3A_525 = arith.maximumf %add3A_522, %max3A_524 : vector<16xf32>
          %add3A_526 = arith.addf %scan3A_474, %max3A_525 : vector<16xf32>
          %mul3A_527 = arith.mulf %max3A_525, %get3A_13 : vector<16xf32>
          %add3A_528 = arith.addf %add3A_514, %mul3A_527 : vector<16xf32>
          %get3A_529 = arith.index_cast %add3A_482 : i32 to index
          %get3A_530 = arith.constant 48 : index
          %get3A_531 = tpu.vector_load %arg16[%get3A_529, %get3A_530] {strides = array<i32>} : memref<128x128xf32, #tpu.memory_space<vmem>>, vector<16xf32>,
          %get3A_532 = arith.index_cast %add3A_482 : i32 to index
          %get3A_533 = arith.constant 48 : index
          %get3A_534 = tpu.vector_load %arg18[%get3A_532, %get3A_533] {strides = array<i32>} : memref<128x128xf32, #tpu.memory_space<vmem>>, vector<16xf32>,
          %mul3A_535 = arith.mulf %get3A_531, %gather3A_487 : vector<16xf32>
          %add3A_536 = arith.addf %mul3A_535, %get3A_534 : vector<16xf32>
          %max3A_537 = arith.constant 0.000000e+00 : f32
          %max3A_538 = vector.broadcast %max3A_537 : f32 to vector<16xf32>
          %max3A_539 = arith.maximumf %add3A_536, %max3A_538 : vector<16xf32>
          %add3A_540 = arith.addf %scan3A_475, %max3A_539 : vector<16xf32>
          %mul3A_541 = arith.mulf %max3A_539, %get3A_15 : vector<16xf32>
          %add3A_542 = arith.addf %add3A_528, %mul3A_541 : vector<16xf32>
          %get3A_543 = arith.index_cast %add3A_482 : i32 to index
          %get3A_544 = arith.constant 64 : index
          %get3A_545 = tpu.vector_load %arg16[%get3A_543, %get3A_544] {strides = array<i32>} : memref<128x128xf32, #tpu.memory_space<vmem>>, vector<16xf32>,
          %get3A_546 = arith.index_cast %add3A_482 : i32 to index
          %get3A_547 = arith.constant 64 : index
          %get3A_548 = tpu.vector_load %arg18[%get3A_546, %get3A_547] {strides = array<i32>} : memref<128x128xf32, #tpu.memory_space<vmem>>, vector<16xf32>,
          %mul3A_549 = arith.mulf %get3A_545, %gather3A_487 : vector<16xf32>
          %add3A_550 = arith.addf %mul3A_549, %get3A_548 : vector<16xf32>
          %max3A_551 = arith.constant 0.000000e+00 : f32
          %max3A_552 = vector.broadcast %max3A_551 : f32 to vector<16xf32>
          %max3A_553 = arith.maximumf %add3A_550, %max3A_552 : vector<16xf32>
          %add3A_554 = arith.addf %scan3A_476, %max3A_553 : vector<16xf32>
          %mul3A_555 = arith.mulf %max3A_553, %get3A_17 : vector<16xf32>
          %add3A_556 = arith.addf %add3A_542, %mul3A_555 : vector<16xf32>
          %get3A_557 = arith.index_cast %add3A_482 : i32 to index
          %get3A_558 = arith.constant 80 : index
          %get3A_559 = tpu.vector_load %arg16[%get3A_557, %get3A_558] {strides = array<i32>} : memref<128x128xf32, #tpu.memory_space<vmem>>, vector<16xf32>,
          %get3A_560 = arith.index_cast %add3A_482 : i32 to index
          %get3A_561 = arith.constant 80 : index
          %get3A_562 = tpu.vector_load %arg18[%get3A_560, %get3A_561] {strides = array<i32>} : memref<128x128xf32, #tpu.memory_space<vmem>>, vector<16xf32>,
          %mul3A_563 = arith.mulf %get3A_559, %gather3A_487 : vector<16xf32>
          %add3A_564 = arith.addf %mul3A_563, %get3A_562 : vector<16xf32>
          %max3A_565 = arith.constant 0.000000e+00 : f32
          %max3A_566 = vector.broadcast %max3A_565 : f32 to vector<16xf32>
          %max3A_567 = arith.maximumf %add3A_564, %max3A_566 : vector<16xf32>
          %add3A_568 = arith.addf %scan3A_477, %max3A_567 : vector<16xf32>
          %mul3A_569 = arith.mulf %max3A_567, %get3A_19 : vector<16xf32>
          %add3A_570 = arith.addf %add3A_556, %mul3A_569 : vector<16xf32>
          %get3A_571 = arith.index_cast %add3A_482 : i32 to index
          %get3A_572 = arith.constant 96 : index
          %get3A_573 = tpu.vector_load %arg16[%get3A_571, %get3A_572] {strides = array<i32>} : memref<128x128xf32, #tpu.memory_space<vmem>>, vector<16xf32>,
          %get3A_574 = arith.index_cast %add3A_482 : i32 to index
          %get3A_575 = arith.constant 96 : index
          %get3A_576 = tpu.vector_load %arg18[%get3A_574, %get3A_575] {strides = array<i32>} : memref<128x128xf32, #tpu.memory_space<vmem>>, vector<16xf32>,
          %mul3A_577 = arith.mulf %get3A_573, %gather3A_487 : vector<16xf32>
          %add3A_578 = arith.addf %mul3A_577, %get3A_576 : vector<16xf32>
          %max3A_579 = arith.constant 0.000000e+00 : f32
          %max3A_580 = vector.broadcast %max3A_579 : f32 to vector<16xf32>
          %max3A_581 = arith.maximumf %add3A_578, %max3A_580 : vector<16xf32>
          %add3A_582 = arith.addf %scan3A_478, %max3A_581 : vector<16xf32>
          %mul3A_583 = arith.mulf %max3A_581, %get3A_21 : vector<16xf32>
          %add3A_584 = arith.addf %add3A_570, %mul3A_583 : vector<16xf32>
          %get3A_585 = arith.index_cast %add3A_482 : i32 to index
          %get3A_586 = arith.constant 112 : index
          %get3A_587 = tpu.vector_load %arg16[%get3A_585, %get3A_586] {strides = array<i32>} : memref<128x128xf32, #tpu.memory_space<vmem>>, vector<16xf32>,
          %get3A_588 = arith.index_cast %add3A_482 : i32 to index
          %get3A_589 = arith.constant 112 : index
          %get3A_590 = tpu.vector_load %arg18[%get3A_588, %get3A_589] {strides = array<i32>} : memref<128x128xf32, #tpu.memory_space<vmem>>, vector<16xf32>,
          %mul3A_591 = arith.mulf %get3A_587, %gather3A_487 : vector<16xf32>
          %add3A_592 = arith.addf %mul3A_591, %get3A_590 : vector<16xf32>
          %max3A_593 = arith.constant 0.000000e+00 : f32
          %max3A_594 = vector.broadcast %max3A_593 : f32 to vector<16xf32>
          %max3A_595 = arith.maximumf %add3A_592, %max3A_594 : vector<16xf32>
          %add3A_596 = arith.addf %scan3A_479, %max3A_595 : vector<16xf32>
          %mul3A_597 = arith.mulf %max3A_595, %get3A_23 : vector<16xf32>
          %add3A_598 = arith.addf %add3A_584, %mul3A_597 : vector<16xf32>
          %jit3A = arith.constant 16 : i32
          %eq3A = arith.constant 0 : i32
          %eq3A_599 = arith.cmpi eq, %jit3A, %eq3A : i32
          %jit3A_600 = arith.constant 1 : i32
          %select_n3A = arith.select %eq3A_599, %jit3A_600, %jit3A : i32
          %rem3A = arith.remsi %scan3A_471, %select_n3A : i32
          %ne3A = arith.constant 0 : i32
          %ne3A_601 = arith.cmpi ne, %rem3A, %ne3A : i32
          %lt3A_602 = arith.constant 0 : i32
          %lt3A_603 = arith.cmpi slt, %rem3A, %lt3A_602 : i32
          %lt3A_604 = arith.constant 0 : i32
          %lt3A_605 = arith.cmpi slt, %select_n3A, %lt3A_604 : i32
          %ne3A_606 = arith.xori %lt3A_603, %lt3A_605 : i1
          %and3A = arith.andi %ne3A_606, %ne3A_601 : i1
          %add3A_607 = arith.addi %rem3A, %select_n3A : i32
          %select_n3A_608 = arith.select %and3A, %add3A_607, %rem3A : i32
          %mul3A_609 = arith.constant 16 : i32
          %mul3A_610 = arith.muli %select_n3A_608, %mul3A_609 : i32
          %swap3A_611 = arith.index_cast %mul3A_610 : i32 to index
          %swap3A_612 = tpu.vector_load %arg26[%swap3A_611] {strides = array<i32>} : memref<1024xf32, #tpu.memory_space<vmem>>, vector<16xf32>,
          tpu.vector_store %arg26[%swap3A_611], %add3A_598 {strides = array<i32>} : memref<1024xf32, #tpu.memory_space<vmem>>, vector<16xf32>,
          scf.yield %add3A_498, %add3A_512, %add3A_526, %add3A_540, %add3A_554, %add3A_568, %add3A_582, %add3A_596 : vector<16xf32>, vector<16xf32>, vector<16xf32>, vector<16xf32>, vector<16xf32>, vector<16xf32>, vector<16xf32>, vector<16xf32>
        }
        %scan3A_317 = arith.constant 16 : i32
        %gather3A = tpu.vector_load_idx %arg26[%add3A_30] : memref<1024xf32, #tpu.memory_space<vmem>>[vector<16xi32>], vector<16xf32>,
        %add3A_318 = arith.addf %get3A_7, %gather3A : vector<16xf32>
        %gather3A_319 = tpu.vector_load_idx %arg26[%add3A_37] : memref<1024xf32, #tpu.memory_space<vmem>>[vector<16xi32>], vector<16xf32>,
        %add3A_320 = arith.addf %add3A_318, %gather3A_319 : vector<16xf32>
        %gather3A_321 = tpu.vector_load_idx %arg26[%add3A_44] : memref<1024xf32, #tpu.memory_space<vmem>>[vector<16xi32>], vector<16xf32>,
        %add3A_322 = arith.addf %add3A_320, %gather3A_321 : vector<16xf32>
        %gather3A_323 = tpu.vector_load_idx %arg26[%add3A_51] : memref<1024xf32, #tpu.memory_space<vmem>>[vector<16xi32>], vector<16xf32>,
        %add3A_324 = arith.addf %add3A_322, %gather3A_323 : vector<16xf32>
        %gather3A_325 = tpu.vector_load_idx %arg26[%add3A_58] : memref<1024xf32, #tpu.memory_space<vmem>>[vector<16xi32>], vector<16xf32>,
        %add3A_326 = arith.addf %add3A_324, %gather3A_325 : vector<16xf32>
        %gather3A_327 = tpu.vector_load_idx %arg26[%add3A_65] : memref<1024xf32, #tpu.memory_space<vmem>>[vector<16xi32>], vector<16xf32>,
        %add3A_328 = arith.addf %add3A_326, %gather3A_327 : vector<16xf32>
        %gather3A_329 = tpu.vector_load_idx %arg26[%add3A_72] : memref<1024xf32, #tpu.memory_space<vmem>>[vector<16xi32>], vector<16xf32>,
        %add3A_330 = arith.addf %add3A_328, %gather3A_329 : vector<16xf32>
        %gather3A_331 = tpu.vector_load_idx %arg26[%add3A_79] : memref<1024xf32, #tpu.memory_space<vmem>>[vector<16xi32>], vector<16xf32>,
        %add3A_332 = arith.addf %add3A_330, %gather3A_331 : vector<16xf32>
        %gather3A_333 = tpu.vector_load_idx %arg26[%add3A_86] : memref<1024xf32, #tpu.memory_space<vmem>>[vector<16xi32>], vector<16xf32>,
        %add3A_334 = arith.addf %add3A_332, %gather3A_333 : vector<16xf32>
        %gather3A_335 = tpu.vector_load_idx %arg26[%add3A_93] : memref<1024xf32, #tpu.memory_space<vmem>>[vector<16xi32>], vector<16xf32>,
        %add3A_336 = arith.addf %add3A_334, %gather3A_335 : vector<16xf32>
        %gather3A_337 = tpu.vector_load_idx %arg26[%add3A_100] : memref<1024xf32, #tpu.memory_space<vmem>>[vector<16xi32>], vector<16xf32>,
        %add3A_338 = arith.addf %add3A_336, %gather3A_337 : vector<16xf32>
        %gather3A_339 = tpu.vector_load_idx %arg26[%add3A_107] : memref<1024xf32, #tpu.memory_space<vmem>>[vector<16xi32>], vector<16xf32>,
        %add3A_340 = arith.addf %add3A_338, %gather3A_339 : vector<16xf32>
        %gather3A_341 = tpu.vector_load_idx %arg26[%add3A_114] : memref<1024xf32, #tpu.memory_space<vmem>>[vector<16xi32>], vector<16xf32>,
        %add3A_342 = arith.addf %add3A_340, %gather3A_341 : vector<16xf32>
        %gather3A_343 = tpu.vector_load_idx %arg26[%add3A_121] : memref<1024xf32, #tpu.memory_space<vmem>>[vector<16xi32>], vector<16xf32>,
        %add3A_344 = arith.addf %add3A_342, %gather3A_343 : vector<16xf32>
        %gather3A_345 = tpu.vector_load_idx %arg26[%add3A_128] : memref<1024xf32, #tpu.memory_space<vmem>>[vector<16xi32>], vector<16xf32>,
        %add3A_346 = arith.addf %add3A_344, %gather3A_345 : vector<16xf32>
        %gather3A_347 = tpu.vector_load_idx %arg26[%add3A_135] : memref<1024xf32, #tpu.memory_space<vmem>>[vector<16xi32>], vector<16xf32>,
        %add3A_348 = arith.addf %add3A_346, %gather3A_347 : vector<16xf32>
        %mul3A_349 = arith.constant 32 : i32
        %mul3A_350 = arith.muli %scan3A_310, %mul3A_349 : i32
        %add3A_351 = arith.constant 0 : i32
        %add3A_352 = arith.addi %mul3A_350, %add3A_351 : i32
        %swap3A = arith.index_cast %add3A_352 : i32 to index
        %swap3A_353 = tpu.vector_load %arg22[%swap3A] {strides = array<i32>} : memref<128xf32, #tpu.memory_space<vmem>>, vector<16xf32>,
        tpu.vector_store %arg22[%swap3A], %add3A_348 {strides = array<i32>} : memref<128xf32, #tpu.memory_space<vmem>>, vector<16xf32>,
        %scan3A_354 = arith.constant 16 : i32
        %scan3A_355 = arith.constant 16 : i32
        %scan3A_356 = arith.addi %scan3A_354, %scan3A_355 : i32
        %scan3A_357 = arith.constant 1 : i32
        %scan3A_358:8 = scf.for %scan3A_471 = %scan3A_354 to %scan3A_356 step %scan3A_357 iter_args(%scan3A_472 = %scan3A_316#0, %scan3A_473 = %scan3A_316#1, %scan3A_474 = %scan3A_316#2, %scan3A_475 = %scan3A_316#3, %scan3A_476 = %scan3A_316#4, %scan3A_477 = %scan3A_316#5, %scan3A_478 = %scan3A_316#6, %scan3A_479 = %scan3A_316#7) -> (vector<16xf32>, vector<16xf32>, vector<16xf32>, vector<16xf32>, vector<16xf32>, vector<16xf32>, vector<16xf32>, vector<16xf32>)  : i32 {
          %mul3A_480 = arith.constant 32 : i32
          %mul3A_481 = arith.muli %scan3A_310, %mul3A_480 : i32
          %add3A_482 = arith.addi %mul3A_481, %scan3A_471 : i32
          %mul3A_483 = arith.constant 128 : i32
          %mul3A_484 = arith.muli %add3A_228, %mul3A_483 : i32
          %add3A_485 = arith.addi %mul3A_484, %add3A_482 : i32
          %broadcast_in_dim3A_486 = vector.broadcast %add3A_485 : i32 to vector<16xi32>
          %gather3A_487 = tpu.vector_load_idx %arg15[%broadcast_in_dim3A_486] : memref<10240xf32, #tpu.memory_space<vmem>>[vector<16xi32>], vector<16xf32>,
          %get3A_488 = arith.index_cast %add3A_482 : i32 to index
          %get3A_489 = arith.constant 0 : index
          %get3A_490 = tpu.vector_load %arg16[%get3A_488, %get3A_489] {strides = array<i32>} : memref<128x128xf32, #tpu.memory_space<vmem>>, vector<16xf32>,
          %get3A_491 = arith.index_cast %add3A_482 : i32 to index
          %get3A_492 = arith.constant 0 : index
          %get3A_493 = tpu.vector_load %arg18[%get3A_491, %get3A_492] {strides = array<i32>} : memref<128x128xf32, #tpu.memory_space<vmem>>, vector<16xf32>,
          %mul3A_494 = arith.mulf %get3A_490, %gather3A_487 : vector<16xf32>
          %add3A_495 = arith.addf %mul3A_494, %get3A_493 : vector<16xf32>
          %max3A = arith.constant 0.000000e+00 : f32
          %max3A_496 = vector.broadcast %max3A : f32 to vector<16xf32>
          %max3A_497 = arith.maximumf %add3A_495, %max3A_496 : vector<16xf32>
          %add3A_498 = arith.addf %scan3A_472, %max3A_497 : vector<16xf32>
          %mul3A_499 = arith.mulf %max3A_497, %get3A_9 : vector<16xf32>
          %add3A_500 = arith.addf %broadcast_in_dim3A_24, %mul3A_499 : vector<16xf32>
          %get3A_501 = arith.index_cast %add3A_482 : i32 to index
          %get3A_502 = arith.constant 16 : index
          %get3A_503 = tpu.vector_load %arg16[%get3A_501, %get3A_502] {strides = array<i32>} : memref<128x128xf32, #tpu.memory_space<vmem>>, vector<16xf32>,
          %get3A_504 = arith.index_cast %add3A_482 : i32 to index
          %get3A_505 = arith.constant 16 : index
          %get3A_506 = tpu.vector_load %arg18[%get3A_504, %get3A_505] {strides = array<i32>} : memref<128x128xf32, #tpu.memory_space<vmem>>, vector<16xf32>,
          %mul3A_507 = arith.mulf %get3A_503, %gather3A_487 : vector<16xf32>
          %add3A_508 = arith.addf %mul3A_507, %get3A_506 : vector<16xf32>
          %max3A_509 = arith.constant 0.000000e+00 : f32
          %max3A_510 = vector.broadcast %max3A_509 : f32 to vector<16xf32>
          %max3A_511 = arith.maximumf %add3A_508, %max3A_510 : vector<16xf32>
          %add3A_512 = arith.addf %scan3A_473, %max3A_511 : vector<16xf32>
          %mul3A_513 = arith.mulf %max3A_511, %get3A_11 : vector<16xf32>
          %add3A_514 = arith.addf %add3A_500, %mul3A_513 : vector<16xf32>
          %get3A_515 = arith.index_cast %add3A_482 : i32 to index
          %get3A_516 = arith.constant 32 : index
          %get3A_517 = tpu.vector_load %arg16[%get3A_515, %get3A_516] {strides = array<i32>} : memref<128x128xf32, #tpu.memory_space<vmem>>, vector<16xf32>,
          %get3A_518 = arith.index_cast %add3A_482 : i32 to index
          %get3A_519 = arith.constant 32 : index
          %get3A_520 = tpu.vector_load %arg18[%get3A_518, %get3A_519] {strides = array<i32>} : memref<128x128xf32, #tpu.memory_space<vmem>>, vector<16xf32>,
          %mul3A_521 = arith.mulf %get3A_517, %gather3A_487 : vector<16xf32>
          %add3A_522 = arith.addf %mul3A_521, %get3A_520 : vector<16xf32>
          %max3A_523 = arith.constant 0.000000e+00 : f32
          %max3A_524 = vector.broadcast %max3A_523 : f32 to vector<16xf32>
          %max3A_525 = arith.maximumf %add3A_522, %max3A_524 : vector<16xf32>
          %add3A_526 = arith.addf %scan3A_474, %max3A_525 : vector<16xf32>
          %mul3A_527 = arith.mulf %max3A_525, %get3A_13 : vector<16xf32>
          %add3A_528 = arith.addf %add3A_514, %mul3A_527 : vector<16xf32>
          %get3A_529 = arith.index_cast %add3A_482 : i32 to index
          %get3A_530 = arith.constant 48 : index
          %get3A_531 = tpu.vector_load %arg16[%get3A_529, %get3A_530] {strides = array<i32>} : memref<128x128xf32, #tpu.memory_space<vmem>>, vector<16xf32>,
          %get3A_532 = arith.index_cast %add3A_482 : i32 to index
          %get3A_533 = arith.constant 48 : index
          %get3A_534 = tpu.vector_load %arg18[%get3A_532, %get3A_533] {strides = array<i32>} : memref<128x128xf32, #tpu.memory_space<vmem>>, vector<16xf32>,
          %mul3A_535 = arith.mulf %get3A_531, %gather3A_487 : vector<16xf32>
          %add3A_536 = arith.addf %mul3A_535, %get3A_534 : vector<16xf32>
          %max3A_537 = arith.constant 0.000000e+00 : f32
          %max3A_538 = vector.broadcast %max3A_537 : f32 to vector<16xf32>
          %max3A_539 = arith.maximumf %add3A_536, %max3A_538 : vector<16xf32>
          %add3A_540 = arith.addf %scan3A_475, %max3A_539 : vector<16xf32>
          %mul3A_541 = arith.mulf %max3A_539, %get3A_15 : vector<16xf32>
          %add3A_542 = arith.addf %add3A_528, %mul3A_541 : vector<16xf32>
          %get3A_543 = arith.index_cast %add3A_482 : i32 to index
          %get3A_544 = arith.constant 64 : index
          %get3A_545 = tpu.vector_load %arg16[%get3A_543, %get3A_544] {strides = array<i32>} : memref<128x128xf32, #tpu.memory_space<vmem>>, vector<16xf32>,
          %get3A_546 = arith.index_cast %add3A_482 : i32 to index
          %get3A_547 = arith.constant 64 : index
          %get3A_548 = tpu.vector_load %arg18[%get3A_546, %get3A_547] {strides = array<i32>} : memref<128x128xf32, #tpu.memory_space<vmem>>, vector<16xf32>,
          %mul3A_549 = arith.mulf %get3A_545, %gather3A_487 : vector<16xf32>
          %add3A_550 = arith.addf %mul3A_549, %get3A_548 : vector<16xf32>
          %max3A_551 = arith.constant 0.000000e+00 : f32
          %max3A_552 = vector.broadcast %max3A_551 : f32 to vector<16xf32>
          %max3A_553 = arith.maximumf %add3A_550, %max3A_552 : vector<16xf32>
          %add3A_554 = arith.addf %scan3A_476, %max3A_553 : vector<16xf32>
          %mul3A_555 = arith.mulf %max3A_553, %get3A_17 : vector<16xf32>
          %add3A_556 = arith.addf %add3A_542, %mul3A_555 : vector<16xf32>
          %get3A_557 = arith.index_cast %add3A_482 : i32 to index
          %get3A_558 = arith.constant 80 : index
          %get3A_559 = tpu.vector_load %arg16[%get3A_557, %get3A_558] {strides = array<i32>} : memref<128x128xf32, #tpu.memory_space<vmem>>, vector<16xf32>,
          %get3A_560 = arith.index_cast %add3A_482 : i32 to index
          %get3A_561 = arith.constant 80 : index
          %get3A_562 = tpu.vector_load %arg18[%get3A_560, %get3A_561] {strides = array<i32>} : memref<128x128xf32, #tpu.memory_space<vmem>>, vector<16xf32>,
          %mul3A_563 = arith.mulf %get3A_559, %gather3A_487 : vector<16xf32>
          %add3A_564 = arith.addf %mul3A_563, %get3A_562 : vector<16xf32>
          %max3A_565 = arith.constant 0.000000e+00 : f32
          %max3A_566 = vector.broadcast %max3A_565 : f32 to vector<16xf32>
          %max3A_567 = arith.maximumf %add3A_564, %max3A_566 : vector<16xf32>
          %add3A_568 = arith.addf %scan3A_477, %max3A_567 : vector<16xf32>
          %mul3A_569 = arith.mulf %max3A_567, %get3A_19 : vector<16xf32>
          %add3A_570 = arith.addf %add3A_556, %mul3A_569 : vector<16xf32>
          %get3A_571 = arith.index_cast %add3A_482 : i32 to index
          %get3A_572 = arith.constant 96 : index
          %get3A_573 = tpu.vector_load %arg16[%get3A_571, %get3A_572] {strides = array<i32>} : memref<128x128xf32, #tpu.memory_space<vmem>>, vector<16xf32>,
          %get3A_574 = arith.index_cast %add3A_482 : i32 to index
          %get3A_575 = arith.constant 96 : index
          %get3A_576 = tpu.vector_load %arg18[%get3A_574, %get3A_575] {strides = array<i32>} : memref<128x128xf32, #tpu.memory_space<vmem>>, vector<16xf32>,
          %mul3A_577 = arith.mulf %get3A_573, %gather3A_487 : vector<16xf32>
          %add3A_578 = arith.addf %mul3A_577, %get3A_576 : vector<16xf32>
          %max3A_579 = arith.constant 0.000000e+00 : f32
          %max3A_580 = vector.broadcast %max3A_579 : f32 to vector<16xf32>
          %max3A_581 = arith.maximumf %add3A_578, %max3A_580 : vector<16xf32>
          %add3A_582 = arith.addf %scan3A_478, %max3A_581 : vector<16xf32>
          %mul3A_583 = arith.mulf %max3A_581, %get3A_21 : vector<16xf32>
          %add3A_584 = arith.addf %add3A_570, %mul3A_583 : vector<16xf32>
          %get3A_585 = arith.index_cast %add3A_482 : i32 to index
          %get3A_586 = arith.constant 112 : index
          %get3A_587 = tpu.vector_load %arg16[%get3A_585, %get3A_586] {strides = array<i32>} : memref<128x128xf32, #tpu.memory_space<vmem>>, vector<16xf32>,
          %get3A_588 = arith.index_cast %add3A_482 : i32 to index
          %get3A_589 = arith.constant 112 : index
          %get3A_590 = tpu.vector_load %arg18[%get3A_588, %get3A_589] {strides = array<i32>} : memref<128x128xf32, #tpu.memory_space<vmem>>, vector<16xf32>,
          %mul3A_591 = arith.mulf %get3A_587, %gather3A_487 : vector<16xf32>
          %add3A_592 = arith.addf %mul3A_591, %get3A_590 : vector<16xf32>
          %max3A_593 = arith.constant 0.000000e+00 : f32
          %max3A_594 = vector.broadcast %max3A_593 : f32 to vector<16xf32>
          %max3A_595 = arith.maximumf %add3A_592, %max3A_594 : vector<16xf32>
          %add3A_596 = arith.addf %scan3A_479, %max3A_595 : vector<16xf32>
          %mul3A_597 = arith.mulf %max3A_595, %get3A_23 : vector<16xf32>
          %add3A_598 = arith.addf %add3A_584, %mul3A_597 : vector<16xf32>
          %jit3A = arith.constant 16 : i32
          %eq3A = arith.constant 0 : i32
          %eq3A_599 = arith.cmpi eq, %jit3A, %eq3A : i32
          %jit3A_600 = arith.constant 1 : i32
          %select_n3A = arith.select %eq3A_599, %jit3A_600, %jit3A : i32
          %rem3A = arith.remsi %scan3A_471, %select_n3A : i32
          %ne3A = arith.constant 0 : i32
          %ne3A_601 = arith.cmpi ne, %rem3A, %ne3A : i32
          %lt3A_602 = arith.constant 0 : i32
          %lt3A_603 = arith.cmpi slt, %rem3A, %lt3A_602 : i32
          %lt3A_604 = arith.constant 0 : i32
          %lt3A_605 = arith.cmpi slt, %select_n3A, %lt3A_604 : i32
          %ne3A_606 = arith.xori %lt3A_603, %lt3A_605 : i1
          %and3A = arith.andi %ne3A_606, %ne3A_601 : i1
          %add3A_607 = arith.addi %rem3A, %select_n3A : i32
          %select_n3A_608 = arith.select %and3A, %add3A_607, %rem3A : i32
          %mul3A_609 = arith.constant 16 : i32
          %mul3A_610 = arith.muli %select_n3A_608, %mul3A_609 : i32
          %swap3A_611 = arith.index_cast %mul3A_610 : i32 to index
          %swap3A_612 = tpu.vector_load %arg26[%swap3A_611] {strides = array<i32>} : memref<1024xf32, #tpu.memory_space<vmem>>, vector<16xf32>,
          tpu.vector_store %arg26[%swap3A_611], %add3A_598 {strides = array<i32>} : memref<1024xf32, #tpu.memory_space<vmem>>, vector<16xf32>,
          scf.yield %add3A_498, %add3A_512, %add3A_526, %add3A_540, %add3A_554, %add3A_568, %add3A_582, %add3A_596 : vector<16xf32>, vector<16xf32>, vector<16xf32>, vector<16xf32>, vector<16xf32>, vector<16xf32>, vector<16xf32>, vector<16xf32>
        }
        %scan3A_359 = arith.constant 16 : i32
        %gather3A_360 = tpu.vector_load_idx %arg26[%add3A_30] : memref<1024xf32, #tpu.memory_space<vmem>>[vector<16xi32>], vector<16xf32>,
        %add3A_361 = arith.addf %get3A_7, %gather3A_360 : vector<16xf32>
        %gather3A_362 = tpu.vector_load_idx %arg26[%add3A_37] : memref<1024xf32, #tpu.memory_space<vmem>>[vector<16xi32>], vector<16xf32>,
        %add3A_363 = arith.addf %add3A_361, %gather3A_362 : vector<16xf32>
        %gather3A_364 = tpu.vector_load_idx %arg26[%add3A_44] : memref<1024xf32, #tpu.memory_space<vmem>>[vector<16xi32>], vector<16xf32>,
        %add3A_365 = arith.addf %add3A_363, %gather3A_364 : vector<16xf32>
        %gather3A_366 = tpu.vector_load_idx %arg26[%add3A_51] : memref<1024xf32, #tpu.memory_space<vmem>>[vector<16xi32>], vector<16xf32>,
        %add3A_367 = arith.addf %add3A_365, %gather3A_366 : vector<16xf32>
        %gather3A_368 = tpu.vector_load_idx %arg26[%add3A_58] : memref<1024xf32, #tpu.memory_space<vmem>>[vector<16xi32>], vector<16xf32>,
        %add3A_369 = arith.addf %add3A_367, %gather3A_368 : vector<16xf32>
        %gather3A_370 = tpu.vector_load_idx %arg26[%add3A_65] : memref<1024xf32, #tpu.memory_space<vmem>>[vector<16xi32>], vector<16xf32>,
        %add3A_371 = arith.addf %add3A_369, %gather3A_370 : vector<16xf32>
        %gather3A_372 = tpu.vector_load_idx %arg26[%add3A_72] : memref<1024xf32, #tpu.memory_space<vmem>>[vector<16xi32>], vector<16xf32>,
        %add3A_373 = arith.addf %add3A_371, %gather3A_372 : vector<16xf32>
        %gather3A_374 = tpu.vector_load_idx %arg26[%add3A_79] : memref<1024xf32, #tpu.memory_space<vmem>>[vector<16xi32>], vector<16xf32>,
        %add3A_375 = arith.addf %add3A_373, %gather3A_374 : vector<16xf32>
        %gather3A_376 = tpu.vector_load_idx %arg26[%add3A_86] : memref<1024xf32, #tpu.memory_space<vmem>>[vector<16xi32>], vector<16xf32>,
        %add3A_377 = arith.addf %add3A_375, %gather3A_376 : vector<16xf32>
        %gather3A_378 = tpu.vector_load_idx %arg26[%add3A_93] : memref<1024xf32, #tpu.memory_space<vmem>>[vector<16xi32>], vector<16xf32>,
        %add3A_379 = arith.addf %add3A_377, %gather3A_378 : vector<16xf32>
        %gather3A_380 = tpu.vector_load_idx %arg26[%add3A_100] : memref<1024xf32, #tpu.memory_space<vmem>>[vector<16xi32>], vector<16xf32>,
        %add3A_381 = arith.addf %add3A_379, %gather3A_380 : vector<16xf32>
        %gather3A_382 = tpu.vector_load_idx %arg26[%add3A_107] : memref<1024xf32, #tpu.memory_space<vmem>>[vector<16xi32>], vector<16xf32>,
        %add3A_383 = arith.addf %add3A_381, %gather3A_382 : vector<16xf32>
        %gather3A_384 = tpu.vector_load_idx %arg26[%add3A_114] : memref<1024xf32, #tpu.memory_space<vmem>>[vector<16xi32>], vector<16xf32>,
        %add3A_385 = arith.addf %add3A_383, %gather3A_384 : vector<16xf32>
        %gather3A_386 = tpu.vector_load_idx %arg26[%add3A_121] : memref<1024xf32, #tpu.memory_space<vmem>>[vector<16xi32>], vector<16xf32>,
        %add3A_387 = arith.addf %add3A_385, %gather3A_386 : vector<16xf32>
        %gather3A_388 = tpu.vector_load_idx %arg26[%add3A_128] : memref<1024xf32, #tpu.memory_space<vmem>>[vector<16xi32>], vector<16xf32>,
        %add3A_389 = arith.addf %add3A_387, %gather3A_388 : vector<16xf32>
        %gather3A_390 = tpu.vector_load_idx %arg26[%add3A_135] : memref<1024xf32, #tpu.memory_space<vmem>>[vector<16xi32>], vector<16xf32>,
        %add3A_391 = arith.addf %add3A_389, %gather3A_390 : vector<16xf32>
        %mul3A_392 = arith.constant 32 : i32
        %mul3A_393 = arith.muli %scan3A_310, %mul3A_392 : i32
        %add3A_394 = arith.constant 16 : i32
        %add3A_395 = arith.addi %mul3A_393, %add3A_394 : i32
        %swap3A_396 = arith.index_cast %add3A_395 : i32 to index
        %swap3A_397 = tpu.vector_load %arg22[%swap3A_396] {strides = array<i32>} : memref<128xf32, #tpu.memory_space<vmem>>, vector<16xf32>,
        tpu.vector_store %arg22[%swap3A_396], %add3A_391 {strides = array<i32>} : memref<128xf32, #tpu.memory_space<vmem>>, vector<16xf32>,
        %mul3A_398 = arith.constant 3.125000e-02 : f32
        %mul3A_399 = vector.broadcast %mul3A_398 : f32 to vector<16xf32>
        %mul3A_400 = arith.mulf %scan3A_358#0, %mul3A_399 : vector<16xf32>
        %mul3A_401 = arith.constant 128 : i32
        %mul3A_402 = arith.muli %scan3A_310, %mul3A_401 : i32
        %add3A_403 = arith.constant 0 : i32
        %add3A_404 = arith.addi %mul3A_402, %add3A_403 : i32
        %swap3A_405 = arith.index_cast %add3A_404 : i32 to index
        %swap3A_406 = tpu.vector_load %arg24[%swap3A_405] {strides = array<i32>} : memref<512xf32, #tpu.memory_space<vmem>>, vector<16xf32>,
        tpu.vector_store %arg24[%swap3A_405], %mul3A_400 {strides = array<i32>} : memref<512xf32, #tpu.memory_space<vmem>>, vector<16xf32>,
        %mul3A_407 = arith.constant 3.125000e-02 : f32
        %mul3A_408 = vector.broadcast %mul3A_407 : f32 to vector<16xf32>
        %mul3A_409 = arith.mulf %scan3A_358#1, %mul3A_408 : vector<16xf32>
        %mul3A_410 = arith.constant 128 : i32
        %mul3A_411 = arith.muli %scan3A_310, %mul3A_410 : i32
        %add3A_412 = arith.constant 16 : i32
        %add3A_413 = arith.addi %mul3A_411, %add3A_412 : i32
        %swap3A_414 = arith.index_cast %add3A_413 : i32 to index
        %swap3A_415 = tpu.vector_load %arg24[%swap3A_414] {strides = array<i32>} : memref<512xf32, #tpu.memory_space<vmem>>, vector<16xf32>,
        tpu.vector_store %arg24[%swap3A_414], %mul3A_409 {strides = array<i32>} : memref<512xf32, #tpu.memory_space<vmem>>, vector<16xf32>,
        %mul3A_416 = arith.constant 3.125000e-02 : f32
        %mul3A_417 = vector.broadcast %mul3A_416 : f32 to vector<16xf32>
        %mul3A_418 = arith.mulf %scan3A_358#2, %mul3A_417 : vector<16xf32>
        %mul3A_419 = arith.constant 128 : i32
        %mul3A_420 = arith.muli %scan3A_310, %mul3A_419 : i32
        %add3A_421 = arith.constant 32 : i32
        %add3A_422 = arith.addi %mul3A_420, %add3A_421 : i32
        %swap3A_423 = arith.index_cast %add3A_422 : i32 to index
        %swap3A_424 = tpu.vector_load %arg24[%swap3A_423] {strides = array<i32>} : memref<512xf32, #tpu.memory_space<vmem>>, vector<16xf32>,
        tpu.vector_store %arg24[%swap3A_423], %mul3A_418 {strides = array<i32>} : memref<512xf32, #tpu.memory_space<vmem>>, vector<16xf32>,
        %mul3A_425 = arith.constant 3.125000e-02 : f32
        %mul3A_426 = vector.broadcast %mul3A_425 : f32 to vector<16xf32>
        %mul3A_427 = arith.mulf %scan3A_358#3, %mul3A_426 : vector<16xf32>
        %mul3A_428 = arith.constant 128 : i32
        %mul3A_429 = arith.muli %scan3A_310, %mul3A_428 : i32
        %add3A_430 = arith.constant 48 : i32
        %add3A_431 = arith.addi %mul3A_429, %add3A_430 : i32
        %swap3A_432 = arith.index_cast %add3A_431 : i32 to index
        %swap3A_433 = tpu.vector_load %arg24[%swap3A_432] {strides = array<i32>} : memref<512xf32, #tpu.memory_space<vmem>>, vector<16xf32>,
        tpu.vector_store %arg24[%swap3A_432], %mul3A_427 {strides = array<i32>} : memref<512xf32, #tpu.memory_space<vmem>>, vector<16xf32>,
        %mul3A_434 = arith.constant 3.125000e-02 : f32
        %mul3A_435 = vector.broadcast %mul3A_434 : f32 to vector<16xf32>
        %mul3A_436 = arith.mulf %scan3A_358#4, %mul3A_435 : vector<16xf32>
        %mul3A_437 = arith.constant 128 : i32
        %mul3A_438 = arith.muli %scan3A_310, %mul3A_437 : i32
        %add3A_439 = arith.constant 64 : i32
        %add3A_440 = arith.addi %mul3A_438, %add3A_439 : i32
        %swap3A_441 = arith.index_cast %add3A_440 : i32 to index
        %swap3A_442 = tpu.vector_load %arg24[%swap3A_441] {strides = array<i32>} : memref<512xf32, #tpu.memory_space<vmem>>, vector<16xf32>,
        tpu.vector_store %arg24[%swap3A_441], %mul3A_436 {strides = array<i32>} : memref<512xf32, #tpu.memory_space<vmem>>, vector<16xf32>,
        %mul3A_443 = arith.constant 3.125000e-02 : f32
        %mul3A_444 = vector.broadcast %mul3A_443 : f32 to vector<16xf32>
        %mul3A_445 = arith.mulf %scan3A_358#5, %mul3A_444 : vector<16xf32>
        %mul3A_446 = arith.constant 128 : i32
        %mul3A_447 = arith.muli %scan3A_310, %mul3A_446 : i32
        %add3A_448 = arith.constant 80 : i32
        %add3A_449 = arith.addi %mul3A_447, %add3A_448 : i32
        %swap3A_450 = arith.index_cast %add3A_449 : i32 to index
        %swap3A_451 = tpu.vector_load %arg24[%swap3A_450] {strides = array<i32>} : memref<512xf32, #tpu.memory_space<vmem>>, vector<16xf32>,
        tpu.vector_store %arg24[%swap3A_450], %mul3A_445 {strides = array<i32>} : memref<512xf32, #tpu.memory_space<vmem>>, vector<16xf32>,
        %mul3A_452 = arith.constant 3.125000e-02 : f32
        %mul3A_453 = vector.broadcast %mul3A_452 : f32 to vector<16xf32>
        %mul3A_454 = arith.mulf %scan3A_358#6, %mul3A_453 : vector<16xf32>
        %mul3A_455 = arith.constant 128 : i32
        %mul3A_456 = arith.muli %scan3A_310, %mul3A_455 : i32
        %add3A_457 = arith.constant 96 : i32
        %add3A_458 = arith.addi %mul3A_456, %add3A_457 : i32
        %swap3A_459 = arith.index_cast %add3A_458 : i32 to index
        %swap3A_460 = tpu.vector_load %arg24[%swap3A_459] {strides = array<i32>} : memref<512xf32, #tpu.memory_space<vmem>>, vector<16xf32>,
        tpu.vector_store %arg24[%swap3A_459], %mul3A_454 {strides = array<i32>} : memref<512xf32, #tpu.memory_space<vmem>>, vector<16xf32>,
        %mul3A_461 = arith.constant 3.125000e-02 : f32
        %mul3A_462 = vector.broadcast %mul3A_461 : f32 to vector<16xf32>
        %mul3A_463 = arith.mulf %scan3A_358#7, %mul3A_462 : vector<16xf32>
        %mul3A_464 = arith.constant 128 : i32
        %mul3A_465 = arith.muli %scan3A_310, %mul3A_464 : i32
        %add3A_466 = arith.constant 112 : i32
        %add3A_467 = arith.addi %mul3A_465, %add3A_466 : i32
        %swap3A_468 = arith.index_cast %add3A_467 : i32 to index
        %swap3A_469 = tpu.vector_load %arg24[%swap3A_468] {strides = array<i32>} : memref<512xf32, #tpu.memory_space<vmem>>, vector<16xf32>,
        tpu.vector_store %arg24[%swap3A_468], %mul3A_463 {strides = array<i32>} : memref<512xf32, #tpu.memory_space<vmem>>, vector<16xf32>,
        %scan3A_470 = arith.constant 0 : i32
        scf.yield %scan3A_470 : i32
      }
      %scan3A_247 = arith.constant 4 : i32
      %mul3A_248 = arith.constant 4 : i32
      %mul3A_249 = arith.muli %add3A_228, %mul3A_248 : i32
      %add3A_250 = arith.addi %mul3A_6, %mul3A_249 : i32
      %mul3A_251 = arith.constant 32 : i32
      %mul3A_252 = arith.muli %add3A_250, %mul3A_251 : i32
      %mul3A_253 = arith.constant 128 : i32
      %mul3A_254 = arith.muli %add3A_250, %mul3A_253 : i32
      %dma_start3A_255 = tpu.memref_slice %arg10[%mul3A_252] : memref<327680xf32, #tpu.memory_space<hbm>> -> memref<128xf32, #tpu.memory_space<hbm>>
      %dma_start3A_256 = tpu.memref_slice %arg10[%mul3A_252] : memref<327680xf32, #tpu.memory_space<hbm>> -> memref<128xf32, #tpu.memory_space<hbm>>
      tpu.enqueue_dma source(%arg22 : memref<128xf32, #tpu.memory_space<vmem>>) target(%dma_start3A_256 : memref<128xf32, #tpu.memory_space<hbm>>) target_semaphore(%arg30 : memref<!tpu.dma_semaphore, #tpu.memory_space<semaphore_mem>>)
      %dma_start3A_257 = tpu.memref_slice %arg11[%mul3A_254] : memref<1310720xf32, #tpu.memory_space<hbm>> -> memref<512xf32, #tpu.memory_space<hbm>>
      %dma_start3A_258 = tpu.memref_slice %arg11[%mul3A_254] : memref<1310720xf32, #tpu.memory_space<hbm>> -> memref<512xf32, #tpu.memory_space<hbm>>
      tpu.enqueue_dma source(%arg24 : memref<512xf32, #tpu.memory_space<vmem>>) target(%dma_start3A_258 : memref<512xf32, #tpu.memory_space<hbm>>) target_semaphore(%arg30 : memref<!tpu.dma_semaphore, #tpu.memory_space<semaphore_mem>>)
      %add3A_259 = arith.constant 2 : i32
      %add3A_260 = arith.addi %add3A_228, %add3A_259 : i32
      %lt3A = arith.constant 80 : i32
      %lt3A_261 = arith.cmpi slt, %add3A_260, %lt3A : i32
      %convert_element_type3A_262 = arith.extui %lt3A_261 : i1 to i32
      %cond3A_263 = arith.constant 0 : i32
      %cond3A_264 = arith.cmpi ne, %convert_element_type3A_262, %cond3A_263 : i32
      scf.if %cond3A_264 {
        %add3A_310 = arith.constant 2 : i32
        %add3A_311 = arith.addi %add3A_228, %add3A_310 : i32
        %mul3A_312 = arith.constant 128 : i32
        %mul3A_313 = arith.muli %add3A_311, %mul3A_312 : i32
        %dma_wait3A_314 = tpu.memref_slice %arg13[%mul3A_313] : memref<10240xi32, #tpu.memory_space<vmem>> -> memref<128xi32, #tpu.memory_space<vmem>>
        %dma_wait3A_315 = tpu.memref_slice %arg12[%mul3A_313] : memref<10240xi32, #tpu.memory_space<vmem>> -> memref<128xi32, #tpu.memory_space<vmem>>
        %dma_wait3A_316 = arith.constant 0 : i32
        %dma_wait3A_317 = tpu.memref_slice %arg4[%dma_wait3A_316] : memref<320000xi32, #tpu.memory_space<hbm>> -> memref<320000xi32, #tpu.memory_space<hbm>>
        tpu.wait_indirect_dma semaphore(%arg27 : memref<!tpu.dma_semaphore, #tpu.memory_space<semaphore_mem>>) src(%dma_wait3A_317 : memref<320000xi32, #tpu.memory_space<hbm>>) dst(%dma_wait3A_314 : memref<128xi32, #tpu.memory_space<vmem>>)
        %dma_wait3A_318 = tpu.memref_slice %arg14[%mul3A_313] : memref<10240xi32, #tpu.memory_space<vmem>> -> memref<128xi32, #tpu.memory_space<vmem>>
        %dma_wait3A_319 = tpu.memref_slice %arg12[%mul3A_313] : memref<10240xi32, #tpu.memory_space<vmem>> -> memref<128xi32, #tpu.memory_space<vmem>>
        %dma_wait3A_320 = arith.constant 0 : i32
        %dma_wait3A_321 = tpu.memref_slice %arg5[%dma_wait3A_320] : memref<320000xi32, #tpu.memory_space<hbm>> -> memref<320000xi32, #tpu.memory_space<hbm>>
        tpu.wait_indirect_dma semaphore(%arg27 : memref<!tpu.dma_semaphore, #tpu.memory_space<semaphore_mem>>) src(%dma_wait3A_321 : memref<320000xi32, #tpu.memory_space<hbm>>) dst(%dma_wait3A_318 : memref<128xi32, #tpu.memory_space<vmem>>)
        %dma_wait3A_322 = tpu.memref_slice %arg15[%mul3A_313] : memref<10240xf32, #tpu.memory_space<vmem>> -> memref<128xf32, #tpu.memory_space<vmem>>
        %dma_wait3A_323 = tpu.memref_slice %arg12[%mul3A_313] : memref<10240xi32, #tpu.memory_space<vmem>> -> memref<128xi32, #tpu.memory_space<vmem>>
        %dma_wait3A_324 = arith.constant 0 : i32
        %dma_wait3A_325 = tpu.memref_slice %arg6[%dma_wait3A_324] : memref<320000xf32, #tpu.memory_space<hbm>> -> memref<320000xf32, #tpu.memory_space<hbm>>
        tpu.wait_indirect_dma semaphore(%arg27 : memref<!tpu.dma_semaphore, #tpu.memory_space<semaphore_mem>>) src(%dma_wait3A_325 : memref<320000xf32, #tpu.memory_space<hbm>>) dst(%dma_wait3A_322 : memref<128xf32, #tpu.memory_space<vmem>>)
        %add3A_326 = arith.constant 2 : i32
        %add3A_327 = arith.addi %add3A_228, %add3A_326 : i32
        %mul3A_328 = arith.constant 128 : i32
        %mul3A_329 = arith.muli %add3A_327, %mul3A_328 : i32
        %dma_start3A_330 = tpu.memref_slice %arg13[%mul3A_329] : memref<10240xi32, #tpu.memory_space<vmem>> -> memref<128xi32, #tpu.memory_space<vmem>>
        %dma_start3A_331 = arith.constant 0 : i32
        %dma_start3A_332 = arith.constant 0 : i32
        %dma_start3A_333 = tpu.memref_slice %arg2[%dma_start3A_331, %dma_start3A_332] : memref<10000x128xf32, #tpu.memory_space<hbm>> -> memref<10000x128xf32, #tpu.memory_space<hbm>>
        tpu.enqueue_indirect_dma source(%dma_start3A_333 : memref<10000x128xf32, #tpu.memory_space<hbm>>) target(%arg16 : memref<128x128xf32, #tpu.memory_space<vmem>>) offsets(%dma_start3A_330 : memref<128xi32, #tpu.memory_space<vmem>>) semaphore(%arg28 : memref<!tpu.dma_semaphore, #tpu.memory_space<semaphore_mem>>)
        %dma_start3A_334 = tpu.memref_slice %arg14[%mul3A_329] : memref<10240xi32, #tpu.memory_space<vmem>> -> memref<128xi32, #tpu.memory_space<vmem>>
        %dma_start3A_335 = arith.constant 0 : i32
        %dma_start3A_336 = arith.constant 0 : i32
        %dma_start3A_337 = tpu.memref_slice %arg3[%dma_start3A_335, %dma_start3A_336] : memref<10000x128xf32, #tpu.memory_space<hbm>> -> memref<10000x128xf32, #tpu.memory_space<hbm>>
        tpu.enqueue_indirect_dma source(%dma_start3A_337 : memref<10000x128xf32, #tpu.memory_space<hbm>>) target(%arg18 : memref<128x128xf32, #tpu.memory_space<vmem>>) offsets(%dma_start3A_334 : memref<128xi32, #tpu.memory_space<vmem>>) semaphore(%arg28 : memref<!tpu.dma_semaphore, #tpu.memory_space<semaphore_mem>>)
      } else {
      }
      %mul3A_265 = arith.constant 2 : i32
      %mul3A_266 = arith.muli %mul3A_265, %scan3A_223 : i32
      %add3A_267 = arith.constant 1 : i32
      %add3A_268 = arith.addi %mul3A_266, %add3A_267 : i32
      %ge3A_269 = arith.constant 2 : i32
      %ge3A_270 = arith.cmpi sge, %add3A_268, %ge3A_269 : i32
      %convert_element_type3A_271 = arith.extui %ge3A_270 : i1 to i32
      %cond3A_272 = arith.constant 0 : i32
      %cond3A_273 = arith.cmpi ne, %convert_element_type3A_271, %cond3A_272 : i32
      scf.if %cond3A_273 {
        %sub3A = arith.constant 2 : i32
        %sub3A_310 = arith.subi %add3A_268, %sub3A : i32
        %mul3A_311 = arith.constant 4 : i32
        %mul3A_312 = arith.muli %sub3A_310, %mul3A_311 : i32
        %add3A_313 = arith.addi %mul3A_6, %mul3A_312 : i32
        %mul3A_314 = arith.constant 32 : i32
        %mul3A_315 = arith.muli %add3A_313, %mul3A_314 : i32
        %mul3A_316 = arith.constant 128 : i32
        %mul3A_317 = arith.muli %add3A_313, %mul3A_316 : i32
        %dma_wait3A_318 = tpu.memref_slice %arg10[%mul3A_315] : memref<327680xf32, #tpu.memory_space<hbm>> -> memref<128xf32, #tpu.memory_space<hbm>>
        %dma_wait3A_319 = tpu.memref_slice %arg10[%mul3A_315] : memref<327680xf32, #tpu.memory_space<hbm>> -> memref<128xf32, #tpu.memory_space<hbm>>
        tpu.wait_dma2 semaphore(%arg31 : memref<!tpu.dma_semaphore, #tpu.memory_space<semaphore_mem>>) src(%arg23 : memref<128xf32, #tpu.memory_space<vmem>>) dst(%dma_wait3A_319 : memref<128xf32, #tpu.memory_space<hbm>>)
        %dma_wait3A_320 = tpu.memref_slice %arg11[%mul3A_317] : memref<1310720xf32, #tpu.memory_space<hbm>> -> memref<512xf32, #tpu.memory_space<hbm>>
        %dma_wait3A_321 = tpu.memref_slice %arg11[%mul3A_317] : memref<1310720xf32, #tpu.memory_space<hbm>> -> memref<512xf32, #tpu.memory_space<hbm>>
        tpu.wait_dma2 semaphore(%arg31 : memref<!tpu.dma_semaphore, #tpu.memory_space<semaphore_mem>>) src(%arg25 : memref<512xf32, #tpu.memory_space<vmem>>) dst(%dma_wait3A_321 : memref<512xf32, #tpu.memory_space<hbm>>)
      } else {
      }
      %mul3A_274 = arith.constant 128 : i32
      %mul3A_275 = arith.muli %add3A_268, %mul3A_274 : i32
      %dma_wait3A_276 = tpu.memref_slice %arg13[%mul3A_275] : memref<10240xi32, #tpu.memory_space<vmem>> -> memref<128xi32, #tpu.memory_space<vmem>>
      %dma_wait3A_277 = arith.constant 0 : i32
      %dma_wait3A_278 = arith.constant 0 : i32
      %dma_wait3A_279 = tpu.memref_slice %arg2[%dma_wait3A_277, %dma_wait3A_278] : memref<10000x128xf32, #tpu.memory_space<hbm>> -> memref<10000x128xf32, #tpu.memory_space<hbm>>
      tpu.wait_indirect_dma semaphore(%arg29 : memref<!tpu.dma_semaphore, #tpu.memory_space<semaphore_mem>>) src(%dma_wait3A_279 : memref<10000x128xf32, #tpu.memory_space<hbm>>) dst(%arg17 : memref<128x128xf32, #tpu.memory_space<vmem>>)
      %dma_wait3A_280 = tpu.memref_slice %arg14[%mul3A_275] : memref<10240xi32, #tpu.memory_space<vmem>> -> memref<128xi32, #tpu.memory_space<vmem>>
      %dma_wait3A_281 = arith.constant 0 : i32
      %dma_wait3A_282 = arith.constant 0 : i32
      %dma_wait3A_283 = tpu.memref_slice %arg3[%dma_wait3A_281, %dma_wait3A_282] : memref<10000x128xf32, #tpu.memory_space<hbm>> -> memref<10000x128xf32, #tpu.memory_space<hbm>>
      tpu.wait_indirect_dma semaphore(%arg29 : memref<!tpu.dma_semaphore, #tpu.memory_space<semaphore_mem>>) src(%dma_wait3A_283 : memref<10000x128xf32, #tpu.memory_space<hbm>>) dst(%arg19 : memref<128x128xf32, #tpu.memory_space<vmem>>)
      %scan3A_284 = arith.constant 0 : i32
      %scan3A_285 = arith.constant 0 : i32
      %scan3A_286 = arith.constant 4 : i32
      %scan3A_287 = arith.addi %scan3A_285, %scan3A_286 : i32
      %scan3A_288 = arith.constant 1 : i32
      %scan3A_289 = scf.for %scan3A_310 = %scan3A_285 to %scan3A_287 step %scan3A_288 iter_args(%scan3A_311 = %scan3A_284) -> (i32)  : i32 {
        %scan3A_312 = arith.constant 0 : i32
        %scan3A_313 = arith.constant 16 : i32
        %scan3A_314 = arith.addi %scan3A_312, %scan3A_313 : i32
        %scan3A_315 = arith.constant 1 : i32
        %scan3A_316:8 = scf.for %scan3A_471 = %scan3A_312 to %scan3A_314 step %scan3A_315 iter_args(%scan3A_472 = %broadcast_in_dim3A_24, %scan3A_473 = %broadcast_in_dim3A_24, %scan3A_474 = %broadcast_in_dim3A_24, %scan3A_475 = %broadcast_in_dim3A_24, %scan3A_476 = %broadcast_in_dim3A_24, %scan3A_477 = %broadcast_in_dim3A_24, %scan3A_478 = %broadcast_in_dim3A_24, %scan3A_479 = %broadcast_in_dim3A_24) -> (vector<16xf32>, vector<16xf32>, vector<16xf32>, vector<16xf32>, vector<16xf32>, vector<16xf32>, vector<16xf32>, vector<16xf32>)  : i32 {
          %mul3A_480 = arith.constant 32 : i32
          %mul3A_481 = arith.muli %scan3A_310, %mul3A_480 : i32
          %add3A_482 = arith.addi %mul3A_481, %scan3A_471 : i32
          %mul3A_483 = arith.constant 128 : i32
          %mul3A_484 = arith.muli %add3A_268, %mul3A_483 : i32
          %add3A_485 = arith.addi %mul3A_484, %add3A_482 : i32
          %broadcast_in_dim3A_486 = vector.broadcast %add3A_485 : i32 to vector<16xi32>
          %gather3A_487 = tpu.vector_load_idx %arg15[%broadcast_in_dim3A_486] : memref<10240xf32, #tpu.memory_space<vmem>>[vector<16xi32>], vector<16xf32>,
          %get3A_488 = arith.index_cast %add3A_482 : i32 to index
          %get3A_489 = arith.constant 0 : index
          %get3A_490 = tpu.vector_load %arg17[%get3A_488, %get3A_489] {strides = array<i32>} : memref<128x128xf32, #tpu.memory_space<vmem>>, vector<16xf32>,
          %get3A_491 = arith.index_cast %add3A_482 : i32 to index
          %get3A_492 = arith.constant 0 : index
          %get3A_493 = tpu.vector_load %arg19[%get3A_491, %get3A_492] {strides = array<i32>} : memref<128x128xf32, #tpu.memory_space<vmem>>, vector<16xf32>,
          %mul3A_494 = arith.mulf %get3A_490, %gather3A_487 : vector<16xf32>
          %add3A_495 = arith.addf %mul3A_494, %get3A_493 : vector<16xf32>
          %max3A = arith.constant 0.000000e+00 : f32
          %max3A_496 = vector.broadcast %max3A : f32 to vector<16xf32>
          %max3A_497 = arith.maximumf %add3A_495, %max3A_496 : vector<16xf32>
          %add3A_498 = arith.addf %scan3A_472, %max3A_497 : vector<16xf32>
          %mul3A_499 = arith.mulf %max3A_497, %get3A_9 : vector<16xf32>
          %add3A_500 = arith.addf %broadcast_in_dim3A_24, %mul3A_499 : vector<16xf32>
          %get3A_501 = arith.index_cast %add3A_482 : i32 to index
          %get3A_502 = arith.constant 16 : index
          %get3A_503 = tpu.vector_load %arg17[%get3A_501, %get3A_502] {strides = array<i32>} : memref<128x128xf32, #tpu.memory_space<vmem>>, vector<16xf32>,
          %get3A_504 = arith.index_cast %add3A_482 : i32 to index
          %get3A_505 = arith.constant 16 : index
          %get3A_506 = tpu.vector_load %arg19[%get3A_504, %get3A_505] {strides = array<i32>} : memref<128x128xf32, #tpu.memory_space<vmem>>, vector<16xf32>,
          %mul3A_507 = arith.mulf %get3A_503, %gather3A_487 : vector<16xf32>
          %add3A_508 = arith.addf %mul3A_507, %get3A_506 : vector<16xf32>
          %max3A_509 = arith.constant 0.000000e+00 : f32
          %max3A_510 = vector.broadcast %max3A_509 : f32 to vector<16xf32>
          %max3A_511 = arith.maximumf %add3A_508, %max3A_510 : vector<16xf32>
          %add3A_512 = arith.addf %scan3A_473, %max3A_511 : vector<16xf32>
          %mul3A_513 = arith.mulf %max3A_511, %get3A_11 : vector<16xf32>
          %add3A_514 = arith.addf %add3A_500, %mul3A_513 : vector<16xf32>
          %get3A_515 = arith.index_cast %add3A_482 : i32 to index
          %get3A_516 = arith.constant 32 : index
          %get3A_517 = tpu.vector_load %arg17[%get3A_515, %get3A_516] {strides = array<i32>} : memref<128x128xf32, #tpu.memory_space<vmem>>, vector<16xf32>,
          %get3A_518 = arith.index_cast %add3A_482 : i32 to index
          %get3A_519 = arith.constant 32 : index
          %get3A_520 = tpu.vector_load %arg19[%get3A_518, %get3A_519] {strides = array<i32>} : memref<128x128xf32, #tpu.memory_space<vmem>>, vector<16xf32>,
          %mul3A_521 = arith.mulf %get3A_517, %gather3A_487 : vector<16xf32>
          %add3A_522 = arith.addf %mul3A_521, %get3A_520 : vector<16xf32>
          %max3A_523 = arith.constant 0.000000e+00 : f32
          %max3A_524 = vector.broadcast %max3A_523 : f32 to vector<16xf32>
          %max3A_525 = arith.maximumf %add3A_522, %max3A_524 : vector<16xf32>
          %add3A_526 = arith.addf %scan3A_474, %max3A_525 : vector<16xf32>
          %mul3A_527 = arith.mulf %max3A_525, %get3A_13 : vector<16xf32>
          %add3A_528 = arith.addf %add3A_514, %mul3A_527 : vector<16xf32>
          %get3A_529 = arith.index_cast %add3A_482 : i32 to index
          %get3A_530 = arith.constant 48 : index
          %get3A_531 = tpu.vector_load %arg17[%get3A_529, %get3A_530] {strides = array<i32>} : memref<128x128xf32, #tpu.memory_space<vmem>>, vector<16xf32>,
          %get3A_532 = arith.index_cast %add3A_482 : i32 to index
          %get3A_533 = arith.constant 48 : index
          %get3A_534 = tpu.vector_load %arg19[%get3A_532, %get3A_533] {strides = array<i32>} : memref<128x128xf32, #tpu.memory_space<vmem>>, vector<16xf32>,
          %mul3A_535 = arith.mulf %get3A_531, %gather3A_487 : vector<16xf32>
          %add3A_536 = arith.addf %mul3A_535, %get3A_534 : vector<16xf32>
          %max3A_537 = arith.constant 0.000000e+00 : f32
          %max3A_538 = vector.broadcast %max3A_537 : f32 to vector<16xf32>
          %max3A_539 = arith.maximumf %add3A_536, %max3A_538 : vector<16xf32>
          %add3A_540 = arith.addf %scan3A_475, %max3A_539 : vector<16xf32>
          %mul3A_541 = arith.mulf %max3A_539, %get3A_15 : vector<16xf32>
          %add3A_542 = arith.addf %add3A_528, %mul3A_541 : vector<16xf32>
          %get3A_543 = arith.index_cast %add3A_482 : i32 to index
          %get3A_544 = arith.constant 64 : index
          %get3A_545 = tpu.vector_load %arg17[%get3A_543, %get3A_544] {strides = array<i32>} : memref<128x128xf32, #tpu.memory_space<vmem>>, vector<16xf32>,
          %get3A_546 = arith.index_cast %add3A_482 : i32 to index
          %get3A_547 = arith.constant 64 : index
          %get3A_548 = tpu.vector_load %arg19[%get3A_546, %get3A_547] {strides = array<i32>} : memref<128x128xf32, #tpu.memory_space<vmem>>, vector<16xf32>,
          %mul3A_549 = arith.mulf %get3A_545, %gather3A_487 : vector<16xf32>
          %add3A_550 = arith.addf %mul3A_549, %get3A_548 : vector<16xf32>
          %max3A_551 = arith.constant 0.000000e+00 : f32
          %max3A_552 = vector.broadcast %max3A_551 : f32 to vector<16xf32>
          %max3A_553 = arith.maximumf %add3A_550, %max3A_552 : vector<16xf32>
          %add3A_554 = arith.addf %scan3A_476, %max3A_553 : vector<16xf32>
          %mul3A_555 = arith.mulf %max3A_553, %get3A_17 : vector<16xf32>
          %add3A_556 = arith.addf %add3A_542, %mul3A_555 : vector<16xf32>
          %get3A_557 = arith.index_cast %add3A_482 : i32 to index
          %get3A_558 = arith.constant 80 : index
          %get3A_559 = tpu.vector_load %arg17[%get3A_557, %get3A_558] {strides = array<i32>} : memref<128x128xf32, #tpu.memory_space<vmem>>, vector<16xf32>,
          %get3A_560 = arith.index_cast %add3A_482 : i32 to index
          %get3A_561 = arith.constant 80 : index
          %get3A_562 = tpu.vector_load %arg19[%get3A_560, %get3A_561] {strides = array<i32>} : memref<128x128xf32, #tpu.memory_space<vmem>>, vector<16xf32>,
          %mul3A_563 = arith.mulf %get3A_559, %gather3A_487 : vector<16xf32>
          %add3A_564 = arith.addf %mul3A_563, %get3A_562 : vector<16xf32>
          %max3A_565 = arith.constant 0.000000e+00 : f32
          %max3A_566 = vector.broadcast %max3A_565 : f32 to vector<16xf32>
          %max3A_567 = arith.maximumf %add3A_564, %max3A_566 : vector<16xf32>
          %add3A_568 = arith.addf %scan3A_477, %max3A_567 : vector<16xf32>
          %mul3A_569 = arith.mulf %max3A_567, %get3A_19 : vector<16xf32>
          %add3A_570 = arith.addf %add3A_556, %mul3A_569 : vector<16xf32>
          %get3A_571 = arith.index_cast %add3A_482 : i32 to index
          %get3A_572 = arith.constant 96 : index
          %get3A_573 = tpu.vector_load %arg17[%get3A_571, %get3A_572] {strides = array<i32>} : memref<128x128xf32, #tpu.memory_space<vmem>>, vector<16xf32>,
          %get3A_574 = arith.index_cast %add3A_482 : i32 to index
          %get3A_575 = arith.constant 96 : index
          %get3A_576 = tpu.vector_load %arg19[%get3A_574, %get3A_575] {strides = array<i32>} : memref<128x128xf32, #tpu.memory_space<vmem>>, vector<16xf32>,
          %mul3A_577 = arith.mulf %get3A_573, %gather3A_487 : vector<16xf32>
          %add3A_578 = arith.addf %mul3A_577, %get3A_576 : vector<16xf32>
          %max3A_579 = arith.constant 0.000000e+00 : f32
          %max3A_580 = vector.broadcast %max3A_579 : f32 to vector<16xf32>
          %max3A_581 = arith.maximumf %add3A_578, %max3A_580 : vector<16xf32>
          %add3A_582 = arith.addf %scan3A_478, %max3A_581 : vector<16xf32>
          %mul3A_583 = arith.mulf %max3A_581, %get3A_21 : vector<16xf32>
          %add3A_584 = arith.addf %add3A_570, %mul3A_583 : vector<16xf32>
          %get3A_585 = arith.index_cast %add3A_482 : i32 to index
          %get3A_586 = arith.constant 112 : index
          %get3A_587 = tpu.vector_load %arg17[%get3A_585, %get3A_586] {strides = array<i32>} : memref<128x128xf32, #tpu.memory_space<vmem>>, vector<16xf32>,
          %get3A_588 = arith.index_cast %add3A_482 : i32 to index
          %get3A_589 = arith.constant 112 : index
          %get3A_590 = tpu.vector_load %arg19[%get3A_588, %get3A_589] {strides = array<i32>} : memref<128x128xf32, #tpu.memory_space<vmem>>, vector<16xf32>,
          %mul3A_591 = arith.mulf %get3A_587, %gather3A_487 : vector<16xf32>
          %add3A_592 = arith.addf %mul3A_591, %get3A_590 : vector<16xf32>
          %max3A_593 = arith.constant 0.000000e+00 : f32
          %max3A_594 = vector.broadcast %max3A_593 : f32 to vector<16xf32>
          %max3A_595 = arith.maximumf %add3A_592, %max3A_594 : vector<16xf32>
          %add3A_596 = arith.addf %scan3A_479, %max3A_595 : vector<16xf32>
          %mul3A_597 = arith.mulf %max3A_595, %get3A_23 : vector<16xf32>
          %add3A_598 = arith.addf %add3A_584, %mul3A_597 : vector<16xf32>
          %jit3A = arith.constant 16 : i32
          %eq3A = arith.constant 0 : i32
          %eq3A_599 = arith.cmpi eq, %jit3A, %eq3A : i32
          %jit3A_600 = arith.constant 1 : i32
          %select_n3A = arith.select %eq3A_599, %jit3A_600, %jit3A : i32
          %rem3A = arith.remsi %scan3A_471, %select_n3A : i32
          %ne3A = arith.constant 0 : i32
          %ne3A_601 = arith.cmpi ne, %rem3A, %ne3A : i32
          %lt3A_602 = arith.constant 0 : i32
          %lt3A_603 = arith.cmpi slt, %rem3A, %lt3A_602 : i32
          %lt3A_604 = arith.constant 0 : i32
          %lt3A_605 = arith.cmpi slt, %select_n3A, %lt3A_604 : i32
          %ne3A_606 = arith.xori %lt3A_603, %lt3A_605 : i1
          %and3A = arith.andi %ne3A_606, %ne3A_601 : i1
          %add3A_607 = arith.addi %rem3A, %select_n3A : i32
          %select_n3A_608 = arith.select %and3A, %add3A_607, %rem3A : i32
          %mul3A_609 = arith.constant 16 : i32
          %mul3A_610 = arith.muli %select_n3A_608, %mul3A_609 : i32
          %swap3A_611 = arith.index_cast %mul3A_610 : i32 to index
          %swap3A_612 = tpu.vector_load %arg26[%swap3A_611] {strides = array<i32>} : memref<1024xf32, #tpu.memory_space<vmem>>, vector<16xf32>,
          tpu.vector_store %arg26[%swap3A_611], %add3A_598 {strides = array<i32>} : memref<1024xf32, #tpu.memory_space<vmem>>, vector<16xf32>,
          scf.yield %add3A_498, %add3A_512, %add3A_526, %add3A_540, %add3A_554, %add3A_568, %add3A_582, %add3A_596 : vector<16xf32>, vector<16xf32>, vector<16xf32>, vector<16xf32>, vector<16xf32>, vector<16xf32>, vector<16xf32>, vector<16xf32>
        }
        %scan3A_317 = arith.constant 16 : i32
        %gather3A = tpu.vector_load_idx %arg26[%add3A_30] : memref<1024xf32, #tpu.memory_space<vmem>>[vector<16xi32>], vector<16xf32>,
        %add3A_318 = arith.addf %get3A_7, %gather3A : vector<16xf32>
        %gather3A_319 = tpu.vector_load_idx %arg26[%add3A_37] : memref<1024xf32, #tpu.memory_space<vmem>>[vector<16xi32>], vector<16xf32>,
        %add3A_320 = arith.addf %add3A_318, %gather3A_319 : vector<16xf32>
        %gather3A_321 = tpu.vector_load_idx %arg26[%add3A_44] : memref<1024xf32, #tpu.memory_space<vmem>>[vector<16xi32>], vector<16xf32>,
        %add3A_322 = arith.addf %add3A_320, %gather3A_321 : vector<16xf32>
        %gather3A_323 = tpu.vector_load_idx %arg26[%add3A_51] : memref<1024xf32, #tpu.memory_space<vmem>>[vector<16xi32>], vector<16xf32>,
        %add3A_324 = arith.addf %add3A_322, %gather3A_323 : vector<16xf32>
        %gather3A_325 = tpu.vector_load_idx %arg26[%add3A_58] : memref<1024xf32, #tpu.memory_space<vmem>>[vector<16xi32>], vector<16xf32>,
        %add3A_326 = arith.addf %add3A_324, %gather3A_325 : vector<16xf32>
        %gather3A_327 = tpu.vector_load_idx %arg26[%add3A_65] : memref<1024xf32, #tpu.memory_space<vmem>>[vector<16xi32>], vector<16xf32>,
        %add3A_328 = arith.addf %add3A_326, %gather3A_327 : vector<16xf32>
        %gather3A_329 = tpu.vector_load_idx %arg26[%add3A_72] : memref<1024xf32, #tpu.memory_space<vmem>>[vector<16xi32>], vector<16xf32>,
        %add3A_330 = arith.addf %add3A_328, %gather3A_329 : vector<16xf32>
        %gather3A_331 = tpu.vector_load_idx %arg26[%add3A_79] : memref<1024xf32, #tpu.memory_space<vmem>>[vector<16xi32>], vector<16xf32>,
        %add3A_332 = arith.addf %add3A_330, %gather3A_331 : vector<16xf32>
        %gather3A_333 = tpu.vector_load_idx %arg26[%add3A_86] : memref<1024xf32, #tpu.memory_space<vmem>>[vector<16xi32>], vector<16xf32>,
        %add3A_334 = arith.addf %add3A_332, %gather3A_333 : vector<16xf32>
        %gather3A_335 = tpu.vector_load_idx %arg26[%add3A_93] : memref<1024xf32, #tpu.memory_space<vmem>>[vector<16xi32>], vector<16xf32>,
        %add3A_336 = arith.addf %add3A_334, %gather3A_335 : vector<16xf32>
        %gather3A_337 = tpu.vector_load_idx %arg26[%add3A_100] : memref<1024xf32, #tpu.memory_space<vmem>>[vector<16xi32>], vector<16xf32>,
        %add3A_338 = arith.addf %add3A_336, %gather3A_337 : vector<16xf32>
        %gather3A_339 = tpu.vector_load_idx %arg26[%add3A_107] : memref<1024xf32, #tpu.memory_space<vmem>>[vector<16xi32>], vector<16xf32>,
        %add3A_340 = arith.addf %add3A_338, %gather3A_339 : vector<16xf32>
        %gather3A_341 = tpu.vector_load_idx %arg26[%add3A_114] : memref<1024xf32, #tpu.memory_space<vmem>>[vector<16xi32>], vector<16xf32>,
        %add3A_342 = arith.addf %add3A_340, %gather3A_341 : vector<16xf32>
        %gather3A_343 = tpu.vector_load_idx %arg26[%add3A_121] : memref<1024xf32, #tpu.memory_space<vmem>>[vector<16xi32>], vector<16xf32>,
        %add3A_344 = arith.addf %add3A_342, %gather3A_343 : vector<16xf32>
        %gather3A_345 = tpu.vector_load_idx %arg26[%add3A_128] : memref<1024xf32, #tpu.memory_space<vmem>>[vector<16xi32>], vector<16xf32>,
        %add3A_346 = arith.addf %add3A_344, %gather3A_345 : vector<16xf32>
        %gather3A_347 = tpu.vector_load_idx %arg26[%add3A_135] : memref<1024xf32, #tpu.memory_space<vmem>>[vector<16xi32>], vector<16xf32>,
        %add3A_348 = arith.addf %add3A_346, %gather3A_347 : vector<16xf32>
        %mul3A_349 = arith.constant 32 : i32
        %mul3A_350 = arith.muli %scan3A_310, %mul3A_349 : i32
        %add3A_351 = arith.constant 0 : i32
        %add3A_352 = arith.addi %mul3A_350, %add3A_351 : i32
        %swap3A = arith.index_cast %add3A_352 : i32 to index
        %swap3A_353 = tpu.vector_load %arg23[%swap3A] {strides = array<i32>} : memref<128xf32, #tpu.memory_space<vmem>>, vector<16xf32>,
        tpu.vector_store %arg23[%swap3A], %add3A_348 {strides = array<i32>} : memref<128xf32, #tpu.memory_space<vmem>>, vector<16xf32>,
        %scan3A_354 = arith.constant 16 : i32
        %scan3A_355 = arith.constant 16 : i32
        %scan3A_356 = arith.addi %scan3A_354, %scan3A_355 : i32
        %scan3A_357 = arith.constant 1 : i32
        %scan3A_358:8 = scf.for %scan3A_471 = %scan3A_354 to %scan3A_356 step %scan3A_357 iter_args(%scan3A_472 = %scan3A_316#0, %scan3A_473 = %scan3A_316#1, %scan3A_474 = %scan3A_316#2, %scan3A_475 = %scan3A_316#3, %scan3A_476 = %scan3A_316#4, %scan3A_477 = %scan3A_316#5, %scan3A_478 = %scan3A_316#6, %scan3A_479 = %scan3A_316#7) -> (vector<16xf32>, vector<16xf32>, vector<16xf32>, vector<16xf32>, vector<16xf32>, vector<16xf32>, vector<16xf32>, vector<16xf32>)  : i32 {
          %mul3A_480 = arith.constant 32 : i32
          %mul3A_481 = arith.muli %scan3A_310, %mul3A_480 : i32
          %add3A_482 = arith.addi %mul3A_481, %scan3A_471 : i32
          %mul3A_483 = arith.constant 128 : i32
          %mul3A_484 = arith.muli %add3A_268, %mul3A_483 : i32
          %add3A_485 = arith.addi %mul3A_484, %add3A_482 : i32
          %broadcast_in_dim3A_486 = vector.broadcast %add3A_485 : i32 to vector<16xi32>
          %gather3A_487 = tpu.vector_load_idx %arg15[%broadcast_in_dim3A_486] : memref<10240xf32, #tpu.memory_space<vmem>>[vector<16xi32>], vector<16xf32>,
          %get3A_488 = arith.index_cast %add3A_482 : i32 to index
          %get3A_489 = arith.constant 0 : index
          %get3A_490 = tpu.vector_load %arg17[%get3A_488, %get3A_489] {strides = array<i32>} : memref<128x128xf32, #tpu.memory_space<vmem>>, vector<16xf32>,
          %get3A_491 = arith.index_cast %add3A_482 : i32 to index
          %get3A_492 = arith.constant 0 : index
          %get3A_493 = tpu.vector_load %arg19[%get3A_491, %get3A_492] {strides = array<i32>} : memref<128x128xf32, #tpu.memory_space<vmem>>, vector<16xf32>,
          %mul3A_494 = arith.mulf %get3A_490, %gather3A_487 : vector<16xf32>
          %add3A_495 = arith.addf %mul3A_494, %get3A_493 : vector<16xf32>
          %max3A = arith.constant 0.000000e+00 : f32
          %max3A_496 = vector.broadcast %max3A : f32 to vector<16xf32>
          %max3A_497 = arith.maximumf %add3A_495, %max3A_496 : vector<16xf32>
          %add3A_498 = arith.addf %scan3A_472, %max3A_497 : vector<16xf32>
          %mul3A_499 = arith.mulf %max3A_497, %get3A_9 : vector<16xf32>
          %add3A_500 = arith.addf %broadcast_in_dim3A_24, %mul3A_499 : vector<16xf32>
          %get3A_501 = arith.index_cast %add3A_482 : i32 to index
          %get3A_502 = arith.constant 16 : index
          %get3A_503 = tpu.vector_load %arg17[%get3A_501, %get3A_502] {strides = array<i32>} : memref<128x128xf32, #tpu.memory_space<vmem>>, vector<16xf32>,
          %get3A_504 = arith.index_cast %add3A_482 : i32 to index
          %get3A_505 = arith.constant 16 : index
          %get3A_506 = tpu.vector_load %arg19[%get3A_504, %get3A_505] {strides = array<i32>} : memref<128x128xf32, #tpu.memory_space<vmem>>, vector<16xf32>,
          %mul3A_507 = arith.mulf %get3A_503, %gather3A_487 : vector<16xf32>
          %add3A_508 = arith.addf %mul3A_507, %get3A_506 : vector<16xf32>
          %max3A_509 = arith.constant 0.000000e+00 : f32
          %max3A_510 = vector.broadcast %max3A_509 : f32 to vector<16xf32>
          %max3A_511 = arith.maximumf %add3A_508, %max3A_510 : vector<16xf32>
          %add3A_512 = arith.addf %scan3A_473, %max3A_511 : vector<16xf32>
          %mul3A_513 = arith.mulf %max3A_511, %get3A_11 : vector<16xf32>
          %add3A_514 = arith.addf %add3A_500, %mul3A_513 : vector<16xf32>
          %get3A_515 = arith.index_cast %add3A_482 : i32 to index
          %get3A_516 = arith.constant 32 : index
          %get3A_517 = tpu.vector_load %arg17[%get3A_515, %get3A_516] {strides = array<i32>} : memref<128x128xf32, #tpu.memory_space<vmem>>, vector<16xf32>,
          %get3A_518 = arith.index_cast %add3A_482 : i32 to index
          %get3A_519 = arith.constant 32 : index
          %get3A_520 = tpu.vector_load %arg19[%get3A_518, %get3A_519] {strides = array<i32>} : memref<128x128xf32, #tpu.memory_space<vmem>>, vector<16xf32>,
          %mul3A_521 = arith.mulf %get3A_517, %gather3A_487 : vector<16xf32>
          %add3A_522 = arith.addf %mul3A_521, %get3A_520 : vector<16xf32>
          %max3A_523 = arith.constant 0.000000e+00 : f32
          %max3A_524 = vector.broadcast %max3A_523 : f32 to vector<16xf32>
          %max3A_525 = arith.maximumf %add3A_522, %max3A_524 : vector<16xf32>
          %add3A_526 = arith.addf %scan3A_474, %max3A_525 : vector<16xf32>
          %mul3A_527 = arith.mulf %max3A_525, %get3A_13 : vector<16xf32>
          %add3A_528 = arith.addf %add3A_514, %mul3A_527 : vector<16xf32>
          %get3A_529 = arith.index_cast %add3A_482 : i32 to index
          %get3A_530 = arith.constant 48 : index
          %get3A_531 = tpu.vector_load %arg17[%get3A_529, %get3A_530] {strides = array<i32>} : memref<128x128xf32, #tpu.memory_space<vmem>>, vector<16xf32>,
          %get3A_532 = arith.index_cast %add3A_482 : i32 to index
          %get3A_533 = arith.constant 48 : index
          %get3A_534 = tpu.vector_load %arg19[%get3A_532, %get3A_533] {strides = array<i32>} : memref<128x128xf32, #tpu.memory_space<vmem>>, vector<16xf32>,
          %mul3A_535 = arith.mulf %get3A_531, %gather3A_487 : vector<16xf32>
          %add3A_536 = arith.addf %mul3A_535, %get3A_534 : vector<16xf32>
          %max3A_537 = arith.constant 0.000000e+00 : f32
          %max3A_538 = vector.broadcast %max3A_537 : f32 to vector<16xf32>
          %max3A_539 = arith.maximumf %add3A_536, %max3A_538 : vector<16xf32>
          %add3A_540 = arith.addf %scan3A_475, %max3A_539 : vector<16xf32>
          %mul3A_541 = arith.mulf %max3A_539, %get3A_15 : vector<16xf32>
          %add3A_542 = arith.addf %add3A_528, %mul3A_541 : vector<16xf32>
          %get3A_543 = arith.index_cast %add3A_482 : i32 to index
          %get3A_544 = arith.constant 64 : index
          %get3A_545 = tpu.vector_load %arg17[%get3A_543, %get3A_544] {strides = array<i32>} : memref<128x128xf32, #tpu.memory_space<vmem>>, vector<16xf32>,
          %get3A_546 = arith.index_cast %add3A_482 : i32 to index
          %get3A_547 = arith.constant 64 : index
          %get3A_548 = tpu.vector_load %arg19[%get3A_546, %get3A_547] {strides = array<i32>} : memref<128x128xf32, #tpu.memory_space<vmem>>, vector<16xf32>,
          %mul3A_549 = arith.mulf %get3A_545, %gather3A_487 : vector<16xf32>
          %add3A_550 = arith.addf %mul3A_549, %get3A_548 : vector<16xf32>
          %max3A_551 = arith.constant 0.000000e+00 : f32
          %max3A_552 = vector.broadcast %max3A_551 : f32 to vector<16xf32>
          %max3A_553 = arith.maximumf %add3A_550, %max3A_552 : vector<16xf32>
          %add3A_554 = arith.addf %scan3A_476, %max3A_553 : vector<16xf32>
          %mul3A_555 = arith.mulf %max3A_553, %get3A_17 : vector<16xf32>
          %add3A_556 = arith.addf %add3A_542, %mul3A_555 : vector<16xf32>
          %get3A_557 = arith.index_cast %add3A_482 : i32 to index
          %get3A_558 = arith.constant 80 : index
          %get3A_559 = tpu.vector_load %arg17[%get3A_557, %get3A_558] {strides = array<i32>} : memref<128x128xf32, #tpu.memory_space<vmem>>, vector<16xf32>,
          %get3A_560 = arith.index_cast %add3A_482 : i32 to index
          %get3A_561 = arith.constant 80 : index
          %get3A_562 = tpu.vector_load %arg19[%get3A_560, %get3A_561] {strides = array<i32>} : memref<128x128xf32, #tpu.memory_space<vmem>>, vector<16xf32>,
          %mul3A_563 = arith.mulf %get3A_559, %gather3A_487 : vector<16xf32>
          %add3A_564 = arith.addf %mul3A_563, %get3A_562 : vector<16xf32>
          %max3A_565 = arith.constant 0.000000e+00 : f32
          %max3A_566 = vector.broadcast %max3A_565 : f32 to vector<16xf32>
          %max3A_567 = arith.maximumf %add3A_564, %max3A_566 : vector<16xf32>
          %add3A_568 = arith.addf %scan3A_477, %max3A_567 : vector<16xf32>
          %mul3A_569 = arith.mulf %max3A_567, %get3A_19 : vector<16xf32>
          %add3A_570 = arith.addf %add3A_556, %mul3A_569 : vector<16xf32>
          %get3A_571 = arith.index_cast %add3A_482 : i32 to index
          %get3A_572 = arith.constant 96 : index
          %get3A_573 = tpu.vector_load %arg17[%get3A_571, %get3A_572] {strides = array<i32>} : memref<128x128xf32, #tpu.memory_space<vmem>>, vector<16xf32>,
          %get3A_574 = arith.index_cast %add3A_482 : i32 to index
          %get3A_575 = arith.constant 96 : index
          %get3A_576 = tpu.vector_load %arg19[%get3A_574, %get3A_575] {strides = array<i32>} : memref<128x128xf32, #tpu.memory_space<vmem>>, vector<16xf32>,
          %mul3A_577 = arith.mulf %get3A_573, %gather3A_487 : vector<16xf32>
          %add3A_578 = arith.addf %mul3A_577, %get3A_576 : vector<16xf32>
          %max3A_579 = arith.constant 0.000000e+00 : f32
          %max3A_580 = vector.broadcast %max3A_579 : f32 to vector<16xf32>
          %max3A_581 = arith.maximumf %add3A_578, %max3A_580 : vector<16xf32>
          %add3A_582 = arith.addf %scan3A_478, %max3A_581 : vector<16xf32>
          %mul3A_583 = arith.mulf %max3A_581, %get3A_21 : vector<16xf32>
          %add3A_584 = arith.addf %add3A_570, %mul3A_583 : vector<16xf32>
          %get3A_585 = arith.index_cast %add3A_482 : i32 to index
          %get3A_586 = arith.constant 112 : index
          %get3A_587 = tpu.vector_load %arg17[%get3A_585, %get3A_586] {strides = array<i32>} : memref<128x128xf32, #tpu.memory_space<vmem>>, vector<16xf32>,
          %get3A_588 = arith.index_cast %add3A_482 : i32 to index
          %get3A_589 = arith.constant 112 : index
          %get3A_590 = tpu.vector_load %arg19[%get3A_588, %get3A_589] {strides = array<i32>} : memref<128x128xf32, #tpu.memory_space<vmem>>, vector<16xf32>,
          %mul3A_591 = arith.mulf %get3A_587, %gather3A_487 : vector<16xf32>
          %add3A_592 = arith.addf %mul3A_591, %get3A_590 : vector<16xf32>
          %max3A_593 = arith.constant 0.000000e+00 : f32
          %max3A_594 = vector.broadcast %max3A_593 : f32 to vector<16xf32>
          %max3A_595 = arith.maximumf %add3A_592, %max3A_594 : vector<16xf32>
          %add3A_596 = arith.addf %scan3A_479, %max3A_595 : vector<16xf32>
          %mul3A_597 = arith.mulf %max3A_595, %get3A_23 : vector<16xf32>
          %add3A_598 = arith.addf %add3A_584, %mul3A_597 : vector<16xf32>
          %jit3A = arith.constant 16 : i32
          %eq3A = arith.constant 0 : i32
          %eq3A_599 = arith.cmpi eq, %jit3A, %eq3A : i32
          %jit3A_600 = arith.constant 1 : i32
          %select_n3A = arith.select %eq3A_599, %jit3A_600, %jit3A : i32
          %rem3A = arith.remsi %scan3A_471, %select_n3A : i32
          %ne3A = arith.constant 0 : i32
          %ne3A_601 = arith.cmpi ne, %rem3A, %ne3A : i32
          %lt3A_602 = arith.constant 0 : i32
          %lt3A_603 = arith.cmpi slt, %rem3A, %lt3A_602 : i32
          %lt3A_604 = arith.constant 0 : i32
          %lt3A_605 = arith.cmpi slt, %select_n3A, %lt3A_604 : i32
          %ne3A_606 = arith.xori %lt3A_603, %lt3A_605 : i1
          %and3A = arith.andi %ne3A_606, %ne3A_601 : i1
          %add3A_607 = arith.addi %rem3A, %select_n3A : i32
          %select_n3A_608 = arith.select %and3A, %add3A_607, %rem3A : i32
          %mul3A_609 = arith.constant 16 : i32
          %mul3A_610 = arith.muli %select_n3A_608, %mul3A_609 : i32
          %swap3A_611 = arith.index_cast %mul3A_610 : i32 to index
          %swap3A_612 = tpu.vector_load %arg26[%swap3A_611] {strides = array<i32>} : memref<1024xf32, #tpu.memory_space<vmem>>, vector<16xf32>,
          tpu.vector_store %arg26[%swap3A_611], %add3A_598 {strides = array<i32>} : memref<1024xf32, #tpu.memory_space<vmem>>, vector<16xf32>,
          scf.yield %add3A_498, %add3A_512, %add3A_526, %add3A_540, %add3A_554, %add3A_568, %add3A_582, %add3A_596 : vector<16xf32>, vector<16xf32>, vector<16xf32>, vector<16xf32>, vector<16xf32>, vector<16xf32>, vector<16xf32>, vector<16xf32>
        }
        %scan3A_359 = arith.constant 16 : i32
        %gather3A_360 = tpu.vector_load_idx %arg26[%add3A_30] : memref<1024xf32, #tpu.memory_space<vmem>>[vector<16xi32>], vector<16xf32>,
        %add3A_361 = arith.addf %get3A_7, %gather3A_360 : vector<16xf32>
        %gather3A_362 = tpu.vector_load_idx %arg26[%add3A_37] : memref<1024xf32, #tpu.memory_space<vmem>>[vector<16xi32>], vector<16xf32>,
        %add3A_363 = arith.addf %add3A_361, %gather3A_362 : vector<16xf32>
        %gather3A_364 = tpu.vector_load_idx %arg26[%add3A_44] : memref<1024xf32, #tpu.memory_space<vmem>>[vector<16xi32>], vector<16xf32>,
        %add3A_365 = arith.addf %add3A_363, %gather3A_364 : vector<16xf32>
        %gather3A_366 = tpu.vector_load_idx %arg26[%add3A_51] : memref<1024xf32, #tpu.memory_space<vmem>>[vector<16xi32>], vector<16xf32>,
        %add3A_367 = arith.addf %add3A_365, %gather3A_366 : vector<16xf32>
        %gather3A_368 = tpu.vector_load_idx %arg26[%add3A_58] : memref<1024xf32, #tpu.memory_space<vmem>>[vector<16xi32>], vector<16xf32>,
        %add3A_369 = arith.addf %add3A_367, %gather3A_368 : vector<16xf32>
        %gather3A_370 = tpu.vector_load_idx %arg26[%add3A_65] : memref<1024xf32, #tpu.memory_space<vmem>>[vector<16xi32>], vector<16xf32>,
        %add3A_371 = arith.addf %add3A_369, %gather3A_370 : vector<16xf32>
        %gather3A_372 = tpu.vector_load_idx %arg26[%add3A_72] : memref<1024xf32, #tpu.memory_space<vmem>>[vector<16xi32>], vector<16xf32>,
        %add3A_373 = arith.addf %add3A_371, %gather3A_372 : vector<16xf32>
        %gather3A_374 = tpu.vector_load_idx %arg26[%add3A_79] : memref<1024xf32, #tpu.memory_space<vmem>>[vector<16xi32>], vector<16xf32>,
        %add3A_375 = arith.addf %add3A_373, %gather3A_374 : vector<16xf32>
        %gather3A_376 = tpu.vector_load_idx %arg26[%add3A_86] : memref<1024xf32, #tpu.memory_space<vmem>>[vector<16xi32>], vector<16xf32>,
        %add3A_377 = arith.addf %add3A_375, %gather3A_376 : vector<16xf32>
        %gather3A_378 = tpu.vector_load_idx %arg26[%add3A_93] : memref<1024xf32, #tpu.memory_space<vmem>>[vector<16xi32>], vector<16xf32>,
        %add3A_379 = arith.addf %add3A_377, %gather3A_378 : vector<16xf32>
        %gather3A_380 = tpu.vector_load_idx %arg26[%add3A_100] : memref<1024xf32, #tpu.memory_space<vmem>>[vector<16xi32>], vector<16xf32>,
        %add3A_381 = arith.addf %add3A_379, %gather3A_380 : vector<16xf32>
        %gather3A_382 = tpu.vector_load_idx %arg26[%add3A_107] : memref<1024xf32, #tpu.memory_space<vmem>>[vector<16xi32>], vector<16xf32>,
        %add3A_383 = arith.addf %add3A_381, %gather3A_382 : vector<16xf32>
        %gather3A_384 = tpu.vector_load_idx %arg26[%add3A_114] : memref<1024xf32, #tpu.memory_space<vmem>>[vector<16xi32>], vector<16xf32>,
        %add3A_385 = arith.addf %add3A_383, %gather3A_384 : vector<16xf32>
        %gather3A_386 = tpu.vector_load_idx %arg26[%add3A_121] : memref<1024xf32, #tpu.memory_space<vmem>>[vector<16xi32>], vector<16xf32>,
        %add3A_387 = arith.addf %add3A_385, %gather3A_386 : vector<16xf32>
        %gather3A_388 = tpu.vector_load_idx %arg26[%add3A_128] : memref<1024xf32, #tpu.memory_space<vmem>>[vector<16xi32>], vector<16xf32>,
        %add3A_389 = arith.addf %add3A_387, %gather3A_388 : vector<16xf32>
        %gather3A_390 = tpu.vector_load_idx %arg26[%add3A_135] : memref<1024xf32, #tpu.memory_space<vmem>>[vector<16xi32>], vector<16xf32>,
        %add3A_391 = arith.addf %add3A_389, %gather3A_390 : vector<16xf32>
        %mul3A_392 = arith.constant 32 : i32
        %mul3A_393 = arith.muli %scan3A_310, %mul3A_392 : i32
        %add3A_394 = arith.constant 16 : i32
        %add3A_395 = arith.addi %mul3A_393, %add3A_394 : i32
        %swap3A_396 = arith.index_cast %add3A_395 : i32 to index
        %swap3A_397 = tpu.vector_load %arg23[%swap3A_396] {strides = array<i32>} : memref<128xf32, #tpu.memory_space<vmem>>, vector<16xf32>,
        tpu.vector_store %arg23[%swap3A_396], %add3A_391 {strides = array<i32>} : memref<128xf32, #tpu.memory_space<vmem>>, vector<16xf32>,
        %mul3A_398 = arith.constant 3.125000e-02 : f32
        %mul3A_399 = vector.broadcast %mul3A_398 : f32 to vector<16xf32>
        %mul3A_400 = arith.mulf %scan3A_358#0, %mul3A_399 : vector<16xf32>
        %mul3A_401 = arith.constant 128 : i32
        %mul3A_402 = arith.muli %scan3A_310, %mul3A_401 : i32
        %add3A_403 = arith.constant 0 : i32
        %add3A_404 = arith.addi %mul3A_402, %add3A_403 : i32
        %swap3A_405 = arith.index_cast %add3A_404 : i32 to index
        %swap3A_406 = tpu.vector_load %arg25[%swap3A_405] {strides = array<i32>} : memref<512xf32, #tpu.memory_space<vmem>>, vector<16xf32>,
        tpu.vector_store %arg25[%swap3A_405], %mul3A_400 {strides = array<i32>} : memref<512xf32, #tpu.memory_space<vmem>>, vector<16xf32>,
        %mul3A_407 = arith.constant 3.125000e-02 : f32
        %mul3A_408 = vector.broadcast %mul3A_407 : f32 to vector<16xf32>
        %mul3A_409 = arith.mulf %scan3A_358#1, %mul3A_408 : vector<16xf32>
        %mul3A_410 = arith.constant 128 : i32
        %mul3A_411 = arith.muli %scan3A_310, %mul3A_410 : i32
        %add3A_412 = arith.constant 16 : i32
        %add3A_413 = arith.addi %mul3A_411, %add3A_412 : i32
        %swap3A_414 = arith.index_cast %add3A_413 : i32 to index
        %swap3A_415 = tpu.vector_load %arg25[%swap3A_414] {strides = array<i32>} : memref<512xf32, #tpu.memory_space<vmem>>, vector<16xf32>,
        tpu.vector_store %arg25[%swap3A_414], %mul3A_409 {strides = array<i32>} : memref<512xf32, #tpu.memory_space<vmem>>, vector<16xf32>,
        %mul3A_416 = arith.constant 3.125000e-02 : f32
        %mul3A_417 = vector.broadcast %mul3A_416 : f32 to vector<16xf32>
        %mul3A_418 = arith.mulf %scan3A_358#2, %mul3A_417 : vector<16xf32>
        %mul3A_419 = arith.constant 128 : i32
        %mul3A_420 = arith.muli %scan3A_310, %mul3A_419 : i32
        %add3A_421 = arith.constant 32 : i32
        %add3A_422 = arith.addi %mul3A_420, %add3A_421 : i32
        %swap3A_423 = arith.index_cast %add3A_422 : i32 to index
        %swap3A_424 = tpu.vector_load %arg25[%swap3A_423] {strides = array<i32>} : memref<512xf32, #tpu.memory_space<vmem>>, vector<16xf32>,
        tpu.vector_store %arg25[%swap3A_423], %mul3A_418 {strides = array<i32>} : memref<512xf32, #tpu.memory_space<vmem>>, vector<16xf32>,
        %mul3A_425 = arith.constant 3.125000e-02 : f32
        %mul3A_426 = vector.broadcast %mul3A_425 : f32 to vector<16xf32>
        %mul3A_427 = arith.mulf %scan3A_358#3, %mul3A_426 : vector<16xf32>
        %mul3A_428 = arith.constant 128 : i32
        %mul3A_429 = arith.muli %scan3A_310, %mul3A_428 : i32
        %add3A_430 = arith.constant 48 : i32
        %add3A_431 = arith.addi %mul3A_429, %add3A_430 : i32
        %swap3A_432 = arith.index_cast %add3A_431 : i32 to index
        %swap3A_433 = tpu.vector_load %arg25[%swap3A_432] {strides = array<i32>} : memref<512xf32, #tpu.memory_space<vmem>>, vector<16xf32>,
        tpu.vector_store %arg25[%swap3A_432], %mul3A_427 {strides = array<i32>} : memref<512xf32, #tpu.memory_space<vmem>>, vector<16xf32>,
        %mul3A_434 = arith.constant 3.125000e-02 : f32
        %mul3A_435 = vector.broadcast %mul3A_434 : f32 to vector<16xf32>
        %mul3A_436 = arith.mulf %scan3A_358#4, %mul3A_435 : vector<16xf32>
        %mul3A_437 = arith.constant 128 : i32
        %mul3A_438 = arith.muli %scan3A_310, %mul3A_437 : i32
        %add3A_439 = arith.constant 64 : i32
        %add3A_440 = arith.addi %mul3A_438, %add3A_439 : i32
        %swap3A_441 = arith.index_cast %add3A_440 : i32 to index
        %swap3A_442 = tpu.vector_load %arg25[%swap3A_441] {strides = array<i32>} : memref<512xf32, #tpu.memory_space<vmem>>, vector<16xf32>,
        tpu.vector_store %arg25[%swap3A_441], %mul3A_436 {strides = array<i32>} : memref<512xf32, #tpu.memory_space<vmem>>, vector<16xf32>,
        %mul3A_443 = arith.constant 3.125000e-02 : f32
        %mul3A_444 = vector.broadcast %mul3A_443 : f32 to vector<16xf32>
        %mul3A_445 = arith.mulf %scan3A_358#5, %mul3A_444 : vector<16xf32>
        %mul3A_446 = arith.constant 128 : i32
        %mul3A_447 = arith.muli %scan3A_310, %mul3A_446 : i32
        %add3A_448 = arith.constant 80 : i32
        %add3A_449 = arith.addi %mul3A_447, %add3A_448 : i32
        %swap3A_450 = arith.index_cast %add3A_449 : i32 to index
        %swap3A_451 = tpu.vector_load %arg25[%swap3A_450] {strides = array<i32>} : memref<512xf32, #tpu.memory_space<vmem>>, vector<16xf32>,
        tpu.vector_store %arg25[%swap3A_450], %mul3A_445 {strides = array<i32>} : memref<512xf32, #tpu.memory_space<vmem>>, vector<16xf32>,
        %mul3A_452 = arith.constant 3.125000e-02 : f32
        %mul3A_453 = vector.broadcast %mul3A_452 : f32 to vector<16xf32>
        %mul3A_454 = arith.mulf %scan3A_358#6, %mul3A_453 : vector<16xf32>
        %mul3A_455 = arith.constant 128 : i32
        %mul3A_456 = arith.muli %scan3A_310, %mul3A_455 : i32
        %add3A_457 = arith.constant 96 : i32
        %add3A_458 = arith.addi %mul3A_456, %add3A_457 : i32
        %swap3A_459 = arith.index_cast %add3A_458 : i32 to index
        %swap3A_460 = tpu.vector_load %arg25[%swap3A_459] {strides = array<i32>} : memref<512xf32, #tpu.memory_space<vmem>>, vector<16xf32>,
        tpu.vector_store %arg25[%swap3A_459], %mul3A_454 {strides = array<i32>} : memref<512xf32, #tpu.memory_space<vmem>>, vector<16xf32>,
        %mul3A_461 = arith.constant 3.125000e-02 : f32
        %mul3A_462 = vector.broadcast %mul3A_461 : f32 to vector<16xf32>
        %mul3A_463 = arith.mulf %scan3A_358#7, %mul3A_462 : vector<16xf32>
        %mul3A_464 = arith.constant 128 : i32
        %mul3A_465 = arith.muli %scan3A_310, %mul3A_464 : i32
        %add3A_466 = arith.constant 112 : i32
        %add3A_467 = arith.addi %mul3A_465, %add3A_466 : i32
        %swap3A_468 = arith.index_cast %add3A_467 : i32 to index
        %swap3A_469 = tpu.vector_load %arg25[%swap3A_468] {strides = array<i32>} : memref<512xf32, #tpu.memory_space<vmem>>, vector<16xf32>,
        tpu.vector_store %arg25[%swap3A_468], %mul3A_463 {strides = array<i32>} : memref<512xf32, #tpu.memory_space<vmem>>, vector<16xf32>,
        %scan3A_470 = arith.constant 0 : i32
        scf.yield %scan3A_470 : i32
      }
      %scan3A_290 = arith.constant 4 : i32
      %mul3A_291 = arith.constant 4 : i32
      %mul3A_292 = arith.muli %add3A_268, %mul3A_291 : i32
      %add3A_293 = arith.addi %mul3A_6, %mul3A_292 : i32
      %mul3A_294 = arith.constant 32 : i32
      %mul3A_295 = arith.muli %add3A_293, %mul3A_294 : i32
      %mul3A_296 = arith.constant 128 : i32
      %mul3A_297 = arith.muli %add3A_293, %mul3A_296 : i32
      %dma_start3A_298 = tpu.memref_slice %arg10[%mul3A_295] : memref<327680xf32, #tpu.memory_space<hbm>> -> memref<128xf32, #tpu.memory_space<hbm>>
      %dma_start3A_299 = tpu.memref_slice %arg10[%mul3A_295] : memref<327680xf32, #tpu.memory_space<hbm>> -> memref<128xf32, #tpu.memory_space<hbm>>
      tpu.enqueue_dma source(%arg23 : memref<128xf32, #tpu.memory_space<vmem>>) target(%dma_start3A_299 : memref<128xf32, #tpu.memory_space<hbm>>) target_semaphore(%arg31 : memref<!tpu.dma_semaphore, #tpu.memory_space<semaphore_mem>>)
      %dma_start3A_300 = tpu.memref_slice %arg11[%mul3A_297] : memref<1310720xf32, #tpu.memory_space<hbm>> -> memref<512xf32, #tpu.memory_space<hbm>>
      %dma_start3A_301 = tpu.memref_slice %arg11[%mul3A_297] : memref<1310720xf32, #tpu.memory_space<hbm>> -> memref<512xf32, #tpu.memory_space<hbm>>
      tpu.enqueue_dma source(%arg25 : memref<512xf32, #tpu.memory_space<vmem>>) target(%dma_start3A_301 : memref<512xf32, #tpu.memory_space<hbm>>) target_semaphore(%arg31 : memref<!tpu.dma_semaphore, #tpu.memory_space<semaphore_mem>>)
      %add3A_302 = arith.constant 2 : i32
      %add3A_303 = arith.addi %add3A_268, %add3A_302 : i32
      %lt3A_304 = arith.constant 80 : i32
      %lt3A_305 = arith.cmpi slt, %add3A_303, %lt3A_304 : i32
      %convert_element_type3A_306 = arith.extui %lt3A_305 : i1 to i32
      %cond3A_307 = arith.constant 0 : i32
      %cond3A_308 = arith.cmpi ne, %convert_element_type3A_306, %cond3A_307 : i32
      scf.if %cond3A_308 {
        %add3A_310 = arith.constant 2 : i32
        %add3A_311 = arith.addi %add3A_268, %add3A_310 : i32
        %mul3A_312 = arith.constant 128 : i32
        %mul3A_313 = arith.muli %add3A_311, %mul3A_312 : i32
        %dma_wait3A_314 = tpu.memref_slice %arg13[%mul3A_313] : memref<10240xi32, #tpu.memory_space<vmem>> -> memref<128xi32, #tpu.memory_space<vmem>>
        %dma_wait3A_315 = tpu.memref_slice %arg12[%mul3A_313] : memref<10240xi32, #tpu.memory_space<vmem>> -> memref<128xi32, #tpu.memory_space<vmem>>
        %dma_wait3A_316 = arith.constant 0 : i32
        %dma_wait3A_317 = tpu.memref_slice %arg4[%dma_wait3A_316] : memref<320000xi32, #tpu.memory_space<hbm>> -> memref<320000xi32, #tpu.memory_space<hbm>>
        tpu.wait_indirect_dma semaphore(%arg27 : memref<!tpu.dma_semaphore, #tpu.memory_space<semaphore_mem>>) src(%dma_wait3A_317 : memref<320000xi32, #tpu.memory_space<hbm>>) dst(%dma_wait3A_314 : memref<128xi32, #tpu.memory_space<vmem>>)
        %dma_wait3A_318 = tpu.memref_slice %arg14[%mul3A_313] : memref<10240xi32, #tpu.memory_space<vmem>> -> memref<128xi32, #tpu.memory_space<vmem>>
        %dma_wait3A_319 = tpu.memref_slice %arg12[%mul3A_313] : memref<10240xi32, #tpu.memory_space<vmem>> -> memref<128xi32, #tpu.memory_space<vmem>>
        %dma_wait3A_320 = arith.constant 0 : i32
        %dma_wait3A_321 = tpu.memref_slice %arg5[%dma_wait3A_320] : memref<320000xi32, #tpu.memory_space<hbm>> -> memref<320000xi32, #tpu.memory_space<hbm>>
        tpu.wait_indirect_dma semaphore(%arg27 : memref<!tpu.dma_semaphore, #tpu.memory_space<semaphore_mem>>) src(%dma_wait3A_321 : memref<320000xi32, #tpu.memory_space<hbm>>) dst(%dma_wait3A_318 : memref<128xi32, #tpu.memory_space<vmem>>)
        %dma_wait3A_322 = tpu.memref_slice %arg15[%mul3A_313] : memref<10240xf32, #tpu.memory_space<vmem>> -> memref<128xf32, #tpu.memory_space<vmem>>
        %dma_wait3A_323 = tpu.memref_slice %arg12[%mul3A_313] : memref<10240xi32, #tpu.memory_space<vmem>> -> memref<128xi32, #tpu.memory_space<vmem>>
        %dma_wait3A_324 = arith.constant 0 : i32
        %dma_wait3A_325 = tpu.memref_slice %arg6[%dma_wait3A_324] : memref<320000xf32, #tpu.memory_space<hbm>> -> memref<320000xf32, #tpu.memory_space<hbm>>
        tpu.wait_indirect_dma semaphore(%arg27 : memref<!tpu.dma_semaphore, #tpu.memory_space<semaphore_mem>>) src(%dma_wait3A_325 : memref<320000xf32, #tpu.memory_space<hbm>>) dst(%dma_wait3A_322 : memref<128xf32, #tpu.memory_space<vmem>>)
        %add3A_326 = arith.constant 2 : i32
        %add3A_327 = arith.addi %add3A_268, %add3A_326 : i32
        %mul3A_328 = arith.constant 128 : i32
        %mul3A_329 = arith.muli %add3A_327, %mul3A_328 : i32
        %dma_start3A_330 = tpu.memref_slice %arg13[%mul3A_329] : memref<10240xi32, #tpu.memory_space<vmem>> -> memref<128xi32, #tpu.memory_space<vmem>>
        %dma_start3A_331 = arith.constant 0 : i32
        %dma_start3A_332 = arith.constant 0 : i32
        %dma_start3A_333 = tpu.memref_slice %arg2[%dma_start3A_331, %dma_start3A_332] : memref<10000x128xf32, #tpu.memory_space<hbm>> -> memref<10000x128xf32, #tpu.memory_space<hbm>>
        tpu.enqueue_indirect_dma source(%dma_start3A_333 : memref<10000x128xf32, #tpu.memory_space<hbm>>) target(%arg17 : memref<128x128xf32, #tpu.memory_space<vmem>>) offsets(%dma_start3A_330 : memref<128xi32, #tpu.memory_space<vmem>>) semaphore(%arg29 : memref<!tpu.dma_semaphore, #tpu.memory_space<semaphore_mem>>)
        %dma_start3A_334 = tpu.memref_slice %arg14[%mul3A_329] : memref<10240xi32, #tpu.memory_space<vmem>> -> memref<128xi32, #tpu.memory_space<vmem>>
        %dma_start3A_335 = arith.constant 0 : i32
        %dma_start3A_336 = arith.constant 0 : i32
        %dma_start3A_337 = tpu.memref_slice %arg3[%dma_start3A_335, %dma_start3A_336] : memref<10000x128xf32, #tpu.memory_space<hbm>> -> memref<10000x128xf32, #tpu.memory_space<hbm>>
        tpu.enqueue_indirect_dma source(%dma_start3A_337 : memref<10000x128xf32, #tpu.memory_space<hbm>>) target(%arg19 : memref<128x128xf32, #tpu.memory_space<vmem>>) offsets(%dma_start3A_334 : memref<128xi32, #tpu.memory_space<vmem>>) semaphore(%arg29 : memref<!tpu.dma_semaphore, #tpu.memory_space<semaphore_mem>>)
      } else {
      }
      %scan3A_309 = arith.constant 0 : i32
      scf.yield %scan3A_309 : i32
    }
    %scan3A_202 = arith.constant 40 : i32
    %add3A_203 = arith.constant 312 : i32
    %add3A_204 = arith.addi %mul3A_6, %add3A_203 : i32
    %mul3A_205 = arith.constant 32 : i32
    %mul3A_206 = arith.muli %add3A_204, %mul3A_205 : i32
    %mul3A_207 = arith.constant 128 : i32
    %mul3A_208 = arith.muli %add3A_204, %mul3A_207 : i32
    %dma_wait3A_209 = tpu.memref_slice %arg10[%mul3A_206] : memref<327680xf32, #tpu.memory_space<hbm>> -> memref<128xf32, #tpu.memory_space<hbm>>
    %dma_wait3A_210 = tpu.memref_slice %arg10[%mul3A_206] : memref<327680xf32, #tpu.memory_space<hbm>> -> memref<128xf32, #tpu.memory_space<hbm>>
    tpu.wait_dma2 semaphore(%arg30 : memref<!tpu.dma_semaphore, #tpu.memory_space<semaphore_mem>>) src(%arg22 : memref<128xf32, #tpu.memory_space<vmem>>) dst(%dma_wait3A_210 : memref<128xf32, #tpu.memory_space<hbm>>)
    %dma_wait3A_211 = tpu.memref_slice %arg11[%mul3A_208] : memref<1310720xf32, #tpu.memory_space<hbm>> -> memref<512xf32, #tpu.memory_space<hbm>>
    %dma_wait3A_212 = tpu.memref_slice %arg11[%mul3A_208] : memref<1310720xf32, #tpu.memory_space<hbm>> -> memref<512xf32, #tpu.memory_space<hbm>>
    tpu.wait_dma2 semaphore(%arg30 : memref<!tpu.dma_semaphore, #tpu.memory_space<semaphore_mem>>) src(%arg24 : memref<512xf32, #tpu.memory_space<vmem>>) dst(%dma_wait3A_212 : memref<512xf32, #tpu.memory_space<hbm>>)
    %add3A_213 = arith.constant 316 : i32
    %add3A_214 = arith.addi %mul3A_6, %add3A_213 : i32
    %mul3A_215 = arith.constant 32 : i32
    %mul3A_216 = arith.muli %add3A_214, %mul3A_215 : i32
    %mul3A_217 = arith.constant 128 : i32
    %mul3A_218 = arith.muli %add3A_214, %mul3A_217 : i32
    %dma_wait3A_219 = tpu.memref_slice %arg10[%mul3A_216] : memref<327680xf32, #tpu.memory_space<hbm>> -> memref<128xf32, #tpu.memory_space<hbm>>
    %dma_wait3A_220 = tpu.memref_slice %arg10[%mul3A_216] : memref<327680xf32, #tpu.memory_space<hbm>> -> memref<128xf32, #tpu.memory_space<hbm>>
    tpu.wait_dma2 semaphore(%arg31 : memref<!tpu.dma_semaphore, #tpu.memory_space<semaphore_mem>>) src(%arg23 : memref<128xf32, #tpu.memory_space<vmem>>) dst(%dma_wait3A_220 : memref<128xf32, #tpu.memory_space<hbm>>)
    %dma_wait3A_221 = tpu.memref_slice %arg11[%mul3A_218] : memref<1310720xf32, #tpu.memory_space<hbm>> -> memref<512xf32, #tpu.memory_space<hbm>>
    %dma_wait3A_222 = tpu.memref_slice %arg11[%mul3A_218] : memref<1310720xf32, #tpu.memory_space<hbm>> -> memref<512xf32, #tpu.memory_space<hbm>>
    tpu.wait_dma2 semaphore(%arg31 : memref<!tpu.dma_semaphore, #tpu.memory_space<semaphore_mem>>) src(%arg25 : memref<512xf32, #tpu.memory_space<vmem>>) dst(%dma_wait3A_222 : memref<512xf32, #tpu.memory_space<hbm>>)
    return
  }
}

module attributes {stable_mosaic.version = 14 : i64} {
  func.func @_lin_body(%arg0: i32, %arg1: memref<1000x128xf32, #tpu.memory_space<vmem>>, %arg2: memref<128x128xf32, #tpu.memory_space<vmem>>, %arg3: memref<1x128xf32, #tpu.memory_space<vmem>>, %arg4: memref<128x128xf32, #tpu.memory_space<vmem>>, %arg5: memref<1x128xf32, #tpu.memory_space<vmem>>, %arg6: memref<1000x128xf32, #tpu.memory_space<vmem>>, %arg7: memref<1000x128xf32, #tpu.memory_space<vmem>>) attributes {dimension_semantics = [#tpu.dimension_semantics<arbitrary>], iteration_bounds = array<i64: 10>, scalar_prefetch = 0 : i64, scratch_operands = 0 : i64, tpu.core_type = #tpu.core_type<tc>, window_params = [{transform_indices = @transform_0, window_bounds = array<i64: 1000, 128>}, {pipeline_mode = #tpu.pipeline_mode<synchronous>, transform_indices = @transform_1, window_bounds = array<i64: 128, 128>}, {pipeline_mode = #tpu.pipeline_mode<synchronous>, transform_indices = @transform_2, window_bounds = array<i64: 1, 128>}, {pipeline_mode = #tpu.pipeline_mode<synchronous>, transform_indices = @transform_3, window_bounds = array<i64: 128, 128>}, {pipeline_mode = #tpu.pipeline_mode<synchronous>, transform_indices = @transform_4, window_bounds = array<i64: 1, 128>}, {transform_indices = @transform_5, window_bounds = array<i64: 1000, 128>}, {transform_indices = @transform_6, window_bounds = array<i64: 1000, 128>}]} {
    %get3A = arith.constant 0 : index
    %get3A_0 = arith.constant 0 : index
    %get3A_1 = vector.load %arg1[%get3A, %get3A_0] : memref<1000x128xf32, #tpu.memory_space<vmem>>, vector<1000x128xf32>
    %get3A_2 = arith.constant 0 : index
    %get3A_3 = arith.constant 0 : index
    %get3A_4 = vector.load %arg2[%get3A_2, %get3A_3] : memref<128x128xf32, #tpu.memory_space<vmem>>, vector<128x128xf32>
    %dot_general3A = arith.constant dense<0.000000e+00> : vector<1000x128xf32>
    %dot_general3A_5 = tpu.matmul %get3A_1, %get3A_4, %dot_general3A {dimension_numbers = #tpu.dot_dimension_numbers<[1], [0], [0], [1], [0, 0, 1, 1], [], []>, transpose_lhs_hint = false} : vector<1000x128xf32>, vector<128x128xf32>, vector<1000x128xf32> -> vector<1000x128xf32>
    %get3A_6 = arith.constant 0 : index
    %get3A_7 = arith.constant 0 : index
    %get3A_8 = vector.load %arg3[%get3A_6, %get3A_7] : memref<1x128xf32, #tpu.memory_space<vmem>>, vector<1x128xf32>
    %add3A = vector.broadcast %get3A_8 : vector<1x128xf32> to vector<1000x128xf32>
    %add3A_9 = arith.addf %dot_general3A_5, %add3A : vector<1000x128xf32>
    %swap3A = arith.constant 0 : index
    %swap3A_10 = arith.constant 0 : index
    %swap3A_11 = vector.load %arg6[%swap3A, %swap3A_10] : memref<1000x128xf32, #tpu.memory_space<vmem>>, vector<1000x128xf32>
    tpu.vector_store %arg6[%swap3A, %swap3A_10], %add3A_9 {strides = array<i32>} : memref<1000x128xf32, #tpu.memory_space<vmem>>, vector<1000x128xf32>,
    %get3A_12 = arith.constant 0 : index
    %get3A_13 = arith.constant 0 : index
    %get3A_14 = vector.load %arg4[%get3A_12, %get3A_13] : memref<128x128xf32, #tpu.memory_space<vmem>>, vector<128x128xf32>
    %dot_general3A_15 = arith.constant dense<0.000000e+00> : vector<1000x128xf32>
    %dot_general3A_16 = tpu.matmul %get3A_1, %get3A_14, %dot_general3A_15 {dimension_numbers = #tpu.dot_dimension_numbers<[1], [0], [0], [1], [0, 0, 1, 1], [], []>, transpose_lhs_hint = false} : vector<1000x128xf32>, vector<128x128xf32>, vector<1000x128xf32> -> vector<1000x128xf32>
    %get3A_17 = arith.constant 0 : index
    %get3A_18 = arith.constant 0 : index
    %get3A_19 = vector.load %arg5[%get3A_17, %get3A_18] : memref<1x128xf32, #tpu.memory_space<vmem>>, vector<1x128xf32>
    %add3A_20 = vector.broadcast %get3A_19 : vector<1x128xf32> to vector<1000x128xf32>
    %add3A_21 = arith.addf %dot_general3A_16, %add3A_20 : vector<1000x128xf32>
    %swap3A_22 = arith.constant 0 : index
    %swap3A_23 = arith.constant 0 : index
    %swap3A_24 = vector.load %arg7[%swap3A_22, %swap3A_23] : memref<1000x128xf32, #tpu.memory_space<vmem>>, vector<1000x128xf32>
    tpu.vector_store %arg7[%swap3A_22, %swap3A_23], %add3A_21 {strides = array<i32>} : memref<1000x128xf32, #tpu.memory_space<vmem>>, vector<1000x128xf32>,
    return
  }
  func.func @transform_0(%arg0: i32) -> (i32, i32) {
    %c0_i32 = arith.constant 0 : i32
    %c0_i32_0 = arith.constant 0 : i32
    return %arg0, %c0_i32 : i32, i32
  }
  func.func @transform_1(%arg0: i32) -> (i32, i32) {
    %c0_i32 = arith.constant 0 : i32
    %c0_i32_0 = arith.constant 0 : i32
    %c0_i32_1 = arith.constant 0 : i32
    return %c0_i32, %c0_i32_0 : i32, i32
  }
  func.func @transform_2(%arg0: i32) -> (i32, i32) {
    %c0_i32 = arith.constant 0 : i32
    %c0_i32_0 = arith.constant 0 : i32
    %c0_i32_1 = arith.constant 0 : i32
    return %c0_i32, %c0_i32_0 : i32, i32
  }
  func.func @transform_3(%arg0: i32) -> (i32, i32) {
    %c0_i32 = arith.constant 0 : i32
    %c0_i32_0 = arith.constant 0 : i32
    %c0_i32_1 = arith.constant 0 : i32
    return %c0_i32, %c0_i32_0 : i32, i32
  }
  func.func @transform_4(%arg0: i32) -> (i32, i32) {
    %c0_i32 = arith.constant 0 : i32
    %c0_i32_0 = arith.constant 0 : i32
    %c0_i32_1 = arith.constant 0 : i32
    return %c0_i32, %c0_i32_0 : i32, i32
  }
  func.func @transform_5(%arg0: i32) -> (i32, i32) {
    %c0_i32 = arith.constant 0 : i32
    %c0_i32_0 = arith.constant 0 : i32
    return %arg0, %c0_i32 : i32, i32
  }
  func.func @transform_6(%arg0: i32) -> (i32, i32) {
    %c0_i32 = arith.constant 0 : i32
    %c0_i32_0 = arith.constant 0 : i32
    return %arg0, %c0_i32 : i32, i32
  }
}

</mosaic_0001>

<sc_bundles>
// kernel: kernel.4.cloned.1.call-start
scs
__scs_entry_jumppad:
0x0: {  	(pc) =	sbr.rel $0x88, $3  }
0x1: {  	(tag) =	ssettag $0x0;
	lr =	simm.s32 $0x1  }
0x2: {  	[smem:$0x3F97] =	sst lr;
	_ =	strace $0xD0000000  }
0x3: {  	_ = 	snop  }
0x4: {  	_ = 	snop  }
0x5: {  	_ = 	snop  }
0x6: {  	_ = 	snop  }
0x7: {  	_ = 	snop  }
__scs_overlays_trampoline_lowered:
0x8: {  	[smem:$0x3FA6] =	sst s0  }
0x9: {  	[smem:$0x3FA7] =	sst s1  }
0xa: {  	[smem:$0x3FA8] =	sst s2  }
0xb: {  	[smem:$0x3FA9] =	sst s3  }
0xc: {  	[smem:$0x3FAA] =	sst s4  }
0xd: {  	[smem:$0x3FAB] =	sst s5  }
0xe: {  	[smem:$0x3FAC] =	sst s6  }
0xf: {  	[smem:$0x3FAD] =	sst s7  }
0x10: {  	[smem:$0x3FAE] =	sst s8  }
0x11: {  	[smem:$0x3FAF] =	sst s9;
	s0 =	simm.s32 @!p0 $0x0  }
0x12: {  	s1 =	sld [smem:$0x3F95];
	s0 =	simm.s32 @p0 $0x1  }
0x13: {  	[smem:$0x3FB0] =	sst s0;
	s0 =	simm.s32 @!p1 $0x0  }
0x14: {  	s2 =	sld [smem:$0x3F94];
	s0 =	simm.s32 @p1 $0x1  }
0x15: {  	[smem:$0x3FB1] =	sst s0;
	s0 =	simm.s32 @!p2 $0x0  }
0x16: {  	s3 =	sld [smem:$0x3FDB];
	s0 =	simm.s32 @p2 $0x1  }
0x17: {  	s4 =	simm.s32 $0x1BF5;
	[smem:$0x3FB3] =	sst s0  }
0x18: {  	s0 =	sld [smem:$0x3F96];
	_ =	swait.ge [sflag:s4], $0x0  }
0x19: {  	s7 =	sld [smem:$0x3F97]  }
0x1a: {  	s8 =	sadd.s32 $0xFFFFE003, lr  }
0x1b: {  	s9 =	sadd.s32 $0xFFFFFEF7, lr;
	s5 =	simm.s32 $0xFFFFFFFF;
	p2 =	slt.u32 s8, $0xFFFFF086  }
0x1c: {  	p1 =	slt.u32 s9, $0xF7A;
	s5 =	simm.s32 @!p2 $0x0  }
0x1d: {  	s5 =	simm.s32 @p1 $0x1;
	p0 =	seq.s32 s7, s2  }
0x1e: {  	s7 =	smul.u32 @!p0 $0xF7A, s2;
	p2 =	seq.s32 @!p0 s5, $0x0  }
0x1f: {  	s9 =	smul.u32 $0xF7A, s1;
	s8 =	simm.s32 @!p0 $0x1BF5;
	p2 =	por !p2, p0  }
0x20: {  	[sflag:s8] =	ssyncset.s32 @!p0 $0xFFFFF086;
	s6 =	sadd.s32 @!p0 s3, s7;
	s7 =	simm.s32 @!p0 $0x108  }
0x21: {  	s3 =	sadd.s32 s3, s9;
	s6 =	sadd.s32 @!p0 $0x88, s6;
	s7 =	simm.s32 @p2 $0x1082  }
0x22: {  	[simem:s7], [sflag:s8] =	dma.local @!p0 [hbm:s6], $0xF7A  }
0x23: {  	s9 =	sor.u32 $0xD0000000, s2;
	s6 =	simm.s32 $0x108;
	_ =	swait.ge @!p0 [sflag:s8], $0x0  }
0x24: {  	s3 =	sadd.s32 $0x88, s3;
	s6 =	simm.s32 @!p1 $0x1082;
	[sflag:s4] =	ssyncset.s32 $0xFFFFF086  }
0x25: {  	[simem:s6], [sflag:s4] =	dma.local [hbm:s3], $0xF7A  }
0x26: {  	[smem:$0x3F97] =	sst s1;
	(tag) =	ssettag s2;
	_ =	strace s9  }
0x27: {  	s1 =	sld [smem:$0x3FA7]  }
0x28: {  	s2 =	sld [smem:$0x3FA8]  }
0x29: {  	s4 =	sld [smem:$0x3FAA]  }
0x2a: {  	p0 =	seq.s32 s5, $0x0;
	s5 =	sld [smem:$0x3FAB]  }
0x2b: {  	s6 =	sld [smem:$0x3FAC]  }
0x2c: {  	s7 =	sld [smem:$0x3FAD]  }
0x2d: {  	s3 =	simm.s32 $0x108;
	s8 =	sld [smem:$0x3FAE]  }
0x2e: {  	s3 =	simm.s32 @!p0 $0x1082;
	s9 =	sld [smem:$0x3FAF]  }
0x2f: {  	lr =	sadd.s32 s0, s3;
	s0 =	sld [smem:$0x3FA6]  }
0x30: {  	s3 =	sld [smem:$0x3FA9]  }
0x31: {  	[smem:$0x3FB2] =	sst s10  }
0x32: {  	s10 =	sld [smem:$0x3FB0];
	_ =	sdelay $0x3  }
0x33: {  	p0 =	seq.s32 s10, $0x1;
	s10 =	sld [smem:$0x3FB2];
	_ =	sdelay $0x3  }
0x34: {  	[smem:$0x3FB2] =	sst s10  }
0x35: {  	s10 =	sld [smem:$0x3FB1];
	_ =	sdelay $0x3  }
0x36: {  	p1 =	seq.s32 s10, $0x1;
	s10 =	sld [smem:$0x3FB2];
	_ =	sdelay $0x3  }
0x37: {  	[smem:$0x3FB2] =	sst s10  }
0x38: {  	s10 =	sld [smem:$0x3FB3]  }
0x39: {  	_ = 	snop;
	(pc) =	sbr.ind lr, $3  }
0x3a: {  	_ = 	snop  }
0x3b: {  	_ = 	snop  }
0x3c: {  	p2 =	seq.s32 s10, $0x1;
	s10 =	sld [smem:$0x3FB2]  }
0x3d: {  	_ =	shalt  }
0x3e: {  	_ =	shalt  }
0x3f: {  	_ =	shalt  }
0x40: {  	_ =	shalt  }
0x41: {  	_ =	shalt  }
0x42: {  	_ =	shalt  }
0x43: {  	_ =	shalt  }
0x44: {  	_ =	shalt  }
0x45: {  	_ =	shalt  }
0x46: {  	_ =	shalt  }
0x47: {  	_ =	shalt  }
0x48: {  	_ =	shalt  }
0x49: {  	_ =	shalt  }
0x4a: {  	_ =	shalt  }
0x4b: {  	_ =	shalt  }
0x4c: {  	_ =	shalt  }
0x4d: {  	_ =	shalt  }
0x4e: {  	_ =	shalt  }
0x4f: {  	_ =	shalt  }
0x50: {  	_ =	shalt  }
0x51: {  	_ =	shalt  }
0x52: {  	_ =	shalt  }
0x53: {  	_ =	shalt  }
0x54: {  	_ =	shalt  }
0x55: {  	_ =	shalt  }
0x56: {  	_ =	shalt  }
0x57: {  	_ =	shalt  }
0x58: {  	_ =	shalt  }
0x59: {  	_ =	shalt  }
0x5a: {  	_ =	shalt  }
0x5b: {  	_ =	shalt  }
0x5c: {  	_ =	shalt  }
0x5d: {  	_ =	shalt  }
0x5e: {  	_ =	shalt  }
0x5f: {  	_ =	shalt  }
0x60: {  	_ =	shalt  }
0x61: {  	_ =	shalt  }
0x62: {  	_ =	shalt  }
0x63: {  	_ =	shalt  }
0x64: {  	_ =	shalt  }
0x65: {  	_ =	shalt  }
0x66: {  	_ =	shalt  }
0x67: {  	_ =	shalt  }
0x68: {  	_ =	shalt  }
0x69: {  	_ =	shalt  }
0x6a: {  	_ =	shalt  }
0x6b: {  	_ =	shalt  }
0x6c: {  	_ =	shalt  }
0x6d: {  	_ =	shalt  }
0x6e: {  	_ =	shalt  }
0x6f: {  	_ =	shalt  }
0x70: {  	_ =	shalt  }
0x71: {  	_ =	shalt  }
0x72: {  	_ =	shalt  }
0x73: {  	_ =	shalt  }
0x74: {  	_ =	shalt  }
0x75: {  	_ =	shalt  }
0x76: {  	_ =	shalt  }
0x77: {  	_ =	shalt  }
0x78: {  	_ =	shalt  }
0x79: {  	_ =	shalt  }
0x7a: {  	_ =	shalt  }
0x7b: {  	_ =	shalt  }
0x7c: {  	_ =	shalt  }
0x7d: {  	_ =	shalt  }
0x7e: {  	_ =	shalt  }
0x7f: {  	_ =	shalt  }
0x80: {  	_ =	shalt  }
0x81: {  	_ =	shalt  }
0x82: {  	_ =	shalt  }
0x83: {  	_ =	shalt  }
0x84: {  	_ =	shalt  }
0x85: {  	_ =	shalt  }
0x86: {  	_ =	shalt  }
0x87: {  	_ =	shalt  }
.Lfunc_end0:
.L_simem_size_0:
called_computation_lowered:
.L_overlay_start_0:
0x88: {  	s2 =	sld [smem:$0x3FD9]  }
0x89: {  	s3 =	sld [smem:$0x3FFE];
	_ =	sdelay $0x1  }
0x8a: {  	s1 =	srdreg.scid  }
0x8b: {  	s0 =	sand.u32 $0x1, s1  }
0x8c: {  	s14 =	sshll.u32 s0, $0xA;
	s2 =	sadd.s32 s3, s2  }
0x8d: {  	s2 =	sadd.s32 s2, s14  }
0x8e: {  	[smem:$0x3FBE] =	sst s2  }
0x8f: {  	_ = 	snop  }
0x90: {  	s2 =	sld [smem:$0x3FD0];
	_ =	sdelay $0x2  }
0x91: {  	s4 =	simm.s32 $0xA;
	s5 =	simm.s32 $0x10;
	s15 =	sld [smem:$0x3FC1]  }
0x92: {  	[smem:s5], [sflag:s4] =	dma.local [hbm:s2], $0x1  }
0x93: {  	_ =	swait.eq [sflag:s4], $0x1  }
0x94: {  	[sflag:s4] =	ssyncset.done $0x0  }
0x95: {  	s16 =	sld [smem:$0x10];
	[sflag:s4] =	ssyncadd.s32 $0xFFFFFFFF  }
0x96: {  	s17 =	sld [smem:$0x11];
	(tm) =	ssettm $0x1  }
0x97: {  	s18 =	sld [smem:$0x3FFB];
	_ =	sdelay $0x3  }
0x98: {  	_ =	strace s18  }
0x99: {  	s5 =	sld [smem:$0x3FFC];
	_ =	sdelay $0x3  }
0x9a: {  	_ =	strace s5  }
0x9b: {  	s5 =	sld [smem:$0x3FFD];
	_ =	sdelay $0x3  }
0x9c: {  	_ =	strace s5  }
0x9d: {  	_ =	strace $0x8FFFFFFF  }
0x9e: {  	s19 =	sld [smem:$0x3FDB];
	_ =	sdelay $0x1  }
0x9f: {  	s6 =	simm.s32 $_scs_section_size  }
0xa0: {  	s7 =	simm.s32 $_size__tile_overlayer_lowered;
	s8 =	simm.s32 $_tile_overlayer_lowered  }
0xa1: {  	s22 =	simm.s32 $0x1BFF;
	s21 =	sshll.u32 s8, $0x1;
	s5 =	sadd.s32 s6, s19  }
0xa2: {  	s9 =	simm.s32 $0x0;
	s20 =	sshll.u32 s7, $0x1;
	s7 =	sadd.s32 s21, s5  }
0xa3: {  	[timem:s9], [sflag:s22] =	dma.local [hbm:s7], s20  }
0xa4: {  	_ =	swait.ge [sflag:s22], s20  }
0xa5: {  	s6 =	ssub.s32 $0x0, s20;
	[sflag:s22] =	ssyncset.done $0x0  }
0xa6: {  	[sflag:s22] =	ssyncadd.s32 s6;
	_ =	sdelay $0x1  }
0xa7: {  	s23 =	simm.s32 $0x1B8B  }
0xa8: {  	_ =	swait.ge [sflag:s23], $0x1  }
0xa9: {  	[sflag:s23] =	ssyncset.done $0x0  }
0xaa: {  	s25 =	simm.s32 $0x1B8E;
	s24 =	sld [smem:$0x3FFE];
	[sflag:s23] =	ssyncadd.s32 $0xFFFFFFFF  }
0xab: {  	s26 =	simm.s32 $execute0_lowered;
	[smem:$0x3FD2] =	sst s25  }
0xac: {  	s7 =	sshll.u32 s26, $0x1;
	_ =	strace $0x80000046;
	[dreg:$0x1] =	wrdreg $0xFFFFFFFF  }
0xad: {  	s28 =	simm.s32 $_size_execute0_lowered;
	s5 =	sadd.s32 s5, s7;
	[dreg:$0x0] =	wrdreg $0x0  }
0xae: {  	s7 =	sshll.u32 s28, $0x1;
	[dreg:$0x2] =	wrdreg s5  }
0xaf: {  	[dreg:$0x3] =	wrdreg s7  }
0xb0: {  	[dreg:$0x4] =	wrdreg $0xC0  }
0xb1: {  	_ =	task [dreg:s9], $0x5FFFF  }
0xb2: {  	[dreg:$0x1] =	wrdreg $0xFFFFFFFF  }
0xb3: {  	[dreg:$0x0] =	wrdreg $0x60  }
0xb4: {  	[dreg:$0x2] =	wrdreg s17  }
0xb5: {  	[dreg:$0x3] =	wrdreg s24  }
0xb6: {  	[dreg:$0x4] =	wrdreg s16  }
0xb7: {  	[dreg:$0x5] =	wrdreg s15  }
0xb8: {  	[dreg:$0x6] =	wrdreg $0x9  }
0xb9: {  	_ =	task.clear_ibuf [dreg:s9], $0x7FFFF;
	_ =	strace $0x90000046  }
0xba: {  	s29 =	simm.s32 $0x9;
	_ =	strace $0x80000048  }
0xbb: {  	_ =	swait.ge [sflag:s29], $0x1  }
0xbc: {  	[sflag:s29] =	ssyncadd.s32 $0xFFFFFFFF  }
0xbd: {  	_ =	strace $0x90000048  }
0xbe: {  	_ =	sfence  }
0xbf: {  	s30 =	sld [smem:$0x0];
	_ =	sdelay $0x2  }
0xc0: {  	s31 =	sshll.u32 s1, $0xD;
	s1 =	sshrl.u32 s1, $0x2  }
0xc1: {  	s3 =	sand.u32 $0x4000, s31;
	s1 =	sadd.s32 s1, s30  }
0xc2: {  	s0 =	sor.u32 s3, s0;
	s1 =	sshll.u32 s1, $0x11  }
0xc3: {  	s0 =	sor.u32 s1, s0  }
0xc4: {  	s0 =	sadd.s32 $0x8F2B, s0  }
0xc5: {  	[sflag:s0] =	ssyncadd.remote.s32 $0x1  }
0xc6: {  	_ =	sfence.sel $0xFFFF  }
0xc7: {  	[dreg:$0x0] =	wrdreg $0xFFFFFFFF;
	(pc) =	sbr.abs _section_cstart, $3  }
0xc8: {  	[dreg:$0x1] =	wrdreg $0xFFFFFFFF  }
0xc9: {  	_ =	task.clear_ibuf [dreg:s9], $0x2FFFF;
	_ =	strace $0x9FFFFFFF  }
0xca: {  	(tm) =	ssettm $0x7FFFFFFF  }
0xcb: {  	_ =	shalt  }
tec
execute0_lowered:
.L_overlay_start_1:
0x0: {  	(tag) =	ssettag $0x1  }
0x1: {  	s0 =	rddreg [dreg:$0x1]  }
0x2: {  	s1 =	rddreg [dreg:$0x2]  }
0x3: {  	s3 =	simm.s32 $0x0;
	s2 =	srdreg.scid;
	s4 =	stileid.u32  }
0x4: {  	s18 =	simm.s32 $0x80;
	s19 =	simm.s32 $0x1;
	s29 =	simm.s32 $0x2  }
0x5: {  	s30 =	simm.s32 $0x7800;
	s31 =	simm.s32 $0x1A590;
	s21 =	simm.s32 $0x5  }
0x6: {  	[smem:$0x7FF] =	sst s3;
	s5 =	sadd.s32 $0x1EE00, s0;
	s6 =	sadd.s32 $0xB200, s0  }
0x7: {  	v0 =	vlaneseq.u32;
	s7 =	sadd.s32 $0x1400, s0;
	s2 =	sand.u32 $0x1, s2;
	s4 =	sshll.u32 s4, $0x1  }
0x8: {  	s8 =	sadd.s32 $0x15000, s0;
	v0 =	vmul.u32 $0x10, v0;
	s9 =	ssub.s32 $0x2, s2;
	s2 =	sor.u32 s2, s4  }
0x9: {  	s25 =	sadd.s32 $0x46000, s0;
	s11 =	sadd.s32 $0x6E200, s0;
	s10 =	smul.u32 $0x4E4, s2  }
.Ltmp0:
0xa: {  	_ =	strace $0x80000047;
	[dreg:$0x5] =	wrdreg s25;
	v1 =	vor.u32 $0x1, v0;
	v2 =	vor.u32 $0x2, v0;
	v3 =	vor.u32 $0x3, v0;
	(pc) =	sbr.rel .LBB2_1-.Ltmp0, $4  }
0xb: {  	s0 =	sadd.s32 $0x46200, s0;
	[dreg:$0x6] =	wrdreg s11;
	s26 =	sshrl.u32 s9, $0x1;
	v4 =	vor.u32 $0x4, v0;
	v5 =	vor.u32 $0x5, v0;
	v6 =	vor.u32 $0x6, v0  }
0xc: {  	[dreg:$0x7] =	wrdreg s0;
	v7 =	vor.u32 $0x7, v0;
	v8 =	vor.u32 $0x8, v0;
	v9 =	vor.u32 $0x9, v0;
	s28 =	ssub.s32 s9, s26;
	s1 =	sadd.s32 s1, s10  }
0xd: {  	s12 =	smul.u32 $0x140, s2;
	v10 =	vor.u32 $0xA, v0;
	v11 =	vor.u32 $0xB, v0;
	v12 =	vor.u32 $0xC, v0;
	s0 =	smax.u32 s28, $0x1;
	[dreg:$0x8] =	wrdreg s1  }
0xe: {  	s2 =	simm.s32 $0x3;
	v13 =	vor.u32 $0xD, v0;
	v14 =	vor.u32 $0xE, v0;
	v15 =	vor.u32 $0xF, v0;
	[dreg:$0x9] =	wrdreg s0;
	s1 =	simm.s32 $0x0  }
.LBB2_20:
0xf: {  	s0 =	simm.s32 $0x4  }
0x10: {  	_ =	swait.ge [sflag:s0], $0x80  }
0x11: {  	[sflag:s0] =	ssyncset.done $0x0  }
0x12: {  	[sflag:s0] =	ssyncadd.s32 $0xFFFFFF80  }
0x13: {  	_ =	swait.ge [sflag:s0], $0x200  }
0x14: {  	[sflag:s0] =	ssyncset.done $0x0  }
0x15: {  	[sflag:s0] =	ssyncadd.s32 $0xFFFFFE00  }
0x16: {  	_ =	swait.ge [sflag:s21], $0x80  }
0x17: {  	[sflag:s21] =	ssyncset.done $0x0  }
0x18: {  	[sflag:s21] =	ssyncadd.s32 $0xFFFFFF80  }
0x19: {  	_ =	swait.ge [sflag:s21], $0x200  }
0x1a: {  	s1 =	rddreg [dreg:$0xa]  }
0x1b: {  	s28 =	rddreg [dreg:$0x9];
	s1 =	sadd.s32 $0x1, s1  }
0x1c: {  	p0 =	sne.s32 s1, s28  }
.Ltmp1:
0x1d: {  	_ = 	snop;
	(pc) =	sbr.rel @!p0 .LBB2_21-.Ltmp1, $3  }
0x1e: {  	_ =	sdelay $0x1  }
0x1f: {  	[sflag:s21] =	ssyncset.done $0x0  }
0x20: {  	[sflag:s21] =	ssyncadd.s32 $0xFFFFFE00  }
.LBB2_1:
0x21: {  	[dreg:$0xa] =	wrdreg s1  }
0x22: {  	s0 =	rddreg [dreg:$0x3];
	s22 =	simm.s32 $0x1A000;
	s23 =	simm.s32 $0x6  }
0x23: {  	[tilespmem:s22], [sflag:$0x6] =	stream.linear.gather [hbm4b:s0+s3], $0x80, $0x38;
	[tilespmem:$0x1A990] =	vst v63  }
0x24: {  	_ =	swait.ge [sflag:s23], $0x80  }
0x25: {  	[sflag:s23] =	ssyncset.done $0x0  }
0x26: {  	s4 =	simm.s32 $0x1A080;
	s24 =	rddreg [dreg:$0x5];
	[sflag:s23] =	ssyncadd.s32 $0xFFFFFF80  }
0x27: {  	[tilespmem:s4], [sflag:$0x6] =	stream.linear.gather [hbm4b:s24+s3], $0x10, $0x38;
	[tilespmem:$0x1A990] =	vst v63  }
0x28: {  	_ =	swait.ge [sflag:s23], $0x10  }
0x29: {  	[sflag:s23] =	ssyncset.done $0x0  }
0x2a: {  	[sflag:s23] =	ssyncadd.s32 $0xFFFFFFF0  }
0x2b: {  	v16 =	vld [tilespmem:$0x1A080]  }
0x2c: {  	v17 =	vld [tilespmem:$0x1A000]  }
0x2d: {  	v18 =	vld [tilespmem:$0x1A010]  }
0x2e: {  	v19 =	vld [tilespmem:$0x1A020]  }
0x2f: {  	v20 =	vld [tilespmem:$0x1A030]  }
0x30: {  	v21 =	vld [tilespmem:$0x1A040]  }
0x31: {  	v22 =	vld [tilespmem:$0x1A050]  }
0x32: {  	s25 =	rddreg [dreg:$0x8];
	v23 =	vld [tilespmem:$0x1A060]  }
0x33: {  	v24 =	vld [tilespmem:$0x1A070];
	[tilespmem:s3], [sflag:$0x6] =	stream.linear.gather [hbm4b:s25+s3], $0x2800, $0x38  }
0x34: {  	_ =	swait.ge [sflag:s23], $0x2800  }
0x35: {  	[sflag:s23] =	ssyncset.done $0x0  }
0x36: {  	s1 =	simm.s32 $0x0;
	s26 =	simm.s32 $0x2800;
	[sflag:s23] =	ssyncadd.s32 $0xFFFFD800  }
0x37: {  	[tilespmem:s26], [sflag:$0x1] =	stream.indirect.gather [hbm4b:s6+s18], $0x1, s1, s18, $0xb8;
	[tilespmem:$0x1A990] =	vst v63  }
0x38: {  	s28 =	simm.s32 $0x5000;
	s0 =	simm.s32 $0x200  }
0x39: {  	[tilespmem:s28], [sflag:$0x1] =	stream.indirect.gather [hbm4b:s7+s18], $0x1, s1, s18, $0xb8;
	[tilespmem:$0x1A990] =	vst v63  }
.LBB2_2:
0x3a: {  	s4 =	sshra.s32 s0, $0x2;
	s9 =	sadd.s32 $0x7800, s1;
	p0 =	sne.s32 s0, $0x9E00  }
0x3b: {  	[tilespmem:s9], [sflag:$0x1] =	stream.indirect.gather [hbm4b:s8+s18], $0x1, s1, s18, $0xb8;
	[tilespmem:$0x1A990] =	vst v63  }
.Ltmp2:
0x3c: {  	_ = 	snop;
	(pc) =	sbr.rel @p0 .LBB2_2-.Ltmp2, $4  }
0x3d: {  	s0 =	sadd.s32 $0x200, s0;
	s1 =	sadd.s32 $0x2800, s4  }
0x3e: {  	[tilespmem:s1], [sflag:$0x1] =	stream.indirect.gather [hbm4b:s6+s18], $0x1, s4, s18, $0xb8;
	[tilespmem:$0x1A990] =	vst v63  }
0x3f: {  	s9 =	sadd.s32 $0x5000, s4;
	s1 =	smov.u32 s4  }
0x40: {  	[tilespmem:s9], [sflag:$0x1] =	stream.indirect.gather [hbm4b:s7+s18], $0x1, s1, s18, $0xb8;
	[tilespmem:$0x1A990] =	vst v63  }
0x41: {  	s0 =	sadd.s32 $0x7800, s1  }
0x42: {  	[tilespmem:s0], [sflag:$0x1] =	stream.indirect.gather [hbm4b:s8+s18], $0x1, s1, s18, $0xb8;
	[tilespmem:$0x1A990] =	vst v63  }
0x43: {  	_ =	swait.ge [sflag:s19], $0x80  }
0x44: {  	[sflag:s19] =	ssyncset.done $0x0  }
0x45: {  	[sflag:s19] =	ssyncadd.s32 $0xFFFFFF80  }
0x46: {  	_ =	swait.ge [sflag:s19], $0x80  }
0x47: {  	[sflag:s19] =	ssyncset.done $0x0  }
0x48: {  	[sflag:s19] =	ssyncadd.s32 $0xFFFFFF80  }
0x49: {  	_ =	swait.ge [sflag:s19], $0x80  }
0x4a: {  	[sflag:s19] =	ssyncset.done $0x0  }
0x4b: {  	[sflag:s19] =	ssyncadd.s32 $0xFFFFFF80  }
0x4c: {  	s17 =	simm.s32 $0x2800;
	s4 =	simm.s32 $0xA000;
	s16 =	rddreg [dreg:$0x0]  }
0x4d: {  	[tilespmem:s4], [sflag:$0x2] =	stream.indirect.gather [hbm4b:s16+s18], $0x80, s17, s18, $0xb8;
	[tilespmem:$0x1A990] =	vst v63  }
0x4e: {  	s20 =	simm.s32 $0x5000;
	s22 =	simm.s32 $0x12000  }
0x4f: {  	[tilespmem:s22], [sflag:$0x2] =	stream.indirect.gather [hbm4b:s5+s18], $0x80, s20, s18, $0xb8;
	[tilespmem:$0x1A990] =	vst v63  }
0x50: {  	_ =	swait.ge [sflag:s19], $0x80  }
0x51: {  	[sflag:s19] =	ssyncset.done $0x0  }
0x52: {  	[sflag:s19] =	ssyncadd.s32 $0xFFFFFF80  }
0x53: {  	_ =	swait.ge [sflag:s19], $0x80  }
0x54: {  	[sflag:s19] =	ssyncset.done $0x0  }
0x55: {  	[sflag:s19] =	ssyncadd.s32 $0xFFFFFF80  }
0x56: {  	_ =	swait.ge [sflag:s19], $0x80  }
0x57: {  	[sflag:s19] =	ssyncset.done $0x0  }
0x58: {  	s23 =	simm.s32 $0x2880;
	s24 =	simm.s32 $0xE000;
	[sflag:s19] =	ssyncadd.s32 $0xFFFFFF80  }
0x59: {  	[tilespmem:s24], [sflag:$0x3] =	stream.indirect.gather [hbm4b:s16+s18], $0x80, s23, s18, $0xb8;
	[tilespmem:$0x1A990] =	vst v63  }
0x5a: {  	s25 =	simm.s32 $0x5080;
	s26 =	simm.s32 $0x16000  }
0x5b: {  	[tilespmem:s26], [sflag:$0x3] =	stream.indirect.gather [hbm4b:s5+s18], $0x80, s25, s18, $0xb8;
	[tilespmem:$0x1A990] =	vst v63  }
0x5c: {  	s28 =	simm.s32 $0x0;
	s25 =	simm.s32 $0x10;
	s26 =	simm.s32 $0x0  }
.LBB2_4:
0x5d: {  	p0 =	seq.s32 s26, $0x0  }
0x5e: {  	s0 =	simm.s32 @!p0 $0x4  }
0x5f: {  	_ =	swait.ge @!p0 [sflag:s0], $0x80  }
0x60: {  	[sflag:s0] =	ssyncset.done @!p0 $0x0  }
0x61: {  	[sflag:s0] =	ssyncadd.s32 @!p0 $0xFFFFFF80  }
0x62: {  	_ =	swait.ge @!p0 [sflag:s0], $0x200  }
0x63: {  	[sflag:s0] =	ssyncset.done @!p0 $0x0  }
0x64: {  	[sflag:s0] =	ssyncadd.s32 @!p0 $0xFFFFFE00  }
0x65: {  	_ =	swait.ge [sflag:s29], $0x4000  }
0x66: {  	s13 =	sshll.u32 s26, $0x1;
	[sflag:s29] =	ssyncset.done $0x0  }
0x67: {  	s9 =	sshll.u32 s26, $0x8;
	s14 =	simm.s32 $0xA040;
	[sflag:s29] =	ssyncadd.s32 $0xFFFFC000  }
0x68: {  	s20 =	simm.s32 $0x12070;
	s16 =	simm.s32 $0xA800;
	_ =	swait.ge [sflag:s29], $0x4000  }
0x69: {  	s22 =	simm.s32 $0x12870;
	s24 =	smov.u32 s25;
	[sflag:s29] =	ssyncset.done $0x0  }
0x6a: {  	s23 =	smov.u32 s28;
	s0 =	simm.s32 $0x0;
	[sflag:s29] =	ssyncadd.s32 $0xFFFFC000  }
.LBB2_5:
0x6b: {  	v31 =	vmov s14  }
0x6c: {  	v25 =	vmov s23  }
0x6d: {  	v27 =	vmov s20;
	_ =	sdelay $0x1  }
0x6e: {  	s1 =	simm.s32 $0x0  }
0x6f: {  	v26 =	vld.idx.msk [tilespmem:v31+s1+$0xFFFFFFC0 ss:$0x1], $0xffff  }
0x70: {  	v25 =	vld.idx.msk [tilespmem:v25+s30+$0x0], $0xffff  }
0x71: {  	v28 =	vld.idx.msk [tilespmem:v27+s1+$0xFFFFFF90 ss:$0x1], $0xffff  }
0x72: {  	v29 =	vld.idx.msk [tilespmem:v31+s1+$0xFFFFFFD0 ss:$0x1], $0xffff  }
0x73: {  	v30 =	vld.idx.msk [tilespmem:v27+s1+$0xFFFFFFA0 ss:$0x1], $0xffff  }
0x74: {  	v32 =	vld.idx.msk [tilespmem:v31+s1+$0xFFFFFFE0 ss:$0x1], $0xffff  }
0x75: {  	v33 =	vld.idx.msk [tilespmem:v27+s1+$0xFFFFFFB0 ss:$0x1], $0xffff;
	v26 =	vmul.f32 v26, v25  }
0x76: {  	v34 =	vld.idx.msk [tilespmem:v31+s1+$0xFFFFFFF0 ss:$0x1], $0xffff  }
0x77: {  	v35 =	vld.idx.msk [tilespmem:v27+s1+$0xFFFFFFC0 ss:$0x1], $0xffff;
	v26 =	vadd.f32 v28, v26;
	v28 =	vmul.f32 v29, v25  }
0x78: {  	v29 =	vld.idx.msk [tilespmem:v31+s1+$0x0 ss:$0x1], $0xffff  }
0x79: {  	v36 =	vld.idx.msk [tilespmem:v27+s1+$0xFFFFFFD0 ss:$0x1], $0xffff;
	v26 =	vmax.f32 v26, $0.0e+00;
	v28 =	vadd.f32 v30, v28;
	v30 =	vmul.f32 v32, v25  }
0x7a: {  	v62 =	vld.idx.msk [tilespmem:v31+s1+$0x10 ss:$0x1], $0xffff;
	v37 =	vmul.f32 v26, v17  }
0x7b: {  	v38 =	vld.idx.msk [tilespmem:v27+s1+$0xFFFFFFE0 ss:$0x1], $0xffff;
	v63 =	vmul.f32 v34, v25;
	v28 =	vmax.f32 v28, $0.0e+00;
	v30 =	vadd.f32 v33, v30  }
0x7c: {  	v44 =	vld.idx.msk [tilespmem:v31+s1+$0x20 ss:$0x1], $0xffff;
	v37 =	vadd.f32 $0.0e+00, v37;
	v39 =	vmul.f32 v28, v18  }
0x7d: {  	v40 =	vld.idx.msk [tilespmem:v27+s1+$0xFFFFFFF0 ss:$0x1], $0xffff;
	v33 =	vadd.f32 v35, v63;
	v29 =	vmul.f32 v29, v25;
	v30 =	vmax.f32 v30, $0.0e+00  }
0x7e: {  	v45 =	vld.idx.msk [tilespmem:v31+s1+$0x30 ss:$0x1], $0xffff;
	v37 =	vadd.f32 v39, v37;
	v46 =	vmul.f32 v30, v19  }
0x7f: {  	v32 =	vmul.f32 v62, v25;
	v33 =	vmax.f32 v33, $0.0e+00;
	v29 =	vadd.f32 v36, v29  }
0x80: {  	v47 =	vld.idx.msk [tilespmem:v27+s1+$0x0 ss:$0x1], $0xffff;
	v48 =	vmul.f32 v33, v20;
	v37 =	vadd.f32 v46, v37  }
0x81: {  	v34 =	vmul.f32 v44, v25;
	v32 =	vadd.f32 v38, v32;
	v29 =	vmax.f32 v29, $0.0e+00  }
0x82: {  	v49 =	vmul.f32 v29, v21;
	v37 =	vadd.f32 v48, v37  }
0x83: {  	v34 =	vadd.f32 v40, v34;
	v25 =	vmul.f32 v45, v25;
	v32 =	vmax.f32 v32, $0.0e+00  }
0x84: {  	v51 =	vmul.f32 v32, v22;
	v50 =	vadd.f32 v49, v37  }
0x85: {  	v34 =	vmax.f32 v34, $0.0e+00;
	v25 =	vadd.f32 v47, v25  }
0x86: {  	v52 =	vmul.f32 v34, v23;
	v35 =	vadd.f32 v51, v50  }
0x87: {  	v25 =	vmax.f32 v25, $0.0e+00  }
0x88: {  	s17 =	sadd.s32 $0x1, s23;
	v53 =	vmul.f32 v25, v24;
	v35 =	vadd.f32 v52, v35  }
0x89: {  	v54 =	vmov s17  }
0x8a: {  	v35 =	vadd.f32 v53, v35  }
0x8b: {  	s15 =	simm.s32 $0x1A590  }
0x8c: {  	s4 =	simm.s32 $0x80;
	[tilespmem:s15+$0x0] =	vst v35  }
0x8d: {  	v35 =	vld.idx.msk [tilespmem:v31+s4+$0xFFFFFFC0 ss:$0x1], $0xffff  }
0x8e: {  	v36 =	vld.idx.msk [tilespmem:v54+s30+$0x0], $0xffff  }
0x8f: {  	v55 =	vld.idx.msk [tilespmem:v27+s4+$0xFFFFFF90 ss:$0x1], $0xffff  }
0x90: {  	v56 =	vld.idx.msk [tilespmem:v31+s4+$0xFFFFFFD0 ss:$0x1], $0xffff  }
0x91: {  	v57 =	vld.idx.msk [tilespmem:v27+s4+$0xFFFFFFA0 ss:$0x1], $0xffff  }
0x92: {  	v58 =	vld.idx.msk [tilespmem:v31+s4+$0xFFFFFFE0 ss:$0x1], $0xffff  }
0x93: {  	v41 =	vld.idx.msk [tilespmem:v27+s4+$0xFFFFFFB0 ss:$0x1], $0xffff;
	v35 =	vmul.f32 v35, v36  }
0x94: {  	v42 =	vimm.f32 $0.0e+00;
	v43 =	vld.idx.msk [tilespmem:v31+s4+$0xFFFFFFF0 ss:$0x1], $0xffff  }
0x95: {  	v26 =	vadd.f32 v26, v42;
	v44 =	vld.idx.msk [tilespmem:v27+s4+$0xFFFFFFC0 ss:$0x1], $0xffff;
	v59 =	vmul.f32 v56, v36;
	v35 =	vadd.f32 v55, v35  }
0x96: {  	v34 =	vadd.f32 v34, v42;
	v28 =	vadd.f32 v28, v42;
	v60 =	vld.idx.msk [tilespmem:v31+s4+$0x0 ss:$0x1], $0xffff  }
0x97: {  	v45 =	vld.idx.msk [tilespmem:v27+s4+$0xFFFFFFD0 ss:$0x1], $0xffff;
	v61 =	vmul.f32 v58, v36;
	v37 =	vadd.f32 v57, v59;
	v35 =	vmax.f32 v35, $0.0e+00  }
0x98: {  	v30 =	vadd.f32 v30, v42;
	v40 =	vadd.f32 v29, v42;
	v29 =	vld.idx.msk [tilespmem:v31+s4+$0x10 ss:$0x1], $0xffff;
	v46 =	vmul.f32 v35, v17  }
0x99: {  	v52 =	vld.idx.msk [tilespmem:v31+s4+$0x20 ss:$0x1], $0xffff;
	v62 =	vmul.f32 v43, v36;
	v39 =	vadd.f32 v41, v61;
	v37 =	vmax.f32 v37, $0.0e+00  }
0x9a: {  	v33 =	vadd.f32 v33, v42;
	v47 =	vld.idx.msk [tilespmem:v27+s4+$0xFFFFFFE0 ss:$0x1], $0xffff;
	v48 =	vmul.f32 v37, v18;
	v46 =	vadd.f32 $0.0e+00, v46  }
0x9b: {  	v53 =	vld.idx.msk [tilespmem:v27+s4+$0xFFFFFFF0 ss:$0x1], $0xffff;
	v38 =	vmul.f32 v60, v36;
	v41 =	vadd.f32 v44, v62;
	v39 =	vmax.f32 v39, $0.0e+00  }
0x9c: {  	v63 =	vadd.f32 v32, v42;
	v55 =	vld.idx.msk [tilespmem:v31+s4+$0x30 ss:$0x1], $0xffff;
	v54 =	vmul.f32 v39, v19;
	v46 =	vadd.f32 v48, v46  }
0x9d: {  	v29 =	vmul.f32 v29, v36;
	v38 =	vadd.f32 v45, v38;
	v41 =	vmax.f32 v41, $0.0e+00  }
0x9e: {  	v32 =	vmul.f32 v52, v36;
	v57 =	vld.idx.msk [tilespmem:v27+s4+$0x0 ss:$0x1], $0xffff;
	v56 =	vmul.f32 v41, v20;
	v46 =	vadd.f32 v54, v46  }
0x9f: {  	v42 =	vadd.f32 v25, v42;
	v29 =	vadd.f32 v47, v29;
	v38 =	vmax.f32 v38, $0.0e+00  }
0xa0: {  	v32 =	vadd.f32 v53, v32;
	v59 =	vmul.f32 v38, v21;
	v58 =	vadd.f32 v56, v46  }
0xa1: {  	v60 =	vmax.f32 v29, $0.0e+00;
	v25 =	vadd.f32 v35, v26;
	v36 =	vmul.f32 v55, v36  }
0xa2: {  	v26 =	vadd.f32 v37, v28;
	v61 =	vmul.f32 v60, v22;
	v35 =	vadd.f32 v59, v58  }
0xa3: {  	v28 =	vadd.f32 v39, v30;
	v30 =	vmax.f32 v32, $0.0e+00;
	v36 =	vadd.f32 v57, v36  }
0xa4: {  	v62 =	vmul.f32 v30, v23;
	v35 =	vadd.f32 v61, v35  }
0xa5: {  	v29 =	vadd.f32 v41, v33;
	v33 =	vadd.f32 v60, v63;
	v63 =	vmax.f32 v36, $0.0e+00  }
0xa6: {  	s17 =	sadd.s32 $0x1, s17;
	v32 =	vadd.f32 v38, v40;
	v37 =	vmul.f32 v63, v24;
	v36 =	vadd.f32 v62, v35  }
0xa7: {  	s10 =	simm.s32 $0x600;
	s1 =	simm.s32 $0x400;
	s4 =	sshll.u32 s0, $0x5;
	v30 =	vadd.f32 v30, v34;
	v34 =	vadd.f32 v63, v42;
	v35 =	vmov s17  }
.LBB2_6:
0xa8: {  	p0 =	sne.s32 s10, $0x1E00;
	v36 =	vadd.f32 v37, v36  }
0xa9: {  	s15 =	sadd.s32 $0x10, s15  }
0xaa: {  	s11 =	sshra.s32 s1, $0x2;
	s1 =	smov.u32 s10;
	[tilespmem:s15+$0x0] =	vst v36  }
0xab: {  	v36 =	vld.idx.msk [tilespmem:v31+s11+$0xFFFFFFC0 ss:$0x1], $0xffff  }
0xac: {  	v35 =	vld.idx.msk [tilespmem:v35+s30+$0x0], $0xffff  }
0xad: {  	v37 =	vld.idx.msk [tilespmem:v27+s11+$0xFFFFFF90 ss:$0x1], $0xffff  }
0xae: {  	v38 =	vld.idx.msk [tilespmem:v31+s11+$0xFFFFFFD0 ss:$0x1], $0xffff  }
0xaf: {  	v39 =	vld.idx.msk [tilespmem:v27+s11+$0xFFFFFFA0 ss:$0x1], $0xffff  }
0xb0: {  	v40 =	vld.idx.msk [tilespmem:v31+s11+$0xFFFFFFE0 ss:$0x1], $0xffff  }
0xb1: {  	v41 =	vld.idx.msk [tilespmem:v27+s11+$0xFFFFFFB0 ss:$0x1], $0xffff  }
0xb2: {  	v36 =	vmul.f32 v36, v35;
	v42 =	vld.idx.msk [tilespmem:v31+s11+$0xFFFFFFF0 ss:$0x1], $0xffff  }
0xb3: {  	v43 =	vld.idx.msk [tilespmem:v27+s11+$0xFFFFFFC0 ss:$0x1], $0xffff  }
0xb4: {  	v36 =	vadd.f32 v37, v36;
	v37 =	vmul.f32 v38, v35;
	v38 =	vld.idx.msk [tilespmem:v31+s11+$0x0 ss:$0x1], $0xffff  }
0xb5: {  	v44 =	vld.idx.msk [tilespmem:v27+s11+$0xFFFFFFD0 ss:$0x1], $0xffff  }
0xb6: {  	v36 =	vmax.f32 v36, $0.0e+00;
	v37 =	vadd.f32 v39, v37;
	v39 =	vmul.f32 v40, v35;
	v40 =	vld.idx.msk [tilespmem:v31+s11+$0x10 ss:$0x1], $0xffff  }
0xb7: {  	v25 =	vadd.f32 v36, v25;
	v36 =	vmul.f32 v36, v17;
	v45 =	vld.idx.msk [tilespmem:v27+s11+$0xFFFFFFE0 ss:$0x1], $0xffff  }
0xb8: {  	v37 =	vmax.f32 v37, $0.0e+00;
	v39 =	vadd.f32 v41, v39;
	v41 =	vmul.f32 v42, v35;
	v42 =	vld.idx.msk [tilespmem:v31+s11+$0x20 ss:$0x1], $0xffff  }
0xb9: {  	v36 =	vadd.f32 $0.0e+00, v36;
	v26 =	vadd.f32 v37, v26;
	v37 =	vmul.f32 v37, v18;
	v46 =	vld.idx.msk [tilespmem:v27+s11+$0xFFFFFFF0 ss:$0x1], $0xffff  }
0xba: {  	v39 =	vmax.f32 v39, $0.0e+00;
	v41 =	vadd.f32 v43, v41;
	v38 =	vmul.f32 v38, v35;
	v43 =	vld.idx.msk [tilespmem:v31+s11+$0x30 ss:$0x1], $0xffff  }
0xbb: {  	v36 =	vadd.f32 v37, v36;
	v28 =	vadd.f32 v39, v28;
	v37 =	vmul.f32 v39, v19  }
0xbc: {  	v39 =	vmax.f32 v41, $0.0e+00;
	v38 =	vadd.f32 v44, v38;
	v40 =	vmul.f32 v40, v35;
	v41 =	vld.idx.msk [tilespmem:v27+s11+$0x0 ss:$0x1], $0xffff  }
0xbd: {  	v36 =	vadd.f32 v37, v36;
	v29 =	vadd.f32 v39, v29;
	v37 =	vmul.f32 v39, v20  }
0xbe: {  	v38 =	vmax.f32 v38, $0.0e+00;
	v39 =	vadd.f32 v45, v40;
	v40 =	vmul.f32 v42, v35  }
0xbf: {  	v36 =	vadd.f32 v37, v36;
	v32 =	vadd.f32 v38, v32;
	v37 =	vmul.f32 v38, v21  }
0xc0: {  	v38 =	vmax.f32 v39, $0.0e+00;
	v39 =	vadd.f32 v46, v40;
	v35 =	vmul.f32 v43, v35  }
0xc1: {  	v36 =	vadd.f32 v37, v36;
	v33 =	vadd.f32 v38, v33;
	v37 =	vmul.f32 v38, v22  }
.Ltmp3:
0xc2: {  	v38 =	vmax.f32 v39, $0.0e+00;
	v35 =	vadd.f32 v41, v35;
	(pc) =	sbr.rel @p0 .LBB2_6-.Ltmp3, $4  }
0xc3: {  	v36 =	vadd.f32 v37, v36;
	v30 =	vadd.f32 v38, v30;
	v37 =	vmul.f32 v38, v23  }
0xc4: {  	v35 =	vmax.f32 v35, $0.0e+00  }
0xc5: {  	s17 =	sadd.s32 $0x1, s17;
	v36 =	vadd.f32 v37, v36;
	v34 =	vadd.f32 v35, v34;
	v37 =	vmul.f32 v35, v24  }
0xc6: {  	s10 =	sadd.s32 $0x200, s10;
	v35 =	vmov s17  }
0xc7: {  	_ = 	snop  }
0xc8: {  	v36 =	vadd.f32 v37, v36  }
0xc9: {  	s10 =	sadd.s32 $0x10, s15  }
0xca: {  	s1 =	sshra.s32 s1, $0x2;
	[tilespmem:s10+$0x0] =	vst v36  }
0xcb: {  	v36 =	vld.idx.msk [tilespmem:v31+s1+$0xFFFFFFC0 ss:$0x1], $0xffff  }
0xcc: {  	v40 =	vld.idx.msk [tilespmem:v35+s30+$0x0], $0xffff  }
0xcd: {  	v55 =	vld.idx.msk [tilespmem:v27+s1+$0xFFFFFF90 ss:$0x1], $0xffff  }
0xce: {  	v56 =	vld.idx.msk [tilespmem:v31+s1+$0xFFFFFFD0 ss:$0x1], $0xffff  }
0xcf: {  	v38 =	vld.idx.msk [tilespmem:v27+s1+$0xFFFFFFA0 ss:$0x1], $0xffff  }
0xd0: {  	v39 =	vld.idx.msk [tilespmem:v31+s1+$0xFFFFFFE0 ss:$0x1], $0xffff  }
0xd1: {  	v41 =	vld.idx.msk [tilespmem:v27+s1+$0xFFFFFFB0 ss:$0x1], $0xffff;
	v36 =	vmul.f32 v36, v40  }
0xd2: {  	v42 =	vld.idx.msk [tilespmem:v31+s1+$0xFFFFFFF0 ss:$0x1], $0xffff  }
0xd3: {  	v43 =	vld.idx.msk [tilespmem:v27+s1+$0xFFFFFFC0 ss:$0x1], $0xffff;
	v57 =	vmul.f32 v56, v40;
	v35 =	vadd.f32 v55, v36  }
0xd4: {  	v44 =	vld.idx.msk [tilespmem:v31+s1+$0x0 ss:$0x1], $0xffff  }
0xd5: {  	v45 =	vld.idx.msk [tilespmem:v27+s1+$0xFFFFFFD0 ss:$0x1], $0xffff;
	v58 =	vmul.f32 v39, v40;
	v36 =	vadd.f32 v38, v57;
	v35 =	vmax.f32 v35, $0.0e+00  }
0xd6: {  	v59 =	vld.idx.msk [tilespmem:v31+s1+$0x10 ss:$0x1], $0xffff;
	v60 =	vmul.f32 v35, v17  }
0xd7: {  	v46 =	vld.idx.msk [tilespmem:v27+s1+$0xFFFFFFE0 ss:$0x1], $0xffff;
	v61 =	vmul.f32 v42, v40;
	v37 =	vadd.f32 v41, v58;
	v36 =	vmax.f32 v36, $0.0e+00  }
0xd8: {  	v62 =	vld.idx.msk [tilespmem:v31+s1+$0x20 ss:$0x1], $0xffff;
	v47 =	vmul.f32 v36, v18;
	v38 =	vadd.f32 $0.0e+00, v60  }
0xd9: {  	v48 =	vld.idx.msk [tilespmem:v27+s1+$0xFFFFFFF0 ss:$0x1], $0xffff;
	v63 =	vmul.f32 v44, v40;
	v41 =	vadd.f32 v43, v61;
	v37 =	vmax.f32 v37, $0.0e+00  }
0xda: {  	v31 =	vld.idx.msk [tilespmem:v31+s1+$0x30 ss:$0x1], $0xffff;
	v50 =	vmul.f32 v37, v19;
	v49 =	vadd.f32 v47, v38  }
0xdb: {  	v52 =	vmul.f32 v59, v40;
	v51 =	vadd.f32 v45, v63;
	v38 =	vmax.f32 v41, $0.0e+00  }
0xdc: {  	v27 =	vld.idx.msk [tilespmem:v27+s1+$0x0 ss:$0x1], $0xffff;
	v53 =	vmul.f32 v38, v20;
	v44 =	vadd.f32 v50, v49  }
0xdd: {  	v42 =	vmul.f32 v62, v40;
	v54 =	vadd.f32 v46, v52;
	v39 =	vmax.f32 v51, $0.0e+00  }
0xde: {  	v56 =	vmul.f32 v39, v21;
	v55 =	vadd.f32 v53, v44  }
0xdf: {  	v31 =	vmul.f32 v31, v40;
	v42 =	vadd.f32 v48, v42;
	v41 =	vmax.f32 v54, $0.0e+00  }
0xe0: {  	v58 =	vmul.f32 v41, v22;
	v57 =	vadd.f32 v56, v55  }
0xe1: {  	v27 =	vadd.f32 v27, v31;
	v42 =	vmax.f32 v42, $0.0e+00  }
0xe2: {  	v59 =	vmul.f32 v42, v23;
	v31 =	vadd.f32 v58, v57  }
0xe3: {  	v43 =	vmax.f32 v27, $0.0e+00  }
0xe4: {  	v27 =	vadd.f32 v59, v31;
	v31 =	vmul.f32 v43, v24;
	_ =	sdelay $0x1  }
0xe5: {  	v27 =	vadd.f32 v31, v27  }
0xe6: {  	s17 =	sadd.s32 $0x10, s10  }
0xe7: {  	s15 =	simm.s32 $0x1A590;
	[tilespmem:s17+$0x0] =	vst v27  }
0xe8: {  	v27 =	vld.idx.msk [tilespmem:v0+s15+$0x0], $0xffff;
	_ =	sdelay $0x1  }
0xe9: {  	v31 =	vld.idx.msk [tilespmem:v1+s15+$0x0], $0xffff;
	_ =	sdelay $0x1  }
0xea: {  	v60 =	vld.idx.msk [tilespmem:v2+s15+$0x0], $0xffff  }
0xeb: {  	v27 =	vadd.f32 v27, v16  }
0xec: {  	v61 =	vld.idx.msk [tilespmem:v3+s15+$0x0], $0xffff  }
0xed: {  	v27 =	vadd.f32 v31, v27  }
0xee: {  	v31 =	vld.idx.msk [tilespmem:v4+s15+$0x0], $0xffff  }
0xef: {  	v27 =	vadd.f32 v60, v27  }
0xf0: {  	v62 =	vld.idx.msk [tilespmem:v5+s15+$0x0], $0xffff  }
0xf1: {  	v27 =	vadd.f32 v61, v27  }
0xf2: {  	v63 =	vld.idx.msk [tilespmem:v6+s15+$0x0], $0xffff  }
0xf3: {  	v27 =	vadd.f32 v31, v27  }
0xf4: {  	v31 =	vld.idx.msk [tilespmem:v7+s15+$0x0], $0xffff  }
0xf5: {  	v27 =	vadd.f32 v62, v27  }
0xf6: {  	v48 =	vld.idx.msk [tilespmem:v8+s15+$0x0], $0xffff  }
0xf7: {  	v27 =	vadd.f32 v63, v27  }
0xf8: {  	v49 =	vld.idx.msk [tilespmem:v9+s15+$0x0], $0xffff  }
0xf9: {  	v27 =	vadd.f32 v31, v27  }
0xfa: {  	v31 =	vld.idx.msk [tilespmem:v10+s15+$0x0], $0xffff  }
0xfb: {  	v27 =	vadd.f32 v48, v27  }
0xfc: {  	v50 =	vld.idx.msk [tilespmem:v11+s15+$0x0], $0xffff  }
0xfd: {  	v27 =	vadd.f32 v49, v27  }
0xfe: {  	v51 =	vld.idx.msk [tilespmem:v12+s15+$0x0], $0xffff  }
0xff: {  	v27 =	vadd.f32 v31, v27  }
0x100: {  	v31 =	vld.idx.msk [tilespmem:v13+s15+$0x0], $0xffff  }
0x101: {  	v27 =	vadd.f32 v50, v27  }
0x102: {  	v52 =	vld.idx.msk [tilespmem:v14+s15+$0x0], $0xffff  }
0x103: {  	v27 =	vadd.f32 v51, v27  }
0x104: {  	v53 =	vld.idx.msk [tilespmem:v15+s15+$0x0], $0xffff  }
0x105: {  	v27 =	vadd.f32 v31, v27;
	_ =	sdelay $0x1  }
0x106: {  	v31 =	vmov s16;
	v27 =	vadd.f32 v52, v27  }
0x107: {  	v54 =	vmov s24  }
0x108: {  	v44 =	vadd.f32 v53, v27  }
0x109: {  	v27 =	vmov s22  }
0x10a: {  	s10 =	simm.s32 $0x0;
	[tilespmem:s4+$0x1A090] =	vst v44  }
0x10b: {  	v44 =	vld.idx.msk [tilespmem:v31+s10+$0x0 ss:$0x1], $0xffff  }
0x10c: {  	v40 =	vld.idx.msk [tilespmem:v54+s30+$0x0], $0xffff  }
0x10d: {  	v56 =	vld.idx.msk [tilespmem:v31+s10+$0x10 ss:$0x1], $0xffff  }
0x10e: {  	v55 =	vld.idx.msk [tilespmem:v27+s10+$0xFFFFFF90 ss:$0x1], $0xffff  }
0x10f: {  	v58 =	vld.idx.msk [tilespmem:v31+s10+$0x20 ss:$0x1], $0xffff  }
0x110: {  	v57 =	vld.idx.msk [tilespmem:v27+s10+$0xFFFFFFA0 ss:$0x1], $0xffff  }
0x111: {  	v50 =	vld.idx.msk [tilespmem:v31+s10+$0x30 ss:$0x1], $0xffff;
	v44 =	vmul.f32 v44, v40  }
0x112: {  	v49 =	vld.idx.msk [tilespmem:v27+s10+$0xFFFFFFB0 ss:$0x1], $0xffff  }
0x113: {  	v46 =	vld.idx.msk [tilespmem:v31+s10+$0x40 ss:$0x1], $0xffff;
	v59 =	vmul.f32 v56, v40;
	v44 =	vadd.f32 v55, v44  }
0x114: {  	v51 =	vld.idx.msk [tilespmem:v27+s10+$0xFFFFFFC0 ss:$0x1], $0xffff  }
0x115: {  	v61 =	vld.idx.msk [tilespmem:v31+s10+$0x50 ss:$0x1], $0xffff;
	v60 =	vmul.f32 v58, v40;
	v45 =	vadd.f32 v57, v59;
	v44 =	vmax.f32 v44, $0.0e+00  }
0x116: {  	v52 =	vld.idx.msk [tilespmem:v27+s10+$0xFFFFFFD0 ss:$0x1], $0xffff;
	v53 =	vmul.f32 v44, v17  }
0x117: {  	v63 =	vld.idx.msk [tilespmem:v31+s10+$0x60 ss:$0x1], $0xffff;
	v62 =	vmul.f32 v50, v40;
	v47 =	vadd.f32 v49, v60;
	v45 =	vmax.f32 v45, $0.0e+00  }
0x118: {  	v54 =	vld.idx.msk [tilespmem:v27+s10+$0xFFFFFFE0 ss:$0x1], $0xffff;
	v55 =	vmul.f32 v45, v18;
	v53 =	vadd.f32 $0.0e+00, v53  }
0x119: {  	v56 =	vld.idx.msk [tilespmem:v27+s10+$0xFFFFFFF0 ss:$0x1], $0xffff;
	v46 =	vmul.f32 v46, v40;
	v49 =	vadd.f32 v51, v62;
	v47 =	vmax.f32 v47, $0.0e+00  }
0x11a: {  	v57 =	vld.idx.msk [tilespmem:v31+s10+$0x70 ss:$0x1], $0xffff;
	v58 =	vmul.f32 v47, v19;
	v53 =	vadd.f32 v55, v53  }
0x11b: {  	v48 =	vmul.f32 v61, v40;
	v46 =	vadd.f32 v52, v46;
	v49 =	vmax.f32 v49, $0.0e+00  }
0x11c: {  	v59 =	vld.idx.msk [tilespmem:v27+s10+$0x0 ss:$0x1], $0xffff;
	v60 =	vmul.f32 v49, v20;
	v53 =	vadd.f32 v58, v53  }
0x11d: {  	v50 =	vmul.f32 v63, v40;
	v48 =	vadd.f32 v54, v48;
	v46 =	vmax.f32 v46, $0.0e+00  }
0x11e: {  	v61 =	vmul.f32 v46, v21;
	v53 =	vadd.f32 v60, v53  }
0x11f: {  	v48 =	vmax.f32 v48, $0.0e+00;
	v50 =	vadd.f32 v56, v50;
	v40 =	vmul.f32 v57, v40  }
0x120: {  	v63 =	vmul.f32 v48, v22;
	v62 =	vadd.f32 v61, v53  }
0x121: {  	v50 =	vmax.f32 v50, $0.0e+00;
	v40 =	vadd.f32 v59, v40  }
0x122: {  	v56 =	vmul.f32 v50, v23;
	v51 =	vadd.f32 v63, v62  }
0x123: {  	v40 =	vmax.f32 v40, $0.0e+00  }
0x124: {  	s11 =	sadd.s32 $0x1, s24;
	v57 =	vmul.f32 v40, v24;
	v51 =	vadd.f32 v56, v51  }
0x125: {  	v58 =	vmov s11  }
0x126: {  	v51 =	vadd.f32 v57, v51;
	_ =	sdelay $0x1  }
0x127: {  	s17 =	simm.s32 $0x80;
	[tilespmem:s15+$0x0] =	vst v51  }
0x128: {  	v51 =	vld.idx.msk [tilespmem:v31+s17+$0x0 ss:$0x1], $0xffff  }
0x129: {  	v52 =	vld.idx.msk [tilespmem:v58+s30+$0x0], $0xffff  }
0x12a: {  	v59 =	vld.idx.msk [tilespmem:v27+s17+$0xFFFFFF90 ss:$0x1], $0xffff  }
0x12b: {  	v60 =	vld.idx.msk [tilespmem:v31+s17+$0x10 ss:$0x1], $0xffff  }
0x12c: {  	v25 =	vadd.f32 v35, v25;
	v26 =	vadd.f32 v36, v26;
	v61 =	vld.idx.msk [tilespmem:v27+s17+$0xFFFFFFA0 ss:$0x1], $0xffff  }
0x12d: {  	v28 =	vadd.f32 v37, v28;
	v32 =	vadd.f32 v39, v32;
	v62 =	vld.idx.msk [tilespmem:v31+s17+$0x20 ss:$0x1], $0xffff  }
0x12e: {  	v30 =	vadd.f32 v42, v30;
	v34 =	vadd.f32 v43, v34;
	v63 =	vld.idx.msk [tilespmem:v27+s17+$0xFFFFFFB0 ss:$0x1], $0xffff;
	v55 =	vmul.f32 v51, v52  }
0x12f: {  	v29 =	vadd.f32 v38, v29;
	v33 =	vadd.f32 v41, v33;
	v56 =	vld.idx.msk [tilespmem:v31+s17+$0x30 ss:$0x1], $0xffff  }
0x130: {  	v25 =	vadd.f32 v44, v25;
	v57 =	vld.idx.msk [tilespmem:v27+s17+$0xFFFFFFC0 ss:$0x1], $0xffff;
	v58 =	vmul.f32 v60, v52;
	v38 =	vadd.f32 v59, v55  }
0x131: {  	v26 =	vadd.f32 v45, v26;
	v43 =	vadd.f32 v47, v28;
	v28 =	vld.idx.msk [tilespmem:v31+s17+$0x40 ss:$0x1], $0xffff  }
0x132: {  	v36 =	vmul.f32 v62, v52;
	v60 =	vld.idx.msk [tilespmem:v31+s17+$0x50 ss:$0x1], $0xffff;
	v35 =	vadd.f32 v61, v58;
	v38 =	vmax.f32 v38, $0.0e+00  }
0x133: {  	v29 =	vadd.f32 v49, v29;
	v39 =	vadd.f32 v48, v33;
	v59 =	vld.idx.msk [tilespmem:v27+s17+$0xFFFFFFD0 ss:$0x1], $0xffff;
	v61 =	vmul.f32 v38, v17  }
0x134: {  	v48 =	vld.idx.msk [tilespmem:v31+s17+$0x60 ss:$0x1], $0xffff;
	v36 =	vadd.f32 v63, v36;
	v63 =	vmul.f32 v56, v52;
	v35 =	vmax.f32 v35, $0.0e+00  }
0x135: {  	v30 =	vadd.f32 v50, v30;
	v62 =	vld.idx.msk [tilespmem:v27+s17+$0xFFFFFFE0 ss:$0x1], $0xffff;
	v49 =	vmul.f32 v35, v18;
	v45 =	vadd.f32 $0.0e+00, v61  }
0x136: {  	v50 =	vld.idx.msk [tilespmem:v27+s17+$0xFFFFFFF0 ss:$0x1], $0xffff;
	v28 =	vmul.f32 v28, v52;
	v37 =	vadd.f32 v57, v63;
	v36 =	vmax.f32 v36, $0.0e+00  }
0x137: {  	v42 =	vadd.f32 v46, v32;
	v53 =	vld.idx.msk [tilespmem:v31+s17+$0x70 ss:$0x1], $0xffff;
	v51 =	vmul.f32 v36, v19;
	v45 =	vadd.f32 v49, v45  }
0x138: {  	v32 =	vmul.f32 v60, v52;
	v37 =	vmax.f32 v37, $0.0e+00;
	v28 =	vadd.f32 v59, v28  }
0x139: {  	v33 =	vmul.f32 v48, v52;
	v56 =	vld.idx.msk [tilespmem:v27+s17+$0x0 ss:$0x1], $0xffff;
	v55 =	vmul.f32 v37, v20;
	v54 =	vadd.f32 v51, v45  }
0x13a: {  	v40 =	vadd.f32 v40, v34;
	v32 =	vadd.f32 v62, v32;
	v57 =	vmax.f32 v28, $0.0e+00  }
0x13b: {  	v33 =	vadd.f32 v50, v33;
	v58 =	vmul.f32 v57, v21;
	v34 =	vadd.f32 v55, v54  }
0x13c: {  	v59 =	vmul.f32 v53, v52;
	v28 =	vadd.f32 v35, v26;
	v26 =	vmax.f32 v32, $0.0e+00  }
0x13d: {  	v25 =	vadd.f32 v38, v25;
	v60 =	vmul.f32 v26, v22;
	v38 =	vadd.f32 v58, v34  }
0x13e: {  	v61 =	vmax.f32 v33, $0.0e+00;
	v35 =	vadd.f32 v56, v59  }
0x13f: {  	v63 =	vmul.f32 v61, v23;
	v32 =	vadd.f32 v37, v29;
	v62 =	vadd.f32 v60, v38  }
0x140: {  	v33 =	vadd.f32 v57, v42;
	v29 =	vadd.f32 v26, v39;
	v35 =	vmax.f32 v35, $0.0e+00  }
0x141: {  	s17 =	sadd.s32 $0x1, s11;
	v37 =	vmul.f32 v35, v24;
	v34 =	vadd.f32 v36, v43;
	v36 =	vadd.f32 v63, v62  }
0x142: {  	s1 =	simm.s32 $0x400;
	s10 =	simm.s32 $0x600;
	v26 =	vadd.f32 v61, v30;
	v30 =	vadd.f32 v35, v40;
	v35 =	vmov s17  }
.LBB2_8:
0x143: {  	p0 =	sne.s32 s10, $0x1E00;
	v36 =	vadd.f32 v37, v36  }
0x144: {  	s15 =	sadd.s32 $0x10, s15  }
0x145: {  	s11 =	sshra.s32 s1, $0x2;
	s1 =	smov.u32 s10;
	[tilespmem:s15+$0x0] =	vst v36  }
0x146: {  	v36 =	vld.idx.msk [tilespmem:v31+s11+$0x0 ss:$0x1], $0xffff  }
0x147: {  	v35 =	vld.idx.msk [tilespmem:v35+s30+$0x0], $0xffff  }
0x148: {  	v37 =	vld.idx.msk [tilespmem:v27+s11+$0xFFFFFF90 ss:$0x1], $0xffff  }
0x149: {  	v38 =	vld.idx.msk [tilespmem:v31+s11+$0x10 ss:$0x1], $0xffff  }
0x14a: {  	v39 =	vld.idx.msk [tilespmem:v27+s11+$0xFFFFFFA0 ss:$0x1], $0xffff  }
0x14b: {  	v40 =	vld.idx.msk [tilespmem:v31+s11+$0x20 ss:$0x1], $0xffff  }
0x14c: {  	v41 =	vld.idx.msk [tilespmem:v27+s11+$0xFFFFFFB0 ss:$0x1], $0xffff  }
0x14d: {  	v36 =	vmul.f32 v36, v35;
	v42 =	vld.idx.msk [tilespmem:v31+s11+$0x30 ss:$0x1], $0xffff  }
0x14e: {  	v43 =	vld.idx.msk [tilespmem:v27+s11+$0xFFFFFFC0 ss:$0x1], $0xffff  }
0x14f: {  	v36 =	vadd.f32 v37, v36;
	v37 =	vmul.f32 v38, v35;
	v38 =	vld.idx.msk [tilespmem:v31+s11+$0x40 ss:$0x1], $0xffff  }
0x150: {  	v44 =	vld.idx.msk [tilespmem:v27+s11+$0xFFFFFFD0 ss:$0x1], $0xffff  }
0x151: {  	v36 =	vmax.f32 v36, $0.0e+00;
	v37 =	vadd.f32 v39, v37;
	v39 =	vmul.f32 v40, v35;
	v40 =	vld.idx.msk [tilespmem:v31+s11+$0x50 ss:$0x1], $0xffff  }
0x152: {  	v25 =	vadd.f32 v36, v25;
	v36 =	vmul.f32 v36, v17;
	v45 =	vld.idx.msk [tilespmem:v27+s11+$0xFFFFFFE0 ss:$0x1], $0xffff  }
0x153: {  	v37 =	vmax.f32 v37, $0.0e+00;
	v39 =	vadd.f32 v41, v39;
	v41 =	vmul.f32 v42, v35;
	v42 =	vld.idx.msk [tilespmem:v31+s11+$0x60 ss:$0x1], $0xffff  }
0x154: {  	v36 =	vadd.f32 $0.0e+00, v36;
	v28 =	vadd.f32 v37, v28;
	v37 =	vmul.f32 v37, v18;
	v46 =	vld.idx.msk [tilespmem:v27+s11+$0xFFFFFFF0 ss:$0x1], $0xffff  }
0x155: {  	v39 =	vmax.f32 v39, $0.0e+00;
	v41 =	vadd.f32 v43, v41;
	v38 =	vmul.f32 v38, v35;
	v43 =	vld.idx.msk [tilespmem:v31+s11+$0x70 ss:$0x1], $0xffff  }
0x156: {  	v36 =	vadd.f32 v37, v36;
	v34 =	vadd.f32 v39, v34;
	v37 =	vmul.f32 v39, v19  }
0x157: {  	v39 =	vmax.f32 v41, $0.0e+00;
	v38 =	vadd.f32 v44, v38;
	v40 =	vmul.f32 v40, v35;
	v41 =	vld.idx.msk [tilespmem:v27+s11+$0x0 ss:$0x1], $0xffff  }
0x158: {  	v36 =	vadd.f32 v37, v36;
	v32 =	vadd.f32 v39, v32;
	v37 =	vmul.f32 v39, v20  }
0x159: {  	v38 =	vmax.f32 v38, $0.0e+00;
	v39 =	vadd.f32 v45, v40;
	v40 =	vmul.f32 v42, v35  }
0x15a: {  	v36 =	vadd.f32 v37, v36;
	v33 =	vadd.f32 v38, v33;
	v37 =	vmul.f32 v38, v21  }
0x15b: {  	v38 =	vmax.f32 v39, $0.0e+00;
	v39 =	vadd.f32 v46, v40;
	v35 =	vmul.f32 v43, v35  }
0x15c: {  	v36 =	vadd.f32 v37, v36;
	v29 =	vadd.f32 v38, v29;
	v37 =	vmul.f32 v38, v22  }
.Ltmp4:
0x15d: {  	v38 =	vmax.f32 v39, $0.0e+00;
	v35 =	vadd.f32 v41, v35;
	(pc) =	sbr.rel @p0 .LBB2_8-.Ltmp4, $4  }
0x15e: {  	v36 =	vadd.f32 v37, v36;
	v26 =	vadd.f32 v38, v26;
	v37 =	vmul.f32 v38, v23  }
0x15f: {  	v35 =	vmax.f32 v35, $0.0e+00  }
0x160: {  	s17 =	sadd.s32 $0x1, s17;
	v36 =	vadd.f32 v37, v36;
	v30 =	vadd.f32 v35, v30;
	v37 =	vmul.f32 v35, v24  }
0x161: {  	s10 =	sadd.s32 $0x200, s10;
	v35 =	vmov s17  }
0x162: {  	_ = 	snop  }
0x163: {  	v36 =	vadd.f32 v37, v36  }
0x164: {  	s10 =	sadd.s32 $0x10, s15  }
0x165: {  	s1 =	sshra.s32 s1, $0x2;
	[tilespmem:s10+$0x0] =	vst v36  }
0x166: {  	v36 =	vld.idx.msk [tilespmem:v31+s1+$0x0 ss:$0x1], $0xffff  }
0x167: {  	v35 =	vld.idx.msk [tilespmem:v35+s30+$0x0], $0xffff  }
0x168: {  	v60 =	vld.idx.msk [tilespmem:v27+s1+$0xFFFFFF90 ss:$0x1], $0xffff  }
0x169: {  	v38 =	vld.idx.msk [tilespmem:v31+s1+$0x10 ss:$0x1], $0xffff  }
0x16a: {  	v39 =	vld.idx.msk [tilespmem:v27+s1+$0xFFFFFFA0 ss:$0x1], $0xffff  }
0x16b: {  	v40 =	vld.idx.msk [tilespmem:v31+s1+$0x20 ss:$0x1], $0xffff  }
0x16c: {  	v41 =	vld.idx.msk [tilespmem:v27+s1+$0xFFFFFFB0 ss:$0x1], $0xffff;
	v36 =	vmul.f32 v36, v35  }
0x16d: {  	v42 =	vld.idx.msk [tilespmem:v31+s1+$0x30 ss:$0x1], $0xffff  }
0x16e: {  	v43 =	vld.idx.msk [tilespmem:v27+s1+$0xFFFFFFC0 ss:$0x1], $0xffff;
	v61 =	vmul.f32 v38, v35;
	v36 =	vadd.f32 v60, v36  }
0x16f: {  	v62 =	vld.idx.msk [tilespmem:v31+s1+$0x40 ss:$0x1], $0xffff  }
0x170: {  	v44 =	vld.idx.msk [tilespmem:v27+s1+$0xFFFFFFD0 ss:$0x1], $0xffff;
	v63 =	vmul.f32 v40, v35;
	v37 =	vadd.f32 v39, v61;
	v36 =	vmax.f32 v36, $0.0e+00  }
0x171: {  	v48 =	vld.idx.msk [tilespmem:v31+s1+$0x50 ss:$0x1], $0xffff;
	v45 =	vmul.f32 v36, v17  }
0x172: {  	v46 =	vld.idx.msk [tilespmem:v27+s1+$0xFFFFFFE0 ss:$0x1], $0xffff;
	v49 =	vmul.f32 v42, v35;
	v39 =	vadd.f32 v41, v63;
	v37 =	vmax.f32 v37, $0.0e+00  }
0x173: {  	v50 =	vld.idx.msk [tilespmem:v31+s1+$0x60 ss:$0x1], $0xffff;
	v47 =	vmul.f32 v37, v18;
	v45 =	vadd.f32 $0.0e+00, v45  }
0x174: {  	v51 =	vld.idx.msk [tilespmem:v27+s1+$0xFFFFFFF0 ss:$0x1], $0xffff;
	v38 =	vmul.f32 v62, v35;
	v41 =	vadd.f32 v43, v49;
	v39 =	vmax.f32 v39, $0.0e+00  }
0x175: {  	v52 =	vld.idx.msk [tilespmem:v31+s1+$0x70 ss:$0x1], $0xffff;
	v53 =	vmul.f32 v39, v19;
	v45 =	vadd.f32 v47, v45  }
0x176: {  	v40 =	vmul.f32 v48, v35;
	v38 =	vadd.f32 v44, v38;
	v41 =	vmax.f32 v41, $0.0e+00  }
0x177: {  	v27 =	vld.idx.msk [tilespmem:v27+s1+$0x0 ss:$0x1], $0xffff;
	v55 =	vmul.f32 v41, v20;
	v54 =	vadd.f32 v53, v45  }
0x178: {  	v42 =	vmul.f32 v50, v35;
	v40 =	vadd.f32 v46, v40;
	v38 =	vmax.f32 v38, $0.0e+00  }
0x179: {  	v56 =	vmul.f32 v38, v21;
	v44 =	vadd.f32 v55, v54  }
0x17a: {  	v31 =	vmul.f32 v52, v35;
	v42 =	vadd.f32 v51, v42;
	v40 =	vmax.f32 v40, $0.0e+00  }
0x17b: {  	v58 =	vmul.f32 v40, v22;
	v57 =	vadd.f32 v56, v44  }
0x17c: {  	v27 =	vadd.f32 v27, v31;
	v42 =	vmax.f32 v42, $0.0e+00  }
0x17d: {  	v60 =	vmul.f32 v42, v23;
	v59 =	vadd.f32 v58, v57  }
0x17e: {  	v27 =	vmax.f32 v27, $0.0e+00  }
0x17f: {  	v61 =	vmul.f32 v27, v24;
	v31 =	vadd.f32 v60, v59;
	_ =	sdelay $0x1  }
0x180: {  	v31 =	vadd.f32 v61, v31  }
0x181: {  	s15 =	sadd.s32 $0x10, s10  }
0x182: {  	[tilespmem:s15+$0x0] =	vst v31  }
0x183: {  	v31 =	vld.idx.msk [tilespmem:v0+s31+$0x0], $0xffff;
	_ =	sdelay $0x1  }
0x184: {  	v62 =	vld.idx.msk [tilespmem:v1+s31+$0x0], $0xffff;
	_ =	sdelay $0x1  }
0x185: {  	v63 =	vld.idx.msk [tilespmem:v2+s31+$0x0], $0xffff  }
0x186: {  	v31 =	vadd.f32 v31, v16  }
0x187: {  	v48 =	vld.idx.msk [tilespmem:v3+s31+$0x0], $0xffff  }
0x188: {  	v31 =	vadd.f32 v62, v31  }
0x189: {  	v49 =	vld.idx.msk [tilespmem:v4+s31+$0x0], $0xffff  }
0x18a: {  	v31 =	vadd.f32 v63, v31  }
0x18b: {  	v50 =	vld.idx.msk [tilespmem:v5+s31+$0x0], $0xffff  }
0x18c: {  	v31 =	vadd.f32 v48, v31  }
0x18d: {  	v51 =	vld.idx.msk [tilespmem:v6+s31+$0x0], $0xffff  }
0x18e: {  	v31 =	vadd.f32 v49, v31  }
0x18f: {  	v52 =	vld.idx.msk [tilespmem:v7+s31+$0x0], $0xffff  }
0x190: {  	v31 =	vadd.f32 v50, v31  }
0x191: {  	v53 =	vld.idx.msk [tilespmem:v8+s31+$0x0], $0xffff  }
0x192: {  	v31 =	vadd.f32 v51, v31  }
0x193: {  	v54 =	vld.idx.msk [tilespmem:v9+s31+$0x0], $0xffff  }
0x194: {  	v31 =	vadd.f32 v52, v31  }
0x195: {  	v55 =	vld.idx.msk [tilespmem:v10+s31+$0x0], $0xffff  }
0x196: {  	v31 =	vadd.f32 v53, v31  }
0x197: {  	v56 =	vld.idx.msk [tilespmem:v11+s31+$0x0], $0xffff  }
0x198: {  	v31 =	vadd.f32 v54, v31  }
0x199: {  	v57 =	vld.idx.msk [tilespmem:v12+s31+$0x0], $0xffff  }
0x19a: {  	v31 =	vadd.f32 v55, v31  }
0x19b: {  	v58 =	vld.idx.msk [tilespmem:v13+s31+$0x0], $0xffff  }
0x19c: {  	v31 =	vadd.f32 v56, v31  }
0x19d: {  	v59 =	vld.idx.msk [tilespmem:v14+s31+$0x0], $0xffff  }
0x19e: {  	v31 =	vadd.f32 v57, v31  }
0x19f: {  	v60 =	vld.idx.msk [tilespmem:v15+s31+$0x0], $0xffff  }
0x1a0: {  	v31 =	vadd.f32 v58, v31;
	_ =	sdelay $0x1  }
0x1a1: {  	v31 =	vadd.f32 v59, v31  }
0x1a2: {  	v25 =	vadd.f32 v36, v25  }
0x1a3: {  	v28 =	vadd.f32 v37, v28;
	v31 =	vadd.f32 v60, v31  }
0x1a4: {  	s17 =	sshll.u32 s0, $0x7;
	v34 =	vadd.f32 v39, v34;
	v25 =	vmul.f32 $3.125000000e-02, v25  }
0x1a5: {  	s1 =	sand.u32 $0x3FFFFF80, s17;
	v32 =	vadd.f32 v41, v32;
	v28 =	vmul.f32 $3.125000000e-02, v28;
	[tilespmem:s4+$0x1A0A0] =	vst v31  }
0x1a6: {  	v61 =	vadd.f32 v38, v33;
	[tilespmem:s1+$0x1A190] =	vst v25;
	v25 =	vmul.f32 $3.125000000e-02, v34  }
0x1a7: {  	s0 =	sadd.s32 $0x1, s0;
	v29 =	vadd.f32 v40, v29;
	v62 =	vmul.f32 $3.125000000e-02, v32;
	[tilespmem:s1+$0x1A1A0] =	vst v28  }
0x1a8: {  	p0 =	sne.s32 s0, $0x4;
	v26 =	vadd.f32 v42, v26;
	[tilespmem:s1+$0x1A1B0] =	vst v25;
	v25 =	vmul.f32 $3.125000000e-02, v61  }
.Ltmp5:
0x1a9: {  	v27 =	vadd.f32 v27, v30;
	v63 =	vmul.f32 $3.125000000e-02, v29;
	[tilespmem:s1+$0x1A1C0] =	vst v62;
	(pc) =	sbr.rel @p0 .LBB2_5-.Ltmp5, $4  }
0x1aa: {  	[tilespmem:s1+$0x1A1D0] =	vst v25;
	v25 =	vmul.f32 $3.125000000e-02, v26  }
0x1ab: {  	[tilespmem:s1+$0x1A1E0] =	vst v63;
	v26 =	vmul.f32 $3.125000000e-02, v27  }
0x1ac: {  	s23 =	sadd.s32 $0x20, s23;
	s14 =	sadd.s32 $0x1000, s14;
	s20 =	sadd.s32 $0x1000, s20;
	[tilespmem:s1+$0x1A1F0] =	vst v25  }
0x1ad: {  	s24 =	sadd.s32 $0x20, s24;
	s16 =	sadd.s32 $0x1000, s16;
	s22 =	sadd.s32 $0x1000, s22;
	[tilespmem:s1+$0x1A200] =	vst v26  }
0x1ae: {  	s0 =	sshll.u32 s26, $0x3  }
0x1af: {  	s0 =	sadd.s32 s12, s0  }
0x1b0: {  	s4 =	rddreg [dreg:$0x6];
	s22 =	simm.s32 $0x1A090;
	s1 =	sshll.u32 s0, $0x2  }
0x1b1: {  	s23 =	rddreg [dreg:$0x7];
	s0 =	sshll.u32 s0, $0x4;
	s1 =	sadd.s32 s4, s1  }
0x1b2: {  	[hbm4b:s1+s3] =	stream.linear.scatter [tilespmem:s22], [sflag:$0x4], $0x80, $0x38;
	[tilespmem:$0x1A990] =	vst v63  }
0x1b3: {  	s24 =	simm.s32 $0x1A190;
	p0 =	seq.s32 s26, $0x27;
	s0 =	sadd.s32 s23, s0  }
0x1b4: {  	[hbm4b:s0+s3] =	stream.linear.scatter [tilespmem:s24], [sflag:$0x4], $0x200, $0x38;
	[tilespmem:$0x1A990] =	vst v63  }
0x1b5: {  	s0 =	simm.s32 @!p0 $0x1  }
0x1b6: {  	_ =	swait.ge @!p0 [sflag:s0], $0x80  }
0x1b7: {  	[sflag:s0] =	ssyncset.done @!p0 $0x0  }
0x1b8: {  	[sflag:s0] =	ssyncadd.s32 @!p0 $0xFFFFFF80  }
0x1b9: {  	_ =	swait.ge @!p0 [sflag:s0], $0x80  }
0x1ba: {  	[sflag:s0] =	ssyncset.done @!p0 $0x0  }
0x1bb: {  	[sflag:s0] =	ssyncadd.s32 @!p0 $0xFFFFFF80  }
0x1bc: {  	p1 =	seq.s32 @!p0 s26, $0x0;
	_ =	swait.ge @!p0 [sflag:s0], $0x80  }
0x1bd: {  	p1 =	por p0, !p1;
	[sflag:s0] =	ssyncset.done @!p0 $0x0  }
.Ltmp6:
0x1be: {  	s4 =	simm.s32 @!p0 $0xA000;
	[sflag:s0] =	ssyncadd.s32 @!p0 $0xFFFFFF80;
	(pc) =	sbr.rel @!p1 .LBB2_12-.Ltmp6, $4  }
0x1bf: {  	s1 =	simm.s32 @!p0 $0x80;
	s0 =	sadd.s32 @!p0 $0x2900, s9;
	s10 =	rddreg [dreg:$0x0]  }
0x1c0: {  	[tilespmem:s4], [sflag:$0x2] =	stream.indirect.gather @!p0 [hbm4b:s10+s1], $0x80, s0, s1, $0xb8;
	[tilespmem:$0x1A990] =	vst v63  }
0x1c1: {  	s13 =	sor.u32 @!p0 $0x1, s13;
	s0 =	sadd.s32 @!p0 $0x5100, s9;
	s4 =	simm.s32 @!p0 $0x12000  }
0x1c2: {  	[tilespmem:s4], [sflag:$0x2] =	stream.indirect.gather @!p0 [hbm4b:s5+s1], $0x80, s0, s1, $0xb8;
	[tilespmem:$0x1A990] =	vst v63  }
0x1c3: {  	_ =	swait.ge [sflag:s21], $0x80  }
0x1c4: {  	[sflag:s21] =	ssyncset.done $0x0  }
0x1c5: {  	[sflag:s21] =	ssyncadd.s32 $0xFFFFFF80  }
0x1c6: {  	_ =	swait.ge [sflag:s21], $0x200  }
0x1c7: {  	[sflag:s21] =	ssyncset.done $0x0  }
0x1c8: {  	s13 =	simm.s32 @p0 $0x4F;
	[sflag:s21] =	ssyncadd.s32 $0xFFFFFE00  }
.LBB2_12:
0x1c9: {  	_ =	swait.ge [sflag:s2], $0x4000  }
0x1ca: {  	[sflag:s2] =	ssyncset.done $0x0  }
0x1cb: {  	s14 =	sshll.u32 s13, $0x7;
	[sflag:s2] =	ssyncadd.s32 $0xFFFFC000  }
0x1cc: {  	s16 =	simm.s32 $0x0;
	s22 =	simm.s32 $0xE040;
	_ =	swait.ge [sflag:s2], $0x4000  }
0x1cd: {  	s24 =	simm.s32 $0x16070;
	s23 =	simm.s32 $0xE800;
	[sflag:s2] =	ssyncset.done $0x0  }
0x1ce: {  	s0 =	simm.s32 $0x16870;
	s20 =	sor.u32 $0x10, s14;
	[sflag:s2] =	ssyncadd.s32 $0xFFFFC000  }
.LBB2_13:
0x1cf: {  	v31 =	vmov s22  }
0x1d0: {  	v25 =	vmov s14  }
0x1d1: {  	v27 =	vmov s24;
	_ =	sdelay $0x1  }
0x1d2: {  	s1 =	simm.s32 $0x0  }
0x1d3: {  	v26 =	vld.idx.msk [tilespmem:v31+s1+$0xFFFFFFC0 ss:$0x1], $0xffff  }
0x1d4: {  	v25 =	vld.idx.msk [tilespmem:v25+s30+$0x0], $0xffff  }
0x1d5: {  	v28 =	vld.idx.msk [tilespmem:v27+s1+$0xFFFFFF90 ss:$0x1], $0xffff  }
0x1d6: {  	v29 =	vld.idx.msk [tilespmem:v31+s1+$0xFFFFFFD0 ss:$0x1], $0xffff  }
0x1d7: {  	v30 =	vld.idx.msk [tilespmem:v27+s1+$0xFFFFFFA0 ss:$0x1], $0xffff  }
0x1d8: {  	v32 =	vld.idx.msk [tilespmem:v31+s1+$0xFFFFFFE0 ss:$0x1], $0xffff  }
0x1d9: {  	v33 =	vld.idx.msk [tilespmem:v27+s1+$0xFFFFFFB0 ss:$0x1], $0xffff;
	v26 =	vmul.f32 v26, v25  }
0x1da: {  	v34 =	vld.idx.msk [tilespmem:v31+s1+$0xFFFFFFF0 ss:$0x1], $0xffff  }
0x1db: {  	v35 =	vld.idx.msk [tilespmem:v27+s1+$0xFFFFFFC0 ss:$0x1], $0xffff;
	v26 =	vadd.f32 v28, v26;
	v28 =	vmul.f32 v29, v25  }
0x1dc: {  	v29 =	vld.idx.msk [tilespmem:v31+s1+$0x0 ss:$0x1], $0xffff  }
0x1dd: {  	v36 =	vld.idx.msk [tilespmem:v27+s1+$0xFFFFFFD0 ss:$0x1], $0xffff;
	v26 =	vmax.f32 v26, $0.0e+00;
	v28 =	vadd.f32 v30, v28;
	v30 =	vmul.f32 v32, v25  }
0x1de: {  	v62 =	vld.idx.msk [tilespmem:v31+s1+$0x10 ss:$0x1], $0xffff;
	v37 =	vmul.f32 v26, v17  }
0x1df: {  	v38 =	vld.idx.msk [tilespmem:v27+s1+$0xFFFFFFE0 ss:$0x1], $0xffff;
	v63 =	vmul.f32 v34, v25;
	v28 =	vmax.f32 v28, $0.0e+00;
	v30 =	vadd.f32 v33, v30  }
0x1e0: {  	v44 =	vld.idx.msk [tilespmem:v31+s1+$0x20 ss:$0x1], $0xffff;
	v37 =	vadd.f32 $0.0e+00, v37;
	v39 =	vmul.f32 v28, v18  }
0x1e1: {  	v40 =	vld.idx.msk [tilespmem:v27+s1+$0xFFFFFFF0 ss:$0x1], $0xffff;
	v33 =	vadd.f32 v35, v63;
	v29 =	vmul.f32 v29, v25;
	v30 =	vmax.f32 v30, $0.0e+00  }
0x1e2: {  	v45 =	vld.idx.msk [tilespmem:v31+s1+$0x30 ss:$0x1], $0xffff;
	v37 =	vadd.f32 v39, v37;
	v46 =	vmul.f32 v30, v19  }
0x1e3: {  	v32 =	vmul.f32 v62, v25;
	v33 =	vmax.f32 v33, $0.0e+00;
	v29 =	vadd.f32 v36, v29  }
0x1e4: {  	v47 =	vld.idx.msk [tilespmem:v27+s1+$0x0 ss:$0x1], $0xffff;
	v48 =	vmul.f32 v33, v20;
	v37 =	vadd.f32 v46, v37  }
0x1e5: {  	v34 =	vmul.f32 v44, v25;
	v32 =	vadd.f32 v38, v32;
	v29 =	vmax.f32 v29, $0.0e+00  }
0x1e6: {  	v49 =	vmul.f32 v29, v21;
	v37 =	vadd.f32 v48, v37  }
0x1e7: {  	v34 =	vadd.f32 v40, v34;
	v25 =	vmul.f32 v45, v25;
	v32 =	vmax.f32 v32, $0.0e+00  }
0x1e8: {  	v51 =	vmul.f32 v32, v22;
	v50 =	vadd.f32 v49, v37  }
0x1e9: {  	v34 =	vmax.f32 v34, $0.0e+00;
	v25 =	vadd.f32 v47, v25  }
0x1ea: {  	v52 =	vmul.f32 v34, v23;
	v35 =	vadd.f32 v51, v50  }
0x1eb: {  	v25 =	vmax.f32 v25, $0.0e+00  }
0x1ec: {  	s17 =	sadd.s32 $0x1, s14;
	v53 =	vmul.f32 v25, v24;
	v35 =	vadd.f32 v52, v35  }
0x1ed: {  	v54 =	vmov s17  }
0x1ee: {  	v35 =	vadd.f32 v53, v35  }
0x1ef: {  	s15 =	simm.s32 $0x1A590  }
0x1f0: {  	s4 =	simm.s32 $0x80;
	[tilespmem:s15+$0x0] =	vst v35  }
0x1f1: {  	v35 =	vld.idx.msk [tilespmem:v31+s4+$0xFFFFFFC0 ss:$0x1], $0xffff  }
0x1f2: {  	v36 =	vld.idx.msk [tilespmem:v54+s30+$0x0], $0xffff  }
0x1f3: {  	v55 =	vld.idx.msk [tilespmem:v27+s4+$0xFFFFFF90 ss:$0x1], $0xffff  }
0x1f4: {  	v56 =	vld.idx.msk [tilespmem:v31+s4+$0xFFFFFFD0 ss:$0x1], $0xffff  }
0x1f5: {  	v57 =	vld.idx.msk [tilespmem:v27+s4+$0xFFFFFFA0 ss:$0x1], $0xffff  }
0x1f6: {  	v58 =	vld.idx.msk [tilespmem:v31+s4+$0xFFFFFFE0 ss:$0x1], $0xffff  }
0x1f7: {  	v41 =	vld.idx.msk [tilespmem:v27+s4+$0xFFFFFFB0 ss:$0x1], $0xffff;
	v35 =	vmul.f32 v35, v36  }
0x1f8: {  	v42 =	vimm.f32 $0.0e+00;
	v43 =	vld.idx.msk [tilespmem:v31+s4+$0xFFFFFFF0 ss:$0x1], $0xffff  }
0x1f9: {  	v26 =	vadd.f32 v26, v42;
	v44 =	vld.idx.msk [tilespmem:v27+s4+$0xFFFFFFC0 ss:$0x1], $0xffff;
	v59 =	vmul.f32 v56, v36;
	v35 =	vadd.f32 v55, v35  }
0x1fa: {  	v34 =	vadd.f32 v34, v42;
	v28 =	vadd.f32 v28, v42;
	v60 =	vld.idx.msk [tilespmem:v31+s4+$0x0 ss:$0x1], $0xffff  }
0x1fb: {  	v45 =	vld.idx.msk [tilespmem:v27+s4+$0xFFFFFFD0 ss:$0x1], $0xffff;
	v61 =	vmul.f32 v58, v36;
	v37 =	vadd.f32 v57, v59;
	v35 =	vmax.f32 v35, $0.0e+00  }
0x1fc: {  	v30 =	vadd.f32 v30, v42;
	v40 =	vadd.f32 v29, v42;
	v29 =	vld.idx.msk [tilespmem:v31+s4+$0x10 ss:$0x1], $0xffff;
	v46 =	vmul.f32 v35, v17  }
0x1fd: {  	v52 =	vld.idx.msk [tilespmem:v31+s4+$0x20 ss:$0x1], $0xffff;
	v62 =	vmul.f32 v43, v36;
	v39 =	vadd.f32 v41, v61;
	v37 =	vmax.f32 v37, $0.0e+00  }
0x1fe: {  	v33 =	vadd.f32 v33, v42;
	v47 =	vld.idx.msk [tilespmem:v27+s4+$0xFFFFFFE0 ss:$0x1], $0xffff;
	v48 =	vmul.f32 v37, v18;
	v46 =	vadd.f32 $0.0e+00, v46  }
0x1ff: {  	v53 =	vld.idx.msk [tilespmem:v27+s4+$0xFFFFFFF0 ss:$0x1], $0xffff;
	v38 =	vmul.f32 v60, v36;
	v41 =	vadd.f32 v44, v62;
	v39 =	vmax.f32 v39, $0.0e+00  }
0x200: {  	v63 =	vadd.f32 v32, v42;
	v55 =	vld.idx.msk [tilespmem:v31+s4+$0x30 ss:$0x1], $0xffff;
	v54 =	vmul.f32 v39, v19;
	v46 =	vadd.f32 v48, v46  }
0x201: {  	v29 =	vmul.f32 v29, v36;
	v38 =	vadd.f32 v45, v38;
	v41 =	vmax.f32 v41, $0.0e+00  }
0x202: {  	v32 =	vmul.f32 v52, v36;
	v57 =	vld.idx.msk [tilespmem:v27+s4+$0x0 ss:$0x1], $0xffff;
	v56 =	vmul.f32 v41, v20;
	v46 =	vadd.f32 v54, v46  }
0x203: {  	v42 =	vadd.f32 v25, v42;
	v29 =	vadd.f32 v47, v29;
	v38 =	vmax.f32 v38, $0.0e+00  }
0x204: {  	v32 =	vadd.f32 v53, v32;
	v59 =	vmul.f32 v38, v21;
	v58 =	vadd.f32 v56, v46  }
0x205: {  	v60 =	vmax.f32 v29, $0.0e+00;
	v25 =	vadd.f32 v35, v26;
	v36 =	vmul.f32 v55, v36  }
0x206: {  	v26 =	vadd.f32 v37, v28;
	v61 =	vmul.f32 v60, v22;
	v35 =	vadd.f32 v59, v58  }
0x207: {  	v28 =	vadd.f32 v39, v30;
	v30 =	vmax.f32 v32, $0.0e+00;
	v36 =	vadd.f32 v57, v36  }
0x208: {  	v62 =	vmul.f32 v30, v23;
	v35 =	vadd.f32 v61, v35  }
0x209: {  	v29 =	vadd.f32 v41, v33;
	v33 =	vadd.f32 v60, v63;
	v63 =	vmax.f32 v36, $0.0e+00  }
0x20a: {  	s17 =	sadd.s32 $0x1, s17;
	v32 =	vadd.f32 v38, v40;
	v37 =	vmul.f32 v63, v24;
	v36 =	vadd.f32 v62, v35  }
0x20b: {  	s10 =	simm.s32 $0x600;
	s1 =	simm.s32 $0x400;
	s4 =	sshll.u32 s16, $0x5;
	v30 =	vadd.f32 v30, v34;
	v34 =	vadd.f32 v63, v42;
	v35 =	vmov s17  }
.LBB2_14:
0x20c: {  	p1 =	sne.s32 s10, $0x1E00;
	v36 =	vadd.f32 v37, v36  }
0x20d: {  	s15 =	sadd.s32 $0x10, s15  }
0x20e: {  	s11 =	sshra.s32 s1, $0x2;
	s1 =	smov.u32 s10;
	[tilespmem:s15+$0x0] =	vst v36  }
0x20f: {  	v36 =	vld.idx.msk [tilespmem:v31+s11+$0xFFFFFFC0 ss:$0x1], $0xffff  }
0x210: {  	v35 =	vld.idx.msk [tilespmem:v35+s30+$0x0], $0xffff  }
0x211: {  	v37 =	vld.idx.msk [tilespmem:v27+s11+$0xFFFFFF90 ss:$0x1], $0xffff  }
0x212: {  	v38 =	vld.idx.msk [tilespmem:v31+s11+$0xFFFFFFD0 ss:$0x1], $0xffff  }
0x213: {  	v39 =	vld.idx.msk [tilespmem:v27+s11+$0xFFFFFFA0 ss:$0x1], $0xffff  }
0x214: {  	v40 =	vld.idx.msk [tilespmem:v31+s11+$0xFFFFFFE0 ss:$0x1], $0xffff  }
0x215: {  	v41 =	vld.idx.msk [tilespmem:v27+s11+$0xFFFFFFB0 ss:$0x1], $0xffff  }
0x216: {  	v36 =	vmul.f32 v36, v35;
	v42 =	vld.idx.msk [tilespmem:v31+s11+$0xFFFFFFF0 ss:$0x1], $0xffff  }
0x217: {  	v43 =	vld.idx.msk [tilespmem:v27+s11+$0xFFFFFFC0 ss:$0x1], $0xffff  }
0x218: {  	v36 =	vadd.f32 v37, v36;
	v37 =	vmul.f32 v38, v35;
	v38 =	vld.idx.msk [tilespmem:v31+s11+$0x0 ss:$0x1], $0xffff  }
0x219: {  	v44 =	vld.idx.msk [tilespmem:v27+s11+$0xFFFFFFD0 ss:$0x1], $0xffff  }
0x21a: {  	v36 =	vmax.f32 v36, $0.0e+00;
	v37 =	vadd.f32 v39, v37;
	v39 =	vmul.f32 v40, v35;
	v40 =	vld.idx.msk [tilespmem:v31+s11+$0x10 ss:$0x1], $0xffff  }
0x21b: {  	v25 =	vadd.f32 v36, v25;
	v36 =	vmul.f32 v36, v17;
	v45 =	vld.idx.msk [tilespmem:v27+s11+$0xFFFFFFE0 ss:$0x1], $0xffff  }
0x21c: {  	v37 =	vmax.f32 v37, $0.0e+00;
	v39 =	vadd.f32 v41, v39;
	v41 =	vmul.f32 v42, v35;
	v42 =	vld.idx.msk [tilespmem:v31+s11+$0x20 ss:$0x1], $0xffff  }
0x21d: {  	v36 =	vadd.f32 $0.0e+00, v36;
	v26 =	vadd.f32 v37, v26;
	v37 =	vmul.f32 v37, v18;
	v46 =	vld.idx.msk [tilespmem:v27+s11+$0xFFFFFFF0 ss:$0x1], $0xffff  }
0x21e: {  	v39 =	vmax.f32 v39, $0.0e+00;
	v41 =	vadd.f32 v43, v41;
	v38 =	vmul.f32 v38, v35;
	v43 =	vld.idx.msk [tilespmem:v31+s11+$0x30 ss:$0x1], $0xffff  }
0x21f: {  	v36 =	vadd.f32 v37, v36;
	v28 =	vadd.f32 v39, v28;
	v37 =	vmul.f32 v39, v19  }
0x220: {  	v39 =	vmax.f32 v41, $0.0e+00;
	v38 =	vadd.f32 v44, v38;
	v40 =	vmul.f32 v40, v35;
	v41 =	vld.idx.msk [tilespmem:v27+s11+$0x0 ss:$0x1], $0xffff  }
0x221: {  	v36 =	vadd.f32 v37, v36;
	v29 =	vadd.f32 v39, v29;
	v37 =	vmul.f32 v39, v20  }
0x222: {  	v38 =	vmax.f32 v38, $0.0e+00;
	v39 =	vadd.f32 v45, v40;
	v40 =	vmul.f32 v42, v35  }
0x223: {  	v36 =	vadd.f32 v37, v36;
	v32 =	vadd.f32 v38, v32;
	v37 =	vmul.f32 v38, v21  }
0x224: {  	v38 =	vmax.f32 v39, $0.0e+00;
	v39 =	vadd.f32 v46, v40;
	v35 =	vmul.f32 v43, v35  }
0x225: {  	v36 =	vadd.f32 v37, v36;
	v33 =	vadd.f32 v38, v33;
	v37 =	vmul.f32 v38, v22  }
.Ltmp7:
0x226: {  	v38 =	vmax.f32 v39, $0.0e+00;
	v35 =	vadd.f32 v41, v35;
	(pc) =	sbr.rel @p1 .LBB2_14-.Ltmp7, $4  }
0x227: {  	v36 =	vadd.f32 v37, v36;
	v30 =	vadd.f32 v38, v30;
	v37 =	vmul.f32 v38, v23  }
0x228: {  	v35 =	vmax.f32 v35, $0.0e+00  }
0x229: {  	s17 =	sadd.s32 $0x1, s17;
	v36 =	vadd.f32 v37, v36;
	v34 =	vadd.f32 v35, v34;
	v37 =	vmul.f32 v35, v24  }
0x22a: {  	s10 =	sadd.s32 $0x200, s10;
	v35 =	vmov s17  }
0x22b: {  	_ = 	snop  }
0x22c: {  	v36 =	vadd.f32 v37, v36  }
0x22d: {  	s10 =	sadd.s32 $0x10, s15  }
0x22e: {  	s1 =	sshra.s32 s1, $0x2;
	[tilespmem:s10+$0x0] =	vst v36  }
0x22f: {  	v36 =	vld.idx.msk [tilespmem:v31+s1+$0xFFFFFFC0 ss:$0x1], $0xffff  }
0x230: {  	v40 =	vld.idx.msk [tilespmem:v35+s30+$0x0], $0xffff  }
0x231: {  	v55 =	vld.idx.msk [tilespmem:v27+s1+$0xFFFFFF90 ss:$0x1], $0xffff  }
0x232: {  	v56 =	vld.idx.msk [tilespmem:v31+s1+$0xFFFFFFD0 ss:$0x1], $0xffff  }
0x233: {  	v38 =	vld.idx.msk [tilespmem:v27+s1+$0xFFFFFFA0 ss:$0x1], $0xffff  }
0x234: {  	v39 =	vld.idx.msk [tilespmem:v31+s1+$0xFFFFFFE0 ss:$0x1], $0xffff  }
0x235: {  	v41 =	vld.idx.msk [tilespmem:v27+s1+$0xFFFFFFB0 ss:$0x1], $0xffff;
	v36 =	vmul.f32 v36, v40  }
0x236: {  	v42 =	vld.idx.msk [tilespmem:v31+s1+$0xFFFFFFF0 ss:$0x1], $0xffff  }
0x237: {  	v43 =	vld.idx.msk [tilespmem:v27+s1+$0xFFFFFFC0 ss:$0x1], $0xffff;
	v57 =	vmul.f32 v56, v40;
	v35 =	vadd.f32 v55, v36  }
0x238: {  	v44 =	vld.idx.msk [tilespmem:v31+s1+$0x0 ss:$0x1], $0xffff  }
0x239: {  	v45 =	vld.idx.msk [tilespmem:v27+s1+$0xFFFFFFD0 ss:$0x1], $0xffff;
	v58 =	vmul.f32 v39, v40;
	v36 =	vadd.f32 v38, v57;
	v35 =	vmax.f32 v35, $0.0e+00  }
0x23a: {  	v59 =	vld.idx.msk [tilespmem:v31+s1+$0x10 ss:$0x1], $0xffff;
	v60 =	vmul.f32 v35, v17  }
0x23b: {  	v46 =	vld.idx.msk [tilespmem:v27+s1+$0xFFFFFFE0 ss:$0x1], $0xffff;
	v61 =	vmul.f32 v42, v40;
	v37 =	vadd.f32 v41, v58;
	v36 =	vmax.f32 v36, $0.0e+00  }
0x23c: {  	v62 =	vld.idx.msk [tilespmem:v31+s1+$0x20 ss:$0x1], $0xffff;
	v47 =	vmul.f32 v36, v18;
	v38 =	vadd.f32 $0.0e+00, v60  }
0x23d: {  	v48 =	vld.idx.msk [tilespmem:v27+s1+$0xFFFFFFF0 ss:$0x1], $0xffff;
	v63 =	vmul.f32 v44, v40;
	v41 =	vadd.f32 v43, v61;
	v37 =	vmax.f32 v37, $0.0e+00  }
0x23e: {  	v31 =	vld.idx.msk [tilespmem:v31+s1+$0x30 ss:$0x1], $0xffff;
	v50 =	vmul.f32 v37, v19;
	v49 =	vadd.f32 v47, v38  }
0x23f: {  	v52 =	vmul.f32 v59, v40;
	v51 =	vadd.f32 v45, v63;
	v38 =	vmax.f32 v41, $0.0e+00  }
0x240: {  	v27 =	vld.idx.msk [tilespmem:v27+s1+$0x0 ss:$0x1], $0xffff;
	v53 =	vmul.f32 v38, v20;
	v44 =	vadd.f32 v50, v49  }
0x241: {  	v42 =	vmul.f32 v62, v40;
	v54 =	vadd.f32 v46, v52;
	v39 =	vmax.f32 v51, $0.0e+00  }
0x242: {  	v56 =	vmul.f32 v39, v21;
	v55 =	vadd.f32 v53, v44  }
0x243: {  	v31 =	vmul.f32 v31, v40;
	v42 =	vadd.f32 v48, v42;
	v41 =	vmax.f32 v54, $0.0e+00  }
0x244: {  	v58 =	vmul.f32 v41, v22;
	v57 =	vadd.f32 v56, v55  }
0x245: {  	v27 =	vadd.f32 v27, v31;
	v42 =	vmax.f32 v42, $0.0e+00  }
0x246: {  	v59 =	vmul.f32 v42, v23;
	v31 =	vadd.f32 v58, v57  }
0x247: {  	v43 =	vmax.f32 v27, $0.0e+00  }
0x248: {  	v27 =	vadd.f32 v59, v31;
	v31 =	vmul.f32 v43, v24;
	_ =	sdelay $0x1  }
0x249: {  	v27 =	vadd.f32 v31, v27  }
0x24a: {  	s17 =	sadd.s32 $0x10, s10  }
0x24b: {  	s15 =	simm.s32 $0x1A590;
	[tilespmem:s17+$0x0] =	vst v27  }
0x24c: {  	v27 =	vld.idx.msk [tilespmem:v0+s15+$0x0], $0xffff;
	_ =	sdelay $0x1  }
0x24d: {  	v31 =	vld.idx.msk [tilespmem:v1+s15+$0x0], $0xffff;
	_ =	sdelay $0x1  }
0x24e: {  	v60 =	vld.idx.msk [tilespmem:v2+s15+$0x0], $0xffff  }
0x24f: {  	v27 =	vadd.f32 v27, v16  }
0x250: {  	v61 =	vld.idx.msk [tilespmem:v3+s15+$0x0], $0xffff  }
0x251: {  	v27 =	vadd.f32 v31, v27  }
0x252: {  	v31 =	vld.idx.msk [tilespmem:v4+s15+$0x0], $0xffff  }
0x253: {  	v27 =	vadd.f32 v60, v27  }
0x254: {  	v62 =	vld.idx.msk [tilespmem:v5+s15+$0x0], $0xffff  }
0x255: {  	v27 =	vadd.f32 v61, v27  }
0x256: {  	v63 =	vld.idx.msk [tilespmem:v6+s15+$0x0], $0xffff  }
0x257: {  	v27 =	vadd.f32 v31, v27  }
0x258: {  	v31 =	vld.idx.msk [tilespmem:v7+s15+$0x0], $0xffff  }
0x259: {  	v27 =	vadd.f32 v62, v27  }
0x25a: {  	v48 =	vld.idx.msk [tilespmem:v8+s15+$0x0], $0xffff  }
0x25b: {  	v27 =	vadd.f32 v63, v27  }
0x25c: {  	v49 =	vld.idx.msk [tilespmem:v9+s15+$0x0], $0xffff  }
0x25d: {  	v27 =	vadd.f32 v31, v27  }
0x25e: {  	v31 =	vld.idx.msk [tilespmem:v10+s15+$0x0], $0xffff  }
0x25f: {  	v27 =	vadd.f32 v48, v27  }
0x260: {  	v50 =	vld.idx.msk [tilespmem:v11+s15+$0x0], $0xffff  }
0x261: {  	v27 =	vadd.f32 v49, v27  }
0x262: {  	v51 =	vld.idx.msk [tilespmem:v12+s15+$0x0], $0xffff  }
0x263: {  	v27 =	vadd.f32 v31, v27  }
0x264: {  	v31 =	vld.idx.msk [tilespmem:v13+s15+$0x0], $0xffff  }
0x265: {  	v27 =	vadd.f32 v50, v27  }
0x266: {  	v52 =	vld.idx.msk [tilespmem:v14+s15+$0x0], $0xffff  }
0x267: {  	v27 =	vadd.f32 v51, v27  }
0x268: {  	v53 =	vld.idx.msk [tilespmem:v15+s15+$0x0], $0xffff  }
0x269: {  	v27 =	vadd.f32 v31, v27;
	_ =	sdelay $0x1  }
0x26a: {  	v31 =	vmov s23;
	v27 =	vadd.f32 v52, v27  }
0x26b: {  	v54 =	vmov s20  }
0x26c: {  	v44 =	vadd.f32 v53, v27  }
0x26d: {  	v27 =	vmov s0  }
0x26e: {  	s10 =	simm.s32 $0x0;
	[tilespmem:s4+$0x1A110] =	vst v44  }
0x26f: {  	v44 =	vld.idx.msk [tilespmem:v31+s10+$0x0 ss:$0x1], $0xffff  }
0x270: {  	v40 =	vld.idx.msk [tilespmem:v54+s30+$0x0], $0xffff  }
0x271: {  	v56 =	vld.idx.msk [tilespmem:v31+s10+$0x10 ss:$0x1], $0xffff  }
0x272: {  	v55 =	vld.idx.msk [tilespmem:v27+s10+$0xFFFFFF90 ss:$0x1], $0xffff  }
0x273: {  	v58 =	vld.idx.msk [tilespmem:v31+s10+$0x20 ss:$0x1], $0xffff  }
0x274: {  	v57 =	vld.idx.msk [tilespmem:v27+s10+$0xFFFFFFA0 ss:$0x1], $0xffff  }
0x275: {  	v50 =	vld.idx.msk [tilespmem:v31+s10+$0x30 ss:$0x1], $0xffff;
	v44 =	vmul.f32 v44, v40  }
0x276: {  	v49 =	vld.idx.msk [tilespmem:v27+s10+$0xFFFFFFB0 ss:$0x1], $0xffff  }
0x277: {  	v46 =	vld.idx.msk [tilespmem:v31+s10+$0x40 ss:$0x1], $0xffff;
	v59 =	vmul.f32 v56, v40;
	v44 =	vadd.f32 v55, v44  }
0x278: {  	v51 =	vld.idx.msk [tilespmem:v27+s10+$0xFFFFFFC0 ss:$0x1], $0xffff  }
0x279: {  	v61 =	vld.idx.msk [tilespmem:v31+s10+$0x50 ss:$0x1], $0xffff;
	v60 =	vmul.f32 v58, v40;
	v45 =	vadd.f32 v57, v59;
	v44 =	vmax.f32 v44, $0.0e+00  }
0x27a: {  	v52 =	vld.idx.msk [tilespmem:v27+s10+$0xFFFFFFD0 ss:$0x1], $0xffff;
	v53 =	vmul.f32 v44, v17  }
0x27b: {  	v63 =	vld.idx.msk [tilespmem:v31+s10+$0x60 ss:$0x1], $0xffff;
	v62 =	vmul.f32 v50, v40;
	v47 =	vadd.f32 v49, v60;
	v45 =	vmax.f32 v45, $0.0e+00  }
0x27c: {  	v54 =	vld.idx.msk [tilespmem:v27+s10+$0xFFFFFFE0 ss:$0x1], $0xffff;
	v55 =	vmul.f32 v45, v18;
	v53 =	vadd.f32 $0.0e+00, v53  }
0x27d: {  	v56 =	vld.idx.msk [tilespmem:v27+s10+$0xFFFFFFF0 ss:$0x1], $0xffff;
	v46 =	vmul.f32 v46, v40;
	v49 =	vadd.f32 v51, v62;
	v47 =	vmax.f32 v47, $0.0e+00  }
0x27e: {  	v57 =	vld.idx.msk [tilespmem:v31+s10+$0x70 ss:$0x1], $0xffff;
	v58 =	vmul.f32 v47, v19;
	v53 =	vadd.f32 v55, v53  }
0x27f: {  	v48 =	vmul.f32 v61, v40;
	v46 =	vadd.f32 v52, v46;
	v49 =	vmax.f32 v49, $0.0e+00  }
0x280: {  	v59 =	vld.idx.msk [tilespmem:v27+s10+$0x0 ss:$0x1], $0xffff;
	v60 =	vmul.f32 v49, v20;
	v53 =	vadd.f32 v58, v53  }
0x281: {  	v50 =	vmul.f32 v63, v40;
	v48 =	vadd.f32 v54, v48;
	v46 =	vmax.f32 v46, $0.0e+00  }
0x282: {  	v61 =	vmul.f32 v46, v21;
	v53 =	vadd.f32 v60, v53  }
0x283: {  	v48 =	vmax.f32 v48, $0.0e+00;
	v50 =	vadd.f32 v56, v50;
	v40 =	vmul.f32 v57, v40  }
0x284: {  	v63 =	vmul.f32 v48, v22;
	v62 =	vadd.f32 v61, v53  }
0x285: {  	v50 =	vmax.f32 v50, $0.0e+00;
	v40 =	vadd.f32 v59, v40  }
0x286: {  	v56 =	vmul.f32 v50, v23;
	v51 =	vadd.f32 v63, v62  }
0x287: {  	v40 =	vmax.f32 v40, $0.0e+00  }
0x288: {  	s11 =	sadd.s32 $0x1, s20;
	v57 =	vmul.f32 v40, v24;
	v51 =	vadd.f32 v56, v51  }
0x289: {  	v58 =	vmov s11  }
0x28a: {  	v51 =	vadd.f32 v57, v51;
	_ =	sdelay $0x1  }
0x28b: {  	s17 =	simm.s32 $0x80;
	[tilespmem:s15+$0x0] =	vst v51  }
0x28c: {  	v51 =	vld.idx.msk [tilespmem:v31+s17+$0x0 ss:$0x1], $0xffff  }
0x28d: {  	v52 =	vld.idx.msk [tilespmem:v58+s30+$0x0], $0xffff  }
0x28e: {  	v59 =	vld.idx.msk [tilespmem:v27+s17+$0xFFFFFF90 ss:$0x1], $0xffff  }
0x28f: {  	v60 =	vld.idx.msk [tilespmem:v31+s17+$0x10 ss:$0x1], $0xffff  }
0x290: {  	v25 =	vadd.f32 v35, v25;
	v26 =	vadd.f32 v36, v26;
	v61 =	vld.idx.msk [tilespmem:v27+s17+$0xFFFFFFA0 ss:$0x1], $0xffff  }
0x291: {  	v28 =	vadd.f32 v37, v28;
	v32 =	vadd.f32 v39, v32;
	v62 =	vld.idx.msk [tilespmem:v31+s17+$0x20 ss:$0x1], $0xffff  }
0x292: {  	v30 =	vadd.f32 v42, v30;
	v34 =	vadd.f32 v43, v34;
	v63 =	vld.idx.msk [tilespmem:v27+s17+$0xFFFFFFB0 ss:$0x1], $0xffff;
	v55 =	vmul.f32 v51, v52  }
0x293: {  	v29 =	vadd.f32 v38, v29;
	v33 =	vadd.f32 v41, v33;
	v56 =	vld.idx.msk [tilespmem:v31+s17+$0x30 ss:$0x1], $0xffff  }
0x294: {  	v25 =	vadd.f32 v44, v25;
	v57 =	vld.idx.msk [tilespmem:v27+s17+$0xFFFFFFC0 ss:$0x1], $0xffff;
	v58 =	vmul.f32 v60, v52;
	v38 =	vadd.f32 v59, v55  }
0x295: {  	v26 =	vadd.f32 v45, v26;
	v43 =	vadd.f32 v47, v28;
	v28 =	vld.idx.msk [tilespmem:v31+s17+$0x40 ss:$0x1], $0xffff  }
0x296: {  	v36 =	vmul.f32 v62, v52;
	v60 =	vld.idx.msk [tilespmem:v31+s17+$0x50 ss:$0x1], $0xffff;
	v35 =	vadd.f32 v61, v58;
	v38 =	vmax.f32 v38, $0.0e+00  }
0x297: {  	v29 =	vadd.f32 v49, v29;
	v39 =	vadd.f32 v48, v33;
	v59 =	vld.idx.msk [tilespmem:v27+s17+$0xFFFFFFD0 ss:$0x1], $0xffff;
	v61 =	vmul.f32 v38, v17  }
0x298: {  	v48 =	vld.idx.msk [tilespmem:v31+s17+$0x60 ss:$0x1], $0xffff;
	v36 =	vadd.f32 v63, v36;
	v63 =	vmul.f32 v56, v52;
	v35 =	vmax.f32 v35, $0.0e+00  }
0x299: {  	v30 =	vadd.f32 v50, v30;
	v62 =	vld.idx.msk [tilespmem:v27+s17+$0xFFFFFFE0 ss:$0x1], $0xffff;
	v49 =	vmul.f32 v35, v18;
	v45 =	vadd.f32 $0.0e+00, v61  }
0x29a: {  	v50 =	vld.idx.msk [tilespmem:v27+s17+$0xFFFFFFF0 ss:$0x1], $0xffff;
	v28 =	vmul.f32 v28, v52;
	v37 =	vadd.f32 v57, v63;
	v36 =	vmax.f32 v36, $0.0e+00  }
0x29b: {  	v42 =	vadd.f32 v46, v32;
	v53 =	vld.idx.msk [tilespmem:v31+s17+$0x70 ss:$0x1], $0xffff;
	v51 =	vmul.f32 v36, v19;
	v45 =	vadd.f32 v49, v45  }
0x29c: {  	v32 =	vmul.f32 v60, v52;
	v37 =	vmax.f32 v37, $0.0e+00;
	v28 =	vadd.f32 v59, v28  }
0x29d: {  	v33 =	vmul.f32 v48, v52;
	v56 =	vld.idx.msk [tilespmem:v27+s17+$0x0 ss:$0x1], $0xffff;
	v55 =	vmul.f32 v37, v20;
	v54 =	vadd.f32 v51, v45  }
0x29e: {  	v40 =	vadd.f32 v40, v34;
	v32 =	vadd.f32 v62, v32;
	v57 =	vmax.f32 v28, $0.0e+00  }
0x29f: {  	v33 =	vadd.f32 v50, v33;
	v58 =	vmul.f32 v57, v21;
	v34 =	vadd.f32 v55, v54  }
0x2a0: {  	v59 =	vmul.f32 v53, v52;
	v28 =	vadd.f32 v35, v26;
	v26 =	vmax.f32 v32, $0.0e+00  }
0x2a1: {  	v25 =	vadd.f32 v38, v25;
	v60 =	vmul.f32 v26, v22;
	v38 =	vadd.f32 v58, v34  }
0x2a2: {  	v61 =	vmax.f32 v33, $0.0e+00;
	v35 =	vadd.f32 v56, v59  }
0x2a3: {  	v63 =	vmul.f32 v61, v23;
	v32 =	vadd.f32 v37, v29;
	v62 =	vadd.f32 v60, v38  }
0x2a4: {  	v33 =	vadd.f32 v57, v42;
	v29 =	vadd.f32 v26, v39;
	v35 =	vmax.f32 v35, $0.0e+00  }
0x2a5: {  	s17 =	sadd.s32 $0x1, s11;
	v37 =	vmul.f32 v35, v24;
	v34 =	vadd.f32 v36, v43;
	v36 =	vadd.f32 v63, v62  }
0x2a6: {  	s1 =	simm.s32 $0x400;
	s10 =	simm.s32 $0x600;
	v26 =	vadd.f32 v61, v30;
	v30 =	vadd.f32 v35, v40;
	v35 =	vmov s17  }
.LBB2_16:
0x2a7: {  	p1 =	sne.s32 s10, $0x1E00;
	v36 =	vadd.f32 v37, v36  }
0x2a8: {  	s15 =	sadd.s32 $0x10, s15  }
0x2a9: {  	s11 =	sshra.s32 s1, $0x2;
	s1 =	smov.u32 s10;
	[tilespmem:s15+$0x0] =	vst v36  }
0x2aa: {  	v36 =	vld.idx.msk [tilespmem:v31+s11+$0x0 ss:$0x1], $0xffff  }
0x2ab: {  	v35 =	vld.idx.msk [tilespmem:v35+s30+$0x0], $0xffff  }
0x2ac: {  	v37 =	vld.idx.msk [tilespmem:v27+s11+$0xFFFFFF90 ss:$0x1], $0xffff  }
0x2ad: {  	v38 =	vld.idx.msk [tilespmem:v31+s11+$0x10 ss:$0x1], $0xffff  }
0x2ae: {  	v39 =	vld.idx.msk [tilespmem:v27+s11+$0xFFFFFFA0 ss:$0x1], $0xffff  }
0x2af: {  	v40 =	vld.idx.msk [tilespmem:v31+s11+$0x20 ss:$0x1], $0xffff  }
0x2b0: {  	v41 =	vld.idx.msk [tilespmem:v27+s11+$0xFFFFFFB0 ss:$0x1], $0xffff  }
0x2b1: {  	v36 =	vmul.f32 v36, v35;
	v42 =	vld.idx.msk [tilespmem:v31+s11+$0x30 ss:$0x1], $0xffff  }
0x2b2: {  	v43 =	vld.idx.msk [tilespmem:v27+s11+$0xFFFFFFC0 ss:$0x1], $0xffff  }
0x2b3: {  	v36 =	vadd.f32 v37, v36;
	v37 =	vmul.f32 v38, v35;
	v38 =	vld.idx.msk [tilespmem:v31+s11+$0x40 ss:$0x1], $0xffff  }
0x2b4: {  	v44 =	vld.idx.msk [tilespmem:v27+s11+$0xFFFFFFD0 ss:$0x1], $0xffff  }
0x2b5: {  	v36 =	vmax.f32 v36, $0.0e+00;
	v37 =	vadd.f32 v39, v37;
	v39 =	vmul.f32 v40, v35;
	v40 =	vld.idx.msk [tilespmem:v31+s11+$0x50 ss:$0x1], $0xffff  }
0x2b6: {  	v25 =	vadd.f32 v36, v25;
	v36 =	vmul.f32 v36, v17;
	v45 =	vld.idx.msk [tilespmem:v27+s11+$0xFFFFFFE0 ss:$0x1], $0xffff  }
0x2b7: {  	v37 =	vmax.f32 v37, $0.0e+00;
	v39 =	vadd.f32 v41, v39;
	v41 =	vmul.f32 v42, v35;
	v42 =	vld.idx.msk [tilespmem:v31+s11+$0x60 ss:$0x1], $0xffff  }
0x2b8: {  	v36 =	vadd.f32 $0.0e+00, v36;
	v28 =	vadd.f32 v37, v28;
	v37 =	vmul.f32 v37, v18;
	v46 =	vld.idx.msk [tilespmem:v27+s11+$0xFFFFFFF0 ss:$0x1], $0xffff  }
0x2b9: {  	v39 =	vmax.f32 v39, $0.0e+00;
	v41 =	vadd.f32 v43, v41;
	v38 =	vmul.f32 v38, v35;
	v43 =	vld.idx.msk [tilespmem:v31+s11+$0x70 ss:$0x1], $0xffff  }
0x2ba: {  	v36 =	vadd.f32 v37, v36;
	v34 =	vadd.f32 v39, v34;
	v37 =	vmul.f32 v39, v19  }
0x2bb: {  	v39 =	vmax.f32 v41, $0.0e+00;
	v38 =	vadd.f32 v44, v38;
	v40 =	vmul.f32 v40, v35;
	v41 =	vld.idx.msk [tilespmem:v27+s11+$0x0 ss:$0x1], $0xffff  }
0x2bc: {  	v36 =	vadd.f32 v37, v36;
	v32 =	vadd.f32 v39, v32;
	v37 =	vmul.f32 v39, v20  }
0x2bd: {  	v38 =	vmax.f32 v38, $0.0e+00;
	v39 =	vadd.f32 v45, v40;
	v40 =	vmul.f32 v42, v35  }
0x2be: {  	v36 =	vadd.f32 v37, v36;
	v33 =	vadd.f32 v38, v33;
	v37 =	vmul.f32 v38, v21  }
0x2bf: {  	v38 =	vmax.f32 v39, $0.0e+00;
	v39 =	vadd.f32 v46, v40;
	v35 =	vmul.f32 v43, v35  }
0x2c0: {  	v36 =	vadd.f32 v37, v36;
	v29 =	vadd.f32 v38, v29;
	v37 =	vmul.f32 v38, v22  }
.Ltmp8:
0x2c1: {  	v38 =	vmax.f32 v39, $0.0e+00;
	v35 =	vadd.f32 v41, v35;
	(pc) =	sbr.rel @p1 .LBB2_16-.Ltmp8, $4  }
0x2c2: {  	v36 =	vadd.f32 v37, v36;
	v26 =	vadd.f32 v38, v26;
	v37 =	vmul.f32 v38, v23  }
0x2c3: {  	v35 =	vmax.f32 v35, $0.0e+00  }
0x2c4: {  	s17 =	sadd.s32 $0x1, s17;
	v36 =	vadd.f32 v37, v36;
	v30 =	vadd.f32 v35, v30;
	v37 =	vmul.f32 v35, v24  }
0x2c5: {  	s10 =	sadd.s32 $0x200, s10;
	v35 =	vmov s17  }
0x2c6: {  	_ = 	snop  }
0x2c7: {  	v36 =	vadd.f32 v37, v36  }
0x2c8: {  	s10 =	sadd.s32 $0x10, s15  }
0x2c9: {  	s1 =	sshra.s32 s1, $0x2;
	[tilespmem:s10+$0x0] =	vst v36  }
0x2ca: {  	v36 =	vld.idx.msk [tilespmem:v31+s1+$0x0 ss:$0x1], $0xffff  }
0x2cb: {  	v35 =	vld.idx.msk [tilespmem:v35+s30+$0x0], $0xffff  }
0x2cc: {  	v60 =	vld.idx.msk [tilespmem:v27+s1+$0xFFFFFF90 ss:$0x1], $0xffff  }
0x2cd: {  	v38 =	vld.idx.msk [tilespmem:v31+s1+$0x10 ss:$0x1], $0xffff  }
0x2ce: {  	v39 =	vld.idx.msk [tilespmem:v27+s1+$0xFFFFFFA0 ss:$0x1], $0xffff  }
0x2cf: {  	v40 =	vld.idx.msk [tilespmem:v31+s1+$0x20 ss:$0x1], $0xffff  }
0x2d0: {  	v41 =	vld.idx.msk [tilespmem:v27+s1+$0xFFFFFFB0 ss:$0x1], $0xffff;
	v36 =	vmul.f32 v36, v35  }
0x2d1: {  	v42 =	vld.idx.msk [tilespmem:v31+s1+$0x30 ss:$0x1], $0xffff  }
0x2d2: {  	v43 =	vld.idx.msk [tilespmem:v27+s1+$0xFFFFFFC0 ss:$0x1], $0xffff;
	v61 =	vmul.f32 v38, v35;
	v36 =	vadd.f32 v60, v36  }
0x2d3: {  	v62 =	vld.idx.msk [tilespmem:v31+s1+$0x40 ss:$0x1], $0xffff  }
0x2d4: {  	v44 =	vld.idx.msk [tilespmem:v27+s1+$0xFFFFFFD0 ss:$0x1], $0xffff;
	v63 =	vmul.f32 v40, v35;
	v37 =	vadd.f32 v39, v61;
	v36 =	vmax.f32 v36, $0.0e+00  }
0x2d5: {  	v48 =	vld.idx.msk [tilespmem:v31+s1+$0x50 ss:$0x1], $0xffff;
	v45 =	vmul.f32 v36, v17  }
0x2d6: {  	v46 =	vld.idx.msk [tilespmem:v27+s1+$0xFFFFFFE0 ss:$0x1], $0xffff;
	v49 =	vmul.f32 v42, v35;
	v39 =	vadd.f32 v41, v63;
	v37 =	vmax.f32 v37, $0.0e+00  }
0x2d7: {  	v50 =	vld.idx.msk [tilespmem:v31+s1+$0x60 ss:$0x1], $0xffff;
	v47 =	vmul.f32 v37, v18;
	v45 =	vadd.f32 $0.0e+00, v45  }
0x2d8: {  	v51 =	vld.idx.msk [tilespmem:v27+s1+$0xFFFFFFF0 ss:$0x1], $0xffff;
	v38 =	vmul.f32 v62, v35;
	v41 =	vadd.f32 v43, v49;
	v39 =	vmax.f32 v39, $0.0e+00  }
0x2d9: {  	v52 =	vld.idx.msk [tilespmem:v31+s1+$0x70 ss:$0x1], $0xffff;
	v53 =	vmul.f32 v39, v19;
	v45 =	vadd.f32 v47, v45  }
0x2da: {  	v40 =	vmul.f32 v48, v35;
	v38 =	vadd.f32 v44, v38;
	v41 =	vmax.f32 v41, $0.0e+00  }
0x2db: {  	v27 =	vld.idx.msk [tilespmem:v27+s1+$0x0 ss:$0x1], $0xffff;
	v55 =	vmul.f32 v41, v20;
	v54 =	vadd.f32 v53, v45  }
0x2dc: {  	v42 =	vmul.f32 v50, v35;
	v40 =	vadd.f32 v46, v40;
	v38 =	vmax.f32 v38, $0.0e+00  }
0x2dd: {  	v56 =	vmul.f32 v38, v21;
	v44 =	vadd.f32 v55, v54  }
0x2de: {  	v31 =	vmul.f32 v52, v35;
	v42 =	vadd.f32 v51, v42;
	v40 =	vmax.f32 v40, $0.0e+00  }
0x2df: {  	v58 =	vmul.f32 v40, v22;
	v57 =	vadd.f32 v56, v44  }
0x2e0: {  	v27 =	vadd.f32 v27, v31;
	v42 =	vmax.f32 v42, $0.0e+00  }
0x2e1: {  	v60 =	vmul.f32 v42, v23;
	v59 =	vadd.f32 v58, v57  }
0x2e2: {  	v27 =	vmax.f32 v27, $0.0e+00  }
0x2e3: {  	v61 =	vmul.f32 v27, v24;
	v31 =	vadd.f32 v60, v59;
	_ =	sdelay $0x1  }
0x2e4: {  	v31 =	vadd.f32 v61, v31  }
0x2e5: {  	s15 =	sadd.s32 $0x10, s10  }
0x2e6: {  	[tilespmem:s15+$0x0] =	vst v31  }
0x2e7: {  	v31 =	vld.idx.msk [tilespmem:v0+s31+$0x0], $0xffff;
	_ =	sdelay $0x1  }
0x2e8: {  	v62 =	vld.idx.msk [tilespmem:v1+s31+$0x0], $0xffff;
	_ =	sdelay $0x1  }
0x2e9: {  	v63 =	vld.idx.msk [tilespmem:v2+s31+$0x0], $0xffff  }
0x2ea: {  	v31 =	vadd.f32 v31, v16  }
0x2eb: {  	v48 =	vld.idx.msk [tilespmem:v3+s31+$0x0], $0xffff  }
0x2ec: {  	v31 =	vadd.f32 v62, v31  }
0x2ed: {  	v49 =	vld.idx.msk [tilespmem:v4+s31+$0x0], $0xffff  }
0x2ee: {  	v31 =	vadd.f32 v63, v31  }
0x2ef: {  	v50 =	vld.idx.msk [tilespmem:v5+s31+$0x0], $0xffff  }
0x2f0: {  	v31 =	vadd.f32 v48, v31  }
0x2f1: {  	v51 =	vld.idx.msk [tilespmem:v6+s31+$0x0], $0xffff  }
0x2f2: {  	v31 =	vadd.f32 v49, v31  }
0x2f3: {  	v52 =	vld.idx.msk [tilespmem:v7+s31+$0x0], $0xffff  }
0x2f4: {  	v31 =	vadd.f32 v50, v31  }
0x2f5: {  	v53 =	vld.idx.msk [tilespmem:v8+s31+$0x0], $0xffff  }
0x2f6: {  	v31 =	vadd.f32 v51, v31  }
0x2f7: {  	v54 =	vld.idx.msk [tilespmem:v9+s31+$0x0], $0xffff  }
0x2f8: {  	v31 =	vadd.f32 v52, v31  }
0x2f9: {  	v55 =	vld.idx.msk [tilespmem:v10+s31+$0x0], $0xffff  }
0x2fa: {  	v31 =	vadd.f32 v53, v31  }
0x2fb: {  	v56 =	vld.idx.msk [tilespmem:v11+s31+$0x0], $0xffff  }
0x2fc: {  	v31 =	vadd.f32 v54, v31  }
0x2fd: {  	v57 =	vld.idx.msk [tilespmem:v12+s31+$0x0], $0xffff  }
0x2fe: {  	v31 =	vadd.f32 v55, v31  }
0x2ff: {  	v58 =	vld.idx.msk [tilespmem:v13+s31+$0x0], $0xffff  }
0x300: {  	v31 =	vadd.f32 v56, v31  }
0x301: {  	v59 =	vld.idx.msk [tilespmem:v14+s31+$0x0], $0xffff  }
0x302: {  	v31 =	vadd.f32 v57, v31  }
0x303: {  	v60 =	vld.idx.msk [tilespmem:v15+s31+$0x0], $0xffff  }
0x304: {  	v31 =	vadd.f32 v58, v31;
	_ =	sdelay $0x1  }
0x305: {  	v31 =	vadd.f32 v59, v31  }
0x306: {  	v25 =	vadd.f32 v36, v25  }
0x307: {  	v28 =	vadd.f32 v37, v28;
	v31 =	vadd.f32 v60, v31  }
0x308: {  	s17 =	sshll.u32 s16, $0x7;
	v34 =	vadd.f32 v39, v34;
	v25 =	vmul.f32 $3.125000000e-02, v25  }
0x309: {  	s1 =	sand.u32 $0x3FFFFF80, s17;
	v32 =	vadd.f32 v41, v32;
	v28 =	vmul.f32 $3.125000000e-02, v28;
	[tilespmem:s4+$0x1A120] =	vst v31  }
0x30a: {  	v61 =	vadd.f32 v38, v33;
	[tilespmem:s1+$0x1A390] =	vst v25;
	v25 =	vmul.f32 $3.125000000e-02, v34  }
0x30b: {  	s16 =	sadd.s32 $0x1, s16;
	v29 =	vadd.f32 v40, v29;
	v62 =	vmul.f32 $3.125000000e-02, v32;
	[tilespmem:s1+$0x1A3A0] =	vst v28  }
0x30c: {  	p1 =	sne.s32 s16, $0x4;
	v26 =	vadd.f32 v42, v26;
	[tilespmem:s1+$0x1A3B0] =	vst v25;
	v25 =	vmul.f32 $3.125000000e-02, v61  }
.Ltmp9:
0x30d: {  	v27 =	vadd.f32 v27, v30;
	v63 =	vmul.f32 $3.125000000e-02, v29;
	[tilespmem:s1+$0x1A3C0] =	vst v62;
	(pc) =	sbr.rel @p1 .LBB2_13-.Ltmp9, $4  }
0x30e: {  	[tilespmem:s1+$0x1A3D0] =	vst v25;
	v25 =	vmul.f32 $3.125000000e-02, v26  }
0x30f: {  	[tilespmem:s1+$0x1A3E0] =	vst v63;
	v26 =	vmul.f32 $3.125000000e-02, v27  }
0x310: {  	s14 =	sadd.s32 $0x20, s14;
	s22 =	sadd.s32 $0x1000, s22;
	s24 =	sadd.s32 $0x1000, s24;
	[tilespmem:s1+$0x1A3F0] =	vst v25  }
0x311: {  	s20 =	sadd.s32 $0x20, s20;
	s23 =	sadd.s32 $0x1000, s23;
	s0 =	sadd.s32 $0x1000, s0;
	[tilespmem:s1+$0x1A400] =	vst v26  }
0x312: {  	s0 =	sshll.u32 s13, $0x2  }
0x313: {  	s0 =	sadd.s32 s12, s0  }
0x314: {  	s4 =	rddreg [dreg:$0x6];
	s22 =	simm.s32 $0x1A110;
	s1 =	sshll.u32 s0, $0x2  }
.Ltmp10:
0x315: {  	s0 =	sshll.u32 s0, $0x4;
	s1 =	sand.u32 $0x1FFFFFF0, s1;
	(pc) =	sbr.rel @p0 .LBB2_20-.Ltmp10, $4  }
0x316: {  	s23 =	rddreg [dreg:$0x7];
	s0 =	sand.u32 $0x1FFFFFC0, s0;
	s1 =	sadd.s32 s4, s1  }
0x317: {  	[hbm4b:s1+s3] =	stream.linear.scatter [tilespmem:s22], [sflag:$0x5], $0x80, $0x38;
	[tilespmem:$0x1A990] =	vst v63  }
0x318: {  	s24 =	simm.s32 $0x1A390;
	s0 =	sadd.s32 s23, s0  }
0x319: {  	[hbm4b:s0+s3] =	stream.linear.scatter [tilespmem:s24], [sflag:$0x5], $0x200, $0x38;
	[tilespmem:$0x1A990] =	vst v63  }
0x31a: {  	_ =	swait.ge [sflag:s19], $0x80  }
0x31b: {  	[sflag:s19] =	ssyncset.done $0x0  }
0x31c: {  	[sflag:s19] =	ssyncadd.s32 $0xFFFFFF80  }
0x31d: {  	_ =	swait.ge [sflag:s19], $0x80  }
0x31e: {  	[sflag:s19] =	ssyncset.done $0x0  }
0x31f: {  	[sflag:s19] =	ssyncadd.s32 $0xFFFFFF80  }
0x320: {  	_ =	swait.ge [sflag:s19], $0x80  }
0x321: {  	s0 =	sadd.s32 $0x2980, s9;
	[sflag:s19] =	ssyncset.done $0x0  }
.Ltmp11:
0x322: {  	s4 =	simm.s32 $0xE000;
	[sflag:s19] =	ssyncadd.s32 $0xFFFFFF80;
	(pc) =	sbr.rel .LBB2_4-.Ltmp11, $4  }
0x323: {  	s23 =	sadd.s32 $0x5180, s9;
	s24 =	simm.s32 $0x16000;
	s1 =	rddreg [dreg:$0x0]  }
0x324: {  	[tilespmem:s4], [sflag:$0x3] =	stream.indirect.gather [hbm4b:s1+s18], $0x80, s0, s18, $0xb8;
	[tilespmem:$0x1A990] =	vst v63  }
0x325: {  	s26 =	sadd.s32 $0x1, s26;
	s28 =	sadd.s32 $0x100, s28;
	s25 =	sadd.s32 $0x100, s25  }
0x326: {  	[tilespmem:s24], [sflag:$0x3] =	stream.indirect.gather [hbm4b:s5+s18], $0x80, s23, s18, $0xb8;
	[tilespmem:$0x1A990] =	vst v63  }
.LBB2_21:
0x327: {  	_ =	sfence.sel $0x180000  }
0x328: {  	[bflag:$0x0] =	sbarrier.arrive $0xFFFF  }
0x329: {  	_ =	strace $0x90000047  }
0x32a: {  	s0 =	stileid.u32;
	[bflag:$0x2] =	sbarrier.arrive $0xFFFF  }
0x32b: {  	p0 =	sne.s32 s0, $0x0;
	s0 =	rddreg [dreg:$0x4]  }
0x32c: {  	s0 =	sadd.s32 @!p0 $0x100000, s0  }
0x32d: {  	[sflag:s0] =	ssyncadd.tile.s32 @!p0 $0x1;
	_ =	shalt  }
.Lfunc_end2:
_tile_overlayer_lowered:
.L_overlay_start_2:
0x32e: {  	(tag) =	ssettag $0x2  }
0x32f: {  	s0 =	rddreg [dreg:$0x0];
	s2 =	stileid.u32  }
0x330: {  	s1 =	rddreg [dreg:$0x1];
	p0 =	sne.s32 s2, $0x0  }
0x331: {  	s3 =	rddreg [dreg:$0x2];
	[bflag:$0x3] =	sbarrier.arrive $0xFFFF;
	s2 =	simm.s32 @!p0 $0x1C06  }
0x332: {  	[timem:s3], [sflag:s2] =	dma.local @!p0 [hbm:s0], s1  }
0x333: {  	s0 =	simm.s32 @!p0 $0x6  }
0x334: {  	_ =	swait.ge @!p0 [sflag:s0], s1  }
0x335: {  	s1 =	ssub.s32 @!p0 $0x0, s1;
	[sflag:s0] =	ssyncset.done @!p0 $0x0  }
0x336: {  	[sflag:s0] =	ssyncadd.s32 @!p0 s1  }
0x337: {  	[bflag:$0x3] =	sbarrier.arrive $0xFFFF  }
0x338: {  	_ =	shalt  }

</sc_bundles>
